<compile_context>
chip_gen: v7x
topology: tpu7x:2x2x1
jax: 0.10.2.dev20260603
libtpu: 0.0.44.dev20260713+nightly
codegen_flags: <defaults>
</compile_context>

<pallas_src>
import functools
import numpy as np
import jax
import jax.numpy as jnp
from jax.experimental import pallas as pl
from jax.experimental.pallas import tpu as pltpu

B, IN_CH, H, W = 1, 202, 256, 256
NF = 128
N_ITERS = 10
N_SPIX = 2621

_nw = int(np.sqrt(N_SPIX * W / H) + 0.5)
_nh = int(np.sqrt(N_SPIX * H / W) + 0.5)
NW, NH = _nw, _nh
K = NW * NH
WS, HS = W / NW, H / NH

_cx_of_x = np.clip((np.arange(W) / WS).astype(np.int32), 0, NW - 1)
_cy_of_y = np.clip((np.arange(H) / HS).astype(np.int32), 0, NH - 1)
_wx = np.bincount(_cx_of_x, minlength=NW)
_wy = np.bincount(_cy_of_y, minlength=NH)
assert _wx[0] == 6 and np.all(_wx[1:] == 5), _wx
assert _wy[0] == 6 and np.all(_wy[1:] == 5), _wy
SLOT = 6
S = SLOT * SLOT

_mrow = np.zeros((NH, SLOT), np.float32)
for _i in range(NH):
    _mrow[_i, : _wy[_i]] = 1.0
_mcol = np.zeros((NW, SLOT), np.float32)
for _i in range(NW):
    _mcol[_i, : _wx[_i]] = 1.0
MASK_SK = np.einsum('yr,xs->rsyx', _mrow, _mcol).reshape(S, K)

_cyk, _cxk = np.arange(K) // NW, np.arange(K) % NW
VALID_9K = np.zeros((9, K), np.float32)
OFFS = []
_j = 0
for _dy in (-1, 0, 1):
    for _dx in (-1, 0, 1):
        VALID_9K[_j] = (((_cyk + _dy) >= 0) & ((_cyk + _dy) < NH)
                        & ((_cxk + _dx) >= 0) & ((_cxk + _dx) < NW))
        OFFS.append(_dy * NW + _dx)
        _j += 1

_ystart = np.zeros(NH, np.int64)
for _i in range(1, NH):
    _ystart[_i] = _ystart[_i - 1] + _wy[_i - 1]
_xstart = np.zeros(NW, np.int64)
for _i in range(1, NW):
    _xstart[_i] = _xstart[_i - 1] + _wx[_i - 1]
RY = np.zeros((SLOT, NH, H), np.float32)
for _cy in range(NH):
    for _r in range(_wy[_cy]):
        RY[_r, _cy, _ystart[_cy] + _r] = 1.0
RX = np.zeros((SLOT, NW, W), np.float32)
for _cx in range(NW):
    for _r in range(_wx[_cx]):
        RX[_r, _cx, _xstart[_cx] + _r] = 1.0

_yv, _xv = np.meshgrid(np.arange(H, dtype=np.float32),
                       np.arange(W, dtype=np.float32), indexing='ij')
COORDS = np.stack([_xv * NW / W, _yv * NH / H])[None]

C_TOT = NF + 2

_LEAK = 0.01


def _leaky(v):
    return jnp.where(v >= 0, v, _LEAK * v)


PIX = H * W
PBLK = 4096
NPB = PIX // PBLK


def _a1_body(x_ref, w0_ref, b0_ref, w1_ref, b1_ref, w2_ref, b2_ref,
             w3_ref, b3_ref, s1_ref, t2_ref, t3_ref):
    xb = x_ref[...]
    s = _leaky(jnp.dot(w0_ref[...], xb, preferred_element_type=jnp.float32)
               + b0_ref[...])
    s1_ref[...] = _leaky(
        jnp.dot(w1_ref[...], s, preferred_element_type=jnp.float32)
        + b1_ref[...])
    t2_ref[...] = (jnp.dot(w2_ref[...], s, preferred_element_type=jnp.float32)
                   + b2_ref[...])
    t3_ref[...] = (jnp.dot(w3_ref[...], s, preferred_element_type=jnp.float32)
                   + b3_ref[...])


def _run_a1(x2d, w0, b0, w1, b1, w2, b2, w3, b3):
    full = lambda shape: pl.BlockSpec(shape, lambda i: (0, 0))
    return pl.pallas_call(
        _a1_body,
        grid=(NPB,),
        in_specs=[
            pl.BlockSpec((IN_CH, PBLK), lambda i: (0, i)),
            full((NF, IN_CH)), full((NF, 1)),
            full((NF, NF)), full((NF, 1)),
            full((NF, NF)), full((NF, 1)),
            full((NF, NF)), full((NF, 1)),
        ],
        out_specs=[pl.BlockSpec((NF, PBLK), lambda i: (0, i))] * 3,
        out_shape=[jax.ShapeDtypeStruct((NF, PIX), jnp.float32)] * 3,
        compiler_params=pltpu.CompilerParams(
            vmem_limit_bytes=100 * 1024 * 1024),
    )(x2d, w0, b0, w1, b1, w2, b2, w3, b3)


CBLK = 16
NCB = NF // CBLK


def _a2_body(s1_ref, t2_ref, t3_ref, w3x3_ref, b3x3_ref, w5x5_ref, b5x5_ref,
             sig_ref, out_ref, scr3, scr5):
    scr3[...] = jnp.zeros_like(scr3)
    scr5[...] = jnp.zeros_like(scr5)
    scr3[:, 1:H + 1, 1:W + 1] = t2_ref[...]
    scr5[:, 2:H + 2, 2:W + 2] = t3_ref[...]
    cbase = pl.program_id(0) * CBLK
    sig0, sig1, sig2 = sig_ref[0], sig_ref[1], sig_ref[2]

    def cbody(c, carry):
        cg = cbase + c
        acc3 = jnp.zeros((H, W), jnp.float32)
        for u in range(3):
            for v in range(3):
                acc3 = acc3 + scr3[c, u:u + H, v:v + W] * w3x3_ref[cg, u * 3 + v]
        s2c = _leaky(acc3 + b3x3_ref[cg])
        acc5 = jnp.zeros((H, W), jnp.float32)
        for u in range(5):
            for v in range(5):
                acc5 = acc5 + scr5[c, u:u + H, v:v + W] * w5x5_ref[cg, u * 5 + v]
        s3c = _leaky(acc5 + b5x5_ref[cg])
        out_ref[c] = sig0 * s1_ref[c] + sig1 * s2c + sig2 * s3c
        return carry

    jax.lax.fori_loop(0, CBLK, cbody, 0)


def _run_a2(s1, t2, t3, w3x3, b3x3, w5x5, b5x5, sig):
    img = lambda: pl.BlockSpec((CBLK, H, W), lambda i: (i, 0, 0))
    smem = lambda shape: pl.BlockSpec(
        shape, lambda i: tuple(0 for _ in shape), memory_space=pltpu.SMEM)
    return pl.pallas_call(
        _a2_body,
        grid=(NCB,),
        in_specs=[
            img(), img(), img(),
            smem((NF, 9)), smem((NF,)), smem((NF, 25)), smem((NF,)),
            smem((3,)),
        ],
        out_specs=img(),
        out_shape=jax.ShapeDtypeStruct((NF, H, W), jnp.float32),
        scratch_shapes=[
            pltpu.VMEM((CBLK, H + 2, W + 2), jnp.float32),
            pltpu.VMEM((CBLK, H + 4, W + 4), jnp.float32),
        ],
        compiler_params=pltpu.CompilerParams(
            vmem_limit_bytes=100 * 1024 * 1024),
    )(s1, t2, t3, w3x3, b3x3, w5x5, b5x5, sig)


def _shift(v, off):
    if off == 0:
        return v
    if off > 0:
        return jnp.concatenate(
            [v[..., off:], jnp.zeros_like(v[..., :off])], axis=-1)
    return jnp.concatenate(
        [jnp.zeros_like(v[..., off:]), v[..., :off]], axis=-1)


def _b_body(pfp_ref, mask_ref, valid_ref, q_ref, spf_ref):
    mask = mask_ref[...]
    cnt = jnp.sum(mask, axis=0, keepdims=True)
    inv0 = 1.0 / jnp.maximum(cnt, 1.0)

    def init_c(c, carry):
        row = jnp.sum(pfp_ref[c], axis=0, keepdims=True) * inv0
        spf_ref[pl.ds(c, 1), :] = row
        return carry

    jax.lax.fori_loop(0, C_TOT, init_c, 0)

    def one_iter(it, carry):
        def s2_c(c, acc):
            row = spf_ref[pl.ds(c, 1), :]
            return acc + row * row

        s2 = jax.lax.fori_loop(0, C_TOT, s2_c, jnp.zeros((1, K), jnp.float32))

        m = None
        for grp in ((0, 1, 2), (3, 4, 5), (6, 7, 8)):
            def dot_c(c, accs, _grp=grp):
                pc = pfp_ref[c]
                srow = spf_ref[pl.ds(c, 1), :]
                return tuple(accs[i] + pc * _shift(srow, OFFS[_grp[i]])
                             for i in range(3))

            dots = jax.lax.fori_loop(
                0, C_TOT, dot_c,
                tuple(jnp.zeros((S, K), jnp.float32) for _ in range(3)))
            for i, j in enumerate(grp):
                lj = jnp.where(valid_ref[j:j + 1, :] > 0,
                               2.0 * dots[i] - _shift(s2, OFFS[j]), -1e16)
                q_ref[j] = lj
                m = lj if m is None else jnp.maximum(m, lj)

        z = jnp.zeros((S, K), jnp.float32)
        for j in range(9):
            e = jnp.exp(q_ref[j] - m)
            q_ref[j] = e
            z = z + e
        invz = 1.0 / z
        for j in range(9):
            q_ref[j] = q_ref[j] * invz * mask

        den = jnp.zeros((1, K), jnp.float32)
        for j in range(9):
            den = den + _shift(jnp.sum(q_ref[j], axis=0, keepdims=True),
                               -OFFS[j])
        invden = 1.0 / (den + 1e-16)

        def num_c(c, carry2):
            pc = pfp_ref[c]
            row = jnp.zeros((1, K), jnp.float32)
            for j in range(9):
                row = row + _shift(
                    jnp.sum(pc * q_ref[j], axis=0, keepdims=True), -OFFS[j])
            spf_ref[pl.ds(c, 1), :] = row * invden
            return carry2

        jax.lax.fori_loop(0, C_TOT, num_c, 0)
        return carry

    jax.lax.fori_loop(0, N_ITERS, one_iter, 0)


def _run_b(pfp, mask, valid):
    return pl.pallas_call(
        _b_body,
        out_shape=[
            jax.ShapeDtypeStruct((9, S, K), jnp.float32),
            jax.ShapeDtypeStruct((C_TOT, K), jnp.float32),
        ],
        compiler_params=pltpu.CompilerParams(
            vmem_limit_bytes=120 * 1024 * 1024),
    )(pfp, mask, valid)


def _to_slot_cell(img):
    ry = jnp.asarray(RY)
    rx = jnp.asarray(RX)
    t = jnp.einsum('rky,cyx->crkx', ry, img,
                   preferred_element_type=jnp.float32,
                   precision=jax.lax.Precision.HIGH)
    p = jnp.einsum('sqx,crkx->crskq', rx, t,
                   preferred_element_type=jnp.float32,
                   precision=jax.lax.Precision.HIGH)
    return p.reshape(img.shape[0], S, K)


def _from_slot_cell(sc):
    ry = jnp.asarray(RY)
    rx = jnp.asarray(RX)
    p = sc.reshape(sc.shape[0], SLOT, SLOT, NH, NW)
    t = jnp.einsum('jrskq,sqx->jrkx', p, rx,
                   preferred_element_type=jnp.float32,
                   precision=jax.lax.Precision.HIGH)
    return jnp.einsum('jrkx,rky->jyx', t, ry,
                      preferred_element_type=jnp.float32,
                   precision=jax.lax.Precision.HIGH)


@jax.jit
def kernel(x, params):
    f32 = jnp.float32

    def fold(w, g, b):
        w2 = w[:, :, 0, 0]
        return (w2 * g[None, :]).astype(f32), (w2 @ b)[:, None].astype(f32)

    w0, b0 = fold(params['stem_w'], params['stem_bn_g'], params['stem_bn_b'])
    w1, b1 = fold(params['s1_w'], params['s1_bn_g'], params['s1_bn_b'])
    w2, b2 = fold(params['s2_pw_w'], params['s2_bn_g'], params['s2_bn_b'])
    w3, b3 = fold(params['s3_pw_w'], params['s3_bn_g'], params['s3_bn_b'])

    x2d = x.reshape(IN_CH, PIX).astype(f32)
    s1, t2, t3 = _run_a1(x2d, w0, b0, w1, b1, w2, b2, w3, b3)

    w3x3 = params['s2_dw_w'].reshape(NF, 9).astype(f32)
    w5x5 = params['s3_dw_w'].reshape(NF, 25).astype(f32)
    sig = jnp.concatenate([params['sigma0'], params['sigma1'],
                           params['sigma2']]).astype(f32)
    pf_img = _run_a2(s1.reshape(NF, H, W), t2.reshape(NF, H, W),
                     t3.reshape(NF, H, W), w3x3,
                     params['s2_dw_b'].astype(f32), w5x5,
                     params['s3_dw_b'].astype(f32), sig)

    pf130 = jnp.concatenate(
        [pf_img, jnp.asarray(COORDS[0], f32)], axis=0)
    pfp = _to_slot_cell(pf130)

    qp, spf = _run_b(pfp, jnp.asarray(MASK_SK, f32),
                     jnp.asarray(VALID_9K, f32))

    q_img = _from_slot_cell(qp)[None]
    spf_out = spf[None, :NF, :]
    return q_img, spf_out, pf_img[None]

# --- scband reference (transcript-rebuilt; emitter-appended) ---
"""Pipeline reference for scband-ssn-29308856828247 (READ-ONLY COPY).

The authoritative reference and input builder live on the scoring server;
editing this copy changes nothing except your own understanding.
"""

import jax, jax.numpy as jnp
import numpy as np

B, IN_CH, H, W = 1, 202, 256, 256
NF = 128
N_ITERS = 10
N_SPIX = 2621

def _grid():
    nw = int(np.sqrt(N_SPIX * W / H) + 0.5)
    nh = int(np.sqrt(N_SPIX * H / W) + 0.5)
    ws, hs = W / nw, H / nh
    xv, yv = np.meshgrid(np.arange(W), np.arange(H))
    cx = np.clip((xv / ws).astype(np.int32), 0, nw - 1)
    cy = np.clip((yv / hs).astype(np.int32), 0, nh - 1)
    return cy * nw + cx, nw * nh, nw, nh

IDX_MAP, K, NW, NH = _grid()
_cy, _cx = IDX_MAP // NW, IDX_MAP % NW
_nidx, _nval = [], []
for dy in (-1, 0, 1):
    for dx in (-1, 0, 1):
        ny, nx = _cy + dy, _cx + dx
        val = (ny >= 0) & (ny < NH) & (nx >= 0) & (nx < NW)
        ni = np.clip(ny, 0, NH - 1) * NW + np.clip(nx, 0, NW - 1)
        _nidx.append(ni.reshape(-1))
        _nval.append(val.reshape(-1))
NEIGH_IDX = jnp.asarray(np.stack(_nidx).astype(np.int32))
NEIGH_VALID = jnp.asarray(np.stack(_nval).astype(np.float32))
IDX_FLAT = jnp.asarray(IDX_MAP.reshape(-1).astype(np.int32))

def conv2d(x, w, b=None, groups=1, padding=0):
    out = jax.lax.conv_general_dilated(x, w, (1, 1), [(padding, padding), (padding, padding)], dimension_numbers=('NCHW', 'OIHW', 'NCHW'), feature_group_count=groups)
    if b is not None:
        out = out + b[None, :, None, None]
    return out

def bn(x, g, b):
    # eval-mode BatchNorm2d with running_mean=0, running_var=1
    return x * g[None, :, None, None] + b[None, :, None, None]

def feature_extractor(x, p):
    s = jax.nn.leaky_relu(conv2d(bn(x, p['stem_bn_g'], p['stem_bn_b']), p['stem_w']))
    s1 = jax.nn.leaky_relu(conv2d(bn(s, p['s1_bn_g'], p['s1_bn_b']), p['s1_w']))
    t2 = conv2d(bn(s, p['s2_bn_g'], p['s2_bn_b']), p['s2_pw_w'])
    s2 = jax.nn.leaky_relu(conv2d(t2, p['s2_dw_w'], p['s2_dw_b'], groups=NF, padding=1))
    t3 = conv2d(bn(s, p['s3_bn_g'], p['s3_bn_b']), p['s3_pw_w'])
    s3 = jax.nn.leaky_relu(conv2d(t3, p['s3_dw_w'], p['s3_dw_b'], groups=NF, padding=2))
    return p['sigma0'] * s1 + p['sigma1'] * s2 + p['sigma2'] * s3

def feat_cvrter(pf_):
    yv, xv = jnp.meshgrid(jnp.arange(H, dtype=jnp.float32), jnp.arange(W, dtype=jnp.float32), indexing='ij')
    coords = jnp.stack([xv * NW / W, yv * NH / H])
    coords = jnp.broadcast_to(coords[None], (pf_.shape[0], 2, H, W))
    return jnp.concatenate([pf_, coords], axis=1)

def seg_sum(data, idx):
    # data: [B, C, M] scattered into K segments -> [B, C, K]
    Bc, C, M = data.shape
    out = jax.ops.segment_sum(data.reshape(Bc * C, M).T, idx, num_segments=K)
    return out.T.reshape(Bc, C, K)

def init_spixels(pf):
    pf_flat = pf.reshape(pf.shape[0], pf.shape[1], -1)
    s = seg_sum(pf_flat, IDX_FLAT)
    cnt = jax.ops.segment_sum(jnp.ones((H * W,), dtype=pf.dtype), IDX_FLAT, num_segments=K)
    return s / jnp.maximum(cnt, 1.0)[None, None, :]

def calc_neg_dist(pf, spf):
    Bc, C = pf.shape[0], pf.shape[1]
    pf_flat = pf.reshape(Bc, C, -1)
    nds = []
    for j in range(9):
        spf_j = jnp.take(spf, NEIGH_IDX[j], axis=2)
        nd = -jnp.sum((pf_flat - spf_j) ** 2, axis=1)
        nd = jnp.where(NEIGH_VALID[j][None] > 0, nd, -1e16)
        nds.append(nd)
    return jnp.stack(nds, axis=1).reshape(Bc, 9, H, W)

def map_p2sp(pf, Q):
    Bc, C = pf.shape[0], pf.shape[1]
    pf_flat = pf.reshape(Bc, C, -1)
    Qf = Q.reshape(Bc, 9, -1)
    num = jnp.zeros((Bc, C, K), dtype=pf.dtype)
    den = jnp.zeros((Bc, K), dtype=pf.dtype)
    for j in range(9):
        qj = Qf[:, j] * NEIGH_VALID[j][None]
        num = num + seg_sum(pf_flat * qj[:, None, :], NEIGH_IDX[j])
        den = den + jax.ops.segment_sum(qj.T, NEIGH_IDX[j], num_segments=K).T
    return num / (den[:, None, :] + 1e-16)

def ssn_forward(x, params):
    pf_ = feature_extractor(x, params)
    pf = feat_cvrter(pf_)
    spf = init_spixels(jax.lax.stop_gradient(pf))
    Q = None
    for _ in range(N_ITERS):
        Q = jax.nn.softmax(calc_neg_dist(pf, spf), axis=1)
        spf = map_p2sp(pf, Q)
    spf_out = map_p2sp(pf_, Q)
    return Q, spf_out, pf_

def make_params(key):
    ks = jax.random.split(key, 6)
    return {
        'stem_bn_g': jnp.ones((IN_CH,)), 'stem_bn_b': jnp.zeros((IN_CH,)),
        'stem_w': jax.random.normal(ks[0], (NF, IN_CH, 1, 1)) * 0.05,
        's1_bn_g': jnp.ones((NF,)), 's1_bn_b': jnp.zeros((NF,)),
        's1_w': jax.random.normal(ks[1], (NF, NF, 1, 1)) * 0.05,
        's2_bn_g': jnp.ones((NF,)), 's2_bn_b': jnp.zeros((NF,)),
        's2_pw_w': jax.random.normal(ks[2], (NF, NF, 1, 1)) * 0.05,
        's2_dw_w': jax.random.normal(ks[3], (NF, 1, 3, 3)) * 0.1,
        's2_dw_b': jnp.zeros((NF,)),
        's3_bn_g': jnp.ones((NF,)), 's3_bn_b': jnp.zeros((NF,)),
        's3_pw_w': jax.random.normal(ks[4], (NF, NF, 1, 1)) * 0.05,
        's3_dw_w': jax.random.normal(ks[5], (NF, 1, 5, 5)) * 0.1,
        's3_dw_b': jnp.zeros((NF,)),
        'sigma0': jnp.ones((1,)), 'sigma1': jnp.ones((1,)), 'sigma2': jnp.ones((1,)),
    }

def setup_inputs(seed: int = 0):
    key = jax.random.key(seed)
    k1, k2 = jax.random.split(key)
    return {'x': jax.random.normal(k1, (B, IN_CH, H, W), dtype=jnp.float32), 'params': make_params(k2)}

def reference(x, params):
    return ssn_forward(x, params)

if __name__ == "__main__":
    import jax
    _d = setup_inputs()
    print(jax.jit(kernel)(*tuple(_d.values())))

</pallas_src>

<mosaic_0001>
module attributes {stable_mosaic.version = 14 : i64} {
  func.func @_a1_body(%arg0: i32, %arg1: memref<202x4096xf32, #tpu.memory_space<vmem>>, %arg2: memref<128x202xf32, #tpu.memory_space<vmem>>, %arg3: memref<128x1xf32, #tpu.memory_space<vmem>>, %arg4: memref<128x128xf32, #tpu.memory_space<vmem>>, %arg5: memref<128x1xf32, #tpu.memory_space<vmem>>, %arg6: memref<128x128xf32, #tpu.memory_space<vmem>>, %arg7: memref<128x1xf32, #tpu.memory_space<vmem>>, %arg8: memref<128x128xf32, #tpu.memory_space<vmem>>, %arg9: memref<128x1xf32, #tpu.memory_space<vmem>>, %arg10: memref<128x4096xf32, #tpu.memory_space<vmem>>, %arg11: memref<128x4096xf32, #tpu.memory_space<vmem>>, %arg12: memref<128x4096xf32, #tpu.memory_space<vmem>>) attributes {dimension_semantics = [#tpu.dimension_semantics<arbitrary>], iteration_bounds = array<i64: 16>, scalar_prefetch = 0 : i64, scratch_operands = 0 : i64, tpu.core_type = #tpu.core_type<tc>, window_params = [{transform_indices = @transform_0, window_bounds = array<i64: 202, 4096>}, {pipeline_mode = #tpu.pipeline_mode<synchronous>, transform_indices = @transform_1, window_bounds = array<i64: 128, 202>}, {pipeline_mode = #tpu.pipeline_mode<synchronous>, transform_indices = @transform_2, window_bounds = array<i64: 128, 1>}, {pipeline_mode = #tpu.pipeline_mode<synchronous>, transform_indices = @transform_3, window_bounds = array<i64: 128, 128>}, {pipeline_mode = #tpu.pipeline_mode<synchronous>, transform_indices = @transform_4, window_bounds = array<i64: 128, 1>}, {pipeline_mode = #tpu.pipeline_mode<synchronous>, transform_indices = @transform_5, window_bounds = array<i64: 128, 128>}, {pipeline_mode = #tpu.pipeline_mode<synchronous>, transform_indices = @transform_6, window_bounds = array<i64: 128, 1>}, {pipeline_mode = #tpu.pipeline_mode<synchronous>, transform_indices = @transform_7, window_bounds = array<i64: 128, 128>}, {pipeline_mode = #tpu.pipeline_mode<synchronous>, transform_indices = @transform_8, window_bounds = array<i64: 128, 1>}, {transform_indices = @transform_9, window_bounds = array<i64: 128, 4096>}, {transform_indices = @transform_10, window_bounds = array<i64: 128, 4096>}, {transform_indices = @transform_11, window_bounds = array<i64: 128, 4096>}]} {
    %get3A = arith.constant 0 : index
    %get3A_0 = arith.constant 0 : index
    %get3A_1 = vector.load %arg1[%get3A, %get3A_0] : memref<202x4096xf32, #tpu.memory_space<vmem>>, vector<202x4096xf32>
    %get3A_2 = arith.constant 0 : index
    %get3A_3 = arith.constant 0 : index
    %get3A_4 = vector.load %arg2[%get3A_2, %get3A_3] : memref<128x202xf32, #tpu.memory_space<vmem>>, vector<128x202xf32>
    %dot_general3A = arith.constant dense<0.000000e+00> : vector<128x4096xf32>
    %dot_general3A_5 = tpu.matmul %get3A_4, %get3A_1, %dot_general3A {dimension_numbers = #tpu.dot_dimension_numbers<[1], [0], [0], [1], [0, 0, 1, 1], [], []>, transpose_lhs_hint = false} : vector<128x202xf32>, vector<202x4096xf32>, vector<128x4096xf32> -> vector<128x4096xf32>
    %get3A_6 = arith.constant 0 : index
    %get3A_7 = arith.constant 0 : index
    %get3A_8 = vector.load %arg3[%get3A_6, %get3A_7] : memref<128x1xf32, #tpu.memory_space<vmem>>, vector<128x1xf32>
    %add3A = vector.broadcast %get3A_8 : vector<128x1xf32> to vector<128x4096xf32>
    %add3A_9 = arith.addf %dot_general3A_5, %add3A : vector<128x4096xf32>
    %ge3A = arith.constant 0.000000e+00 : f32
    %ge3A_10 = vector.broadcast %ge3A : f32 to vector<128x4096xf32>
    %ge3A_11 = arith.cmpf oge, %add3A_9, %ge3A_10 : vector<128x4096xf32>
    %mul3A = arith.constant 0.00999999977 : f32
    %mul3A_12 = vector.broadcast %mul3A : f32 to vector<128x4096xf32>
    %mul3A_13 = arith.mulf %mul3A_12, %add3A_9 : vector<128x4096xf32>
    %select_n3A = arith.select %ge3A_11, %add3A_9, %mul3A_13 : vector<128x4096xi1>, vector<128x4096xf32>
    %get3A_14 = arith.constant 0 : index
    %get3A_15 = arith.constant 0 : index
    %get3A_16 = vector.load %arg4[%get3A_14, %get3A_15] : memref<128x128xf32, #tpu.memory_space<vmem>>, vector<128x128xf32>
    %dot_general3A_17 = arith.constant dense<0.000000e+00> : vector<128x4096xf32>
    %dot_general3A_18 = tpu.matmul %get3A_16, %select_n3A, %dot_general3A_17 {dimension_numbers = #tpu.dot_dimension_numbers<[1], [0], [0], [1], [0, 0, 1, 1], [], []>, transpose_lhs_hint = false} : vector<128x128xf32>, vector<128x4096xf32>, vector<128x4096xf32> -> vector<128x4096xf32>
    %get3A_19 = arith.constant 0 : index
    %get3A_20 = arith.constant 0 : index
    %get3A_21 = vector.load %arg5[%get3A_19, %get3A_20] : memref<128x1xf32, #tpu.memory_space<vmem>>, vector<128x1xf32>
    %add3A_22 = vector.broadcast %get3A_21 : vector<128x1xf32> to vector<128x4096xf32>
    %add3A_23 = arith.addf %dot_general3A_18, %add3A_22 : vector<128x4096xf32>
    %ge3A_24 = arith.constant 0.000000e+00 : f32
    %ge3A_25 = vector.broadcast %ge3A_24 : f32 to vector<128x4096xf32>
    %ge3A_26 = arith.cmpf oge, %add3A_23, %ge3A_25 : vector<128x4096xf32>
    %mul3A_27 = arith.constant 0.00999999977 : f32
    %mul3A_28 = vector.broadcast %mul3A_27 : f32 to vector<128x4096xf32>
    %mul3A_29 = arith.mulf %mul3A_28, %add3A_23 : vector<128x4096xf32>
    %select_n3A_30 = arith.select %ge3A_26, %add3A_23, %mul3A_29 : vector<128x4096xi1>, vector<128x4096xf32>
    %swap3A = arith.constant 0 : index
    %swap3A_31 = arith.constant 0 : index
    %swap3A_32 = vector.load %arg10[%swap3A, %swap3A_31] : memref<128x4096xf32, #tpu.memory_space<vmem>>, vector<128x4096xf32>
    tpu.vector_store %arg10[%swap3A, %swap3A_31], %select_n3A_30 {strides = array<i32>} : memref<128x4096xf32, #tpu.memory_space<vmem>>, vector<128x4096xf32>,
    %get3A_33 = arith.constant 0 : index
    %get3A_34 = arith.constant 0 : index
    %get3A_35 = vector.load %arg6[%get3A_33, %get3A_34] : memref<128x128xf32, #tpu.memory_space<vmem>>, vector<128x128xf32>
    %dot_general3A_36 = arith.constant dense<0.000000e+00> : vector<128x4096xf32>
    %dot_general3A_37 = tpu.matmul %get3A_35, %select_n3A, %dot_general3A_36 {dimension_numbers = #tpu.dot_dimension_numbers<[1], [0], [0], [1], [0, 0, 1, 1], [], []>, transpose_lhs_hint = false} : vector<128x128xf32>, vector<128x4096xf32>, vector<128x4096xf32> -> vector<128x4096xf32>
    %get3A_38 = arith.constant 0 : index
    %get3A_39 = arith.constant 0 : index
    %get3A_40 = vector.load %arg7[%get3A_38, %get3A_39] : memref<128x1xf32, #tpu.memory_space<vmem>>, vector<128x1xf32>
    %add3A_41 = vector.broadcast %get3A_40 : vector<128x1xf32> to vector<128x4096xf32>
    %add3A_42 = arith.addf %dot_general3A_37, %add3A_41 : vector<128x4096xf32>
    %swap3A_43 = arith.constant 0 : index
    %swap3A_44 = arith.constant 0 : index
    %swap3A_45 = vector.load %arg11[%swap3A_43, %swap3A_44] : memref<128x4096xf32, #tpu.memory_space<vmem>>, vector<128x4096xf32>
    tpu.vector_store %arg11[%swap3A_43, %swap3A_44], %add3A_42 {strides = array<i32>} : memref<128x4096xf32, #tpu.memory_space<vmem>>, vector<128x4096xf32>,
    %get3A_46 = arith.constant 0 : index
    %get3A_47 = arith.constant 0 : index
    %get3A_48 = vector.load %arg8[%get3A_46, %get3A_47] : memref<128x128xf32, #tpu.memory_space<vmem>>, vector<128x128xf32>
    %dot_general3A_49 = arith.constant dense<0.000000e+00> : vector<128x4096xf32>
    %dot_general3A_50 = tpu.matmul %get3A_48, %select_n3A, %dot_general3A_49 {dimension_numbers = #tpu.dot_dimension_numbers<[1], [0], [0], [1], [0, 0, 1, 1], [], []>, transpose_lhs_hint = false} : vector<128x128xf32>, vector<128x4096xf32>, vector<128x4096xf32> -> vector<128x4096xf32>
    %get3A_51 = arith.constant 0 : index
    %get3A_52 = arith.constant 0 : index
    %get3A_53 = vector.load %arg9[%get3A_51, %get3A_52] : memref<128x1xf32, #tpu.memory_space<vmem>>, vector<128x1xf32>
    %add3A_54 = vector.broadcast %get3A_53 : vector<128x1xf32> to vector<128x4096xf32>
    %add3A_55 = arith.addf %dot_general3A_50, %add3A_54 : vector<128x4096xf32>
    %swap3A_56 = arith.constant 0 : index
    %swap3A_57 = arith.constant 0 : index
    %swap3A_58 = vector.load %arg12[%swap3A_56, %swap3A_57] : memref<128x4096xf32, #tpu.memory_space<vmem>>, vector<128x4096xf32>
    tpu.vector_store %arg12[%swap3A_56, %swap3A_57], %add3A_55 {strides = array<i32>} : memref<128x4096xf32, #tpu.memory_space<vmem>>, vector<128x4096xf32>,
    return
  }
  func.func @transform_0(%arg0: i32) -> (i32, i32) {
    %c0_i32 = arith.constant 0 : i32
    %c0_i32_0 = arith.constant 0 : i32
    return %c0_i32, %arg0 : i32, i32
  }
  func.func @transform_1(%arg0: i32) -> (i32, i32) {
    %c0_i32 = arith.constant 0 : i32
    %c0_i32_0 = arith.constant 0 : i32
    %c0_i32_1 = arith.constant 0 : i32
    return %c0_i32, %c0_i32_0 : i32, i32
  }
  func.func @transform_2(%arg0: i32) -> (i32, i32) {
    %c0_i32 = arith.constant 0 : i32
    %c0_i32_0 = arith.constant 0 : i32
    %c0_i32_1 = arith.constant 0 : i32
    return %c0_i32, %c0_i32_0 : i32, i32
  }
  func.func @transform_3(%arg0: i32) -> (i32, i32) {
    %c0_i32 = arith.constant 0 : i32
    %c0_i32_0 = arith.constant 0 : i32
    %c0_i32_1 = arith.constant 0 : i32
    return %c0_i32, %c0_i32_0 : i32, i32
  }
  func.func @transform_4(%arg0: i32) -> (i32, i32) {
    %c0_i32 = arith.constant 0 : i32
    %c0_i32_0 = arith.constant 0 : i32
    %c0_i32_1 = arith.constant 0 : i32
    return %c0_i32, %c0_i32_0 : i32, i32
  }
  func.func @transform_5(%arg0: i32) -> (i32, i32) {
    %c0_i32 = arith.constant 0 : i32
    %c0_i32_0 = arith.constant 0 : i32
    %c0_i32_1 = arith.constant 0 : i32
    return %c0_i32, %c0_i32_0 : i32, i32
  }
  func.func @transform_6(%arg0: i32) -> (i32, i32) {
    %c0_i32 = arith.constant 0 : i32
    %c0_i32_0 = arith.constant 0 : i32
    %c0_i32_1 = arith.constant 0 : i32
    return %c0_i32, %c0_i32_0 : i32, i32
  }
  func.func @transform_7(%arg0: i32) -> (i32, i32) {
    %c0_i32 = arith.constant 0 : i32
    %c0_i32_0 = arith.constant 0 : i32
    %c0_i32_1 = arith.constant 0 : i32
    return %c0_i32, %c0_i32_0 : i32, i32
  }
  func.func @transform_8(%arg0: i32) -> (i32, i32) {
    %c0_i32 = arith.constant 0 : i32
    %c0_i32_0 = arith.constant 0 : i32
    %c0_i32_1 = arith.constant 0 : i32
    return %c0_i32, %c0_i32_0 : i32, i32
  }
  func.func @transform_9(%arg0: i32) -> (i32, i32) {
    %c0_i32 = arith.constant 0 : i32
    %c0_i32_0 = arith.constant 0 : i32
    return %c0_i32, %arg0 : i32, i32
  }
  func.func @transform_10(%arg0: i32) -> (i32, i32) {
    %c0_i32 = arith.constant 0 : i32
    %c0_i32_0 = arith.constant 0 : i32
    return %c0_i32, %arg0 : i32, i32
  }
  func.func @transform_11(%arg0: i32) -> (i32, i32) {
    %c0_i32 = arith.constant 0 : i32
    %c0_i32_0 = arith.constant 0 : i32
    return %c0_i32, %arg0 : i32, i32
  }
}

module attributes {stable_mosaic.version = 14 : i64} {
  func.func @_a2_body(%arg0: i32, %arg1: memref<16x256x256xf32, #tpu.memory_space<vmem>>, %arg2: memref<16x256x256xf32, #tpu.memory_space<vmem>>, %arg3: memref<16x256x256xf32, #tpu.memory_space<vmem>>, %arg4: memref<128x9xf32, #tpu.memory_space<smem>>, %arg5: memref<128xf32, #tpu.memory_space<smem>>, %arg6: memref<128x25xf32, #tpu.memory_space<smem>>, %arg7: memref<128xf32, #tpu.memory_space<smem>>, %arg8: memref<3xf32, #tpu.memory_space<smem>>, %arg9: memref<16x256x256xf32, #tpu.memory_space<vmem>>, %arg10: memref<16x258x258xf32, #tpu.memory_space<vmem>>, %arg11: memref<16x260x260xf32, #tpu.memory_space<vmem>>) attributes {dimension_semantics = [#tpu.dimension_semantics<arbitrary>], iteration_bounds = array<i64: 8>, scalar_prefetch = 0 : i64, scratch_operands = 2 : i64, tpu.core_type = #tpu.core_type<tc>, window_params = [{transform_indices = @transform_0, window_bounds = array<i64: 16, 256, 256>}, {transform_indices = @transform_1, window_bounds = array<i64: 16, 256, 256>}, {transform_indices = @transform_2, window_bounds = array<i64: 16, 256, 256>}, {transform_indices = @transform_3, window_bounds = array<i64: 128, 9>}, {transform_indices = @transform_4, window_bounds = array<i64: 128>}, {transform_indices = @transform_5, window_bounds = array<i64: 128, 25>}, {transform_indices = @transform_6, window_bounds = array<i64: 128>}, {transform_indices = @transform_7, window_bounds = array<i64: 3>}, {transform_indices = @transform_8, window_bounds = array<i64: 16, 256, 256>}]} {
    %broadcast_in_dim3A = arith.constant 0.000000e+00 : f32
    %broadcast_in_dim3A_0 = vector.broadcast %broadcast_in_dim3A : f32 to vector<16x258x258xf32>
    %swap3A = arith.constant 0 : index
    %swap3A_1 = arith.constant 0 : index
    %swap3A_2 = arith.constant 0 : index
    %swap3A_3 = vector.load %arg10[%swap3A, %swap3A_1, %swap3A_2] : memref<16x258x258xf32, #tpu.memory_space<vmem>>, vector<16x258x258xf32>
    tpu.vector_store %arg10[%swap3A, %swap3A_1, %swap3A_2], %broadcast_in_dim3A_0 {strides = array<i32>} : memref<16x258x258xf32, #tpu.memory_space<vmem>>, vector<16x258x258xf32>,
    %broadcast_in_dim3A_4 = arith.constant 0.000000e+00 : f32
    %broadcast_in_dim3A_5 = vector.broadcast %broadcast_in_dim3A_4 : f32 to vector<16x260x260xf32>
    %swap3A_6 = arith.constant 0 : index
    %swap3A_7 = arith.constant 0 : index
    %swap3A_8 = arith.constant 0 : index
    %swap3A_9 = vector.load %arg11[%swap3A_6, %swap3A_7, %swap3A_8] : memref<16x260x260xf32, #tpu.memory_space<vmem>>, vector<16x260x260xf32>
    tpu.vector_store %arg11[%swap3A_6, %swap3A_7, %swap3A_8], %broadcast_in_dim3A_5 {strides = array<i32>} : memref<16x260x260xf32, #tpu.memory_space<vmem>>, vector<16x260x260xf32>,
    %get3A = arith.constant 0 : index
    %get3A_10 = arith.constant 0 : index
    %get3A_11 = arith.constant 0 : index
    %get3A_12 = vector.load %arg2[%get3A, %get3A_10, %get3A_11] : memref<16x256x256xf32, #tpu.memory_space<vmem>>, vector<16x256x256xf32>
    %swap3A_13 = arith.constant 0 : index
    %swap3A_14 = arith.constant 1 : index
    %swap3A_15 = arith.constant 1 : index
    %swap3A_16 = vector.load %arg10[%swap3A_13, %swap3A_14, %swap3A_15] : memref<16x258x258xf32, #tpu.memory_space<vmem>>, vector<16x256x256xf32>
    tpu.vector_store %arg10[%swap3A_13, %swap3A_14, %swap3A_15], %get3A_12 {strides = array<i32>} : memref<16x258x258xf32, #tpu.memory_space<vmem>>, vector<16x256x256xf32>,
    %get3A_17 = arith.constant 0 : index
    %get3A_18 = arith.constant 0 : index
    %get3A_19 = arith.constant 0 : index
    %get3A_20 = vector.load %arg3[%get3A_17, %get3A_18, %get3A_19] : memref<16x256x256xf32, #tpu.memory_space<vmem>>, vector<16x256x256xf32>
    %swap3A_21 = arith.constant 0 : index
    %swap3A_22 = arith.constant 2 : index
    %swap3A_23 = arith.constant 2 : index
    %swap3A_24 = vector.load %arg11[%swap3A_21, %swap3A_22, %swap3A_23] : memref<16x260x260xf32, #tpu.memory_space<vmem>>, vector<16x256x256xf32>
    tpu.vector_store %arg11[%swap3A_21, %swap3A_22, %swap3A_23], %get3A_20 {strides = array<i32>} : memref<16x260x260xf32, #tpu.memory_space<vmem>>, vector<16x256x256xf32>,
    %mul3A = arith.constant 16 : i32
    %mul3A_25 = arith.muli %arg0, %mul3A : i32
    %get3A_26 = arith.constant 0 : index
    %get3A_27 = memref.load %arg8[%get3A_26] : memref<3xf32, #tpu.memory_space<smem>>
    %get3A_28 = arith.constant 1 : index
    %get3A_29 = memref.load %arg8[%get3A_28] : memref<3xf32, #tpu.memory_space<smem>>
    %get3A_30 = arith.constant 2 : index
    %get3A_31 = memref.load %arg8[%get3A_30] : memref<3xf32, #tpu.memory_space<smem>>
    %scan3A = arith.constant 0 : i32
    %scan3A_32 = arith.constant 16 : i32
    %scan3A_33 = arith.addi %scan3A, %scan3A_32 : i32
    %scan3A_34 = arith.constant 1 : i32
    scf.for %scan3A_36 = %scan3A to %scan3A_33 step %scan3A_34  : i32 {
      %add3A = arith.addi %mul3A_25, %scan3A_36 : i32
      %broadcast_in_dim3A_37 = arith.constant 0.000000e+00 : f32
      %broadcast_in_dim3A_38 = vector.broadcast %broadcast_in_dim3A_37 : f32 to vector<256x256xf32>
      %get3A_39 = arith.index_cast %scan3A_36 : i32 to index
      %get3A_40 = arith.constant 0 : index
      %get3A_41 = arith.constant 0 : index
      %get3A_42 = vector.load %arg10[%get3A_39, %get3A_40, %get3A_41] : memref<16x258x258xf32, #tpu.memory_space<vmem>>, vector<1x256x256xf32>
      %get3A_43 = vector.shape_cast %get3A_42 : vector<1x256x256xf32> to vector<256x256xf32>
      %get3A_44 = arith.index_cast %add3A : i32 to index
      %get3A_45 = arith.constant 0 : index
      %get3A_46 = memref.load %arg4[%get3A_44, %get3A_45] : memref<128x9xf32, #tpu.memory_space<smem>>
      %mul3A_47 = vector.broadcast %get3A_46 : f32 to vector<256x256xf32>
      %mul3A_48 = arith.mulf %get3A_43, %mul3A_47 : vector<256x256xf32>
      %add3A_49 = arith.addf %broadcast_in_dim3A_38, %mul3A_48 : vector<256x256xf32>
      %get3A_50 = arith.index_cast %scan3A_36 : i32 to index
      %get3A_51 = arith.constant 0 : index
      %get3A_52 = arith.constant 1 : index
      %get3A_53 = vector.load %arg10[%get3A_50, %get3A_51, %get3A_52] : memref<16x258x258xf32, #tpu.memory_space<vmem>>, vector<1x256x256xf32>
      %get3A_54 = vector.shape_cast %get3A_53 : vector<1x256x256xf32> to vector<256x256xf32>
      %get3A_55 = arith.index_cast %add3A : i32 to index
      %get3A_56 = arith.constant 1 : index
      %get3A_57 = memref.load %arg4[%get3A_55, %get3A_56] : memref<128x9xf32, #tpu.memory_space<smem>>
      %mul3A_58 = vector.broadcast %get3A_57 : f32 to vector<256x256xf32>
      %mul3A_59 = arith.mulf %get3A_54, %mul3A_58 : vector<256x256xf32>
      %add3A_60 = arith.addf %add3A_49, %mul3A_59 : vector<256x256xf32>
      %get3A_61 = arith.index_cast %scan3A_36 : i32 to index
      %get3A_62 = arith.constant 0 : index
      %get3A_63 = arith.constant 2 : index
      %get3A_64 = vector.load %arg10[%get3A_61, %get3A_62, %get3A_63] : memref<16x258x258xf32, #tpu.memory_space<vmem>>, vector<1x256x256xf32>
      %get3A_65 = vector.shape_cast %get3A_64 : vector<1x256x256xf32> to vector<256x256xf32>
      %get3A_66 = arith.index_cast %add3A : i32 to index
      %get3A_67 = arith.constant 2 : index
      %get3A_68 = memref.load %arg4[%get3A_66, %get3A_67] : memref<128x9xf32, #tpu.memory_space<smem>>
      %mul3A_69 = vector.broadcast %get3A_68 : f32 to vector<256x256xf32>
      %mul3A_70 = arith.mulf %get3A_65, %mul3A_69 : vector<256x256xf32>
      %add3A_71 = arith.addf %add3A_60, %mul3A_70 : vector<256x256xf32>
      %get3A_72 = arith.index_cast %scan3A_36 : i32 to index
      %get3A_73 = arith.constant 1 : index
      %get3A_74 = arith.constant 0 : index
      %get3A_75 = vector.load %arg10[%get3A_72, %get3A_73, %get3A_74] : memref<16x258x258xf32, #tpu.memory_space<vmem>>, vector<1x256x256xf32>
      %get3A_76 = vector.shape_cast %get3A_75 : vector<1x256x256xf32> to vector<256x256xf32>
      %get3A_77 = arith.index_cast %add3A : i32 to index
      %get3A_78 = arith.constant 3 : index
      %get3A_79 = memref.load %arg4[%get3A_77, %get3A_78] : memref<128x9xf32, #tpu.memory_space<smem>>
      %mul3A_80 = vector.broadcast %get3A_79 : f32 to vector<256x256xf32>
      %mul3A_81 = arith.mulf %get3A_76, %mul3A_80 : vector<256x256xf32>
      %add3A_82 = arith.addf %add3A_71, %mul3A_81 : vector<256x256xf32>
      %get3A_83 = arith.index_cast %scan3A_36 : i32 to index
      %get3A_84 = arith.constant 1 : index
      %get3A_85 = arith.constant 1 : index
      %get3A_86 = vector.load %arg10[%get3A_83, %get3A_84, %get3A_85] : memref<16x258x258xf32, #tpu.memory_space<vmem>>, vector<1x256x256xf32>
      %get3A_87 = vector.shape_cast %get3A_86 : vector<1x256x256xf32> to vector<256x256xf32>
      %get3A_88 = arith.index_cast %add3A : i32 to index
      %get3A_89 = arith.constant 4 : index
      %get3A_90 = memref.load %arg4[%get3A_88, %get3A_89] : memref<128x9xf32, #tpu.memory_space<smem>>
      %mul3A_91 = vector.broadcast %get3A_90 : f32 to vector<256x256xf32>
      %mul3A_92 = arith.mulf %get3A_87, %mul3A_91 : vector<256x256xf32>
      %add3A_93 = arith.addf %add3A_82, %mul3A_92 : vector<256x256xf32>
      %get3A_94 = arith.index_cast %scan3A_36 : i32 to index
      %get3A_95 = arith.constant 1 : index
      %get3A_96 = arith.constant 2 : index
      %get3A_97 = vector.load %arg10[%get3A_94, %get3A_95, %get3A_96] : memref<16x258x258xf32, #tpu.memory_space<vmem>>, vector<1x256x256xf32>
      %get3A_98 = vector.shape_cast %get3A_97 : vector<1x256x256xf32> to vector<256x256xf32>
      %get3A_99 = arith.index_cast %add3A : i32 to index
      %get3A_100 = arith.constant 5 : index
      %get3A_101 = memref.load %arg4[%get3A_99, %get3A_100] : memref<128x9xf32, #tpu.memory_space<smem>>
      %mul3A_102 = vector.broadcast %get3A_101 : f32 to vector<256x256xf32>
      %mul3A_103 = arith.mulf %get3A_98, %mul3A_102 : vector<256x256xf32>
      %add3A_104 = arith.addf %add3A_93, %mul3A_103 : vector<256x256xf32>
      %get3A_105 = arith.index_cast %scan3A_36 : i32 to index
      %get3A_106 = arith.constant 2 : index
      %get3A_107 = arith.constant 0 : index
      %get3A_108 = vector.load %arg10[%get3A_105, %get3A_106, %get3A_107] : memref<16x258x258xf32, #tpu.memory_space<vmem>>, vector<1x256x256xf32>
      %get3A_109 = vector.shape_cast %get3A_108 : vector<1x256x256xf32> to vector<256x256xf32>
      %get3A_110 = arith.index_cast %add3A : i32 to index
      %get3A_111 = arith.constant 6 : index
      %get3A_112 = memref.load %arg4[%get3A_110, %get3A_111] : memref<128x9xf32, #tpu.memory_space<smem>>
      %mul3A_113 = vector.broadcast %get3A_112 : f32 to vector<256x256xf32>
      %mul3A_114 = arith.mulf %get3A_109, %mul3A_113 : vector<256x256xf32>
      %add3A_115 = arith.addf %add3A_104, %mul3A_114 : vector<256x256xf32>
      %get3A_116 = arith.index_cast %scan3A_36 : i32 to index
      %get3A_117 = arith.constant 2 : index
      %get3A_118 = arith.constant 1 : index
      %get3A_119 = vector.load %arg10[%get3A_116, %get3A_117, %get3A_118] : memref<16x258x258xf32, #tpu.memory_space<vmem>>, vector<1x256x256xf32>
      %get3A_120 = vector.shape_cast %get3A_119 : vector<1x256x256xf32> to vector<256x256xf32>
      %get3A_121 = arith.index_cast %add3A : i32 to index
      %get3A_122 = arith.constant 7 : index
      %get3A_123 = memref.load %arg4[%get3A_121, %get3A_122] : memref<128x9xf32, #tpu.memory_space<smem>>
      %mul3A_124 = vector.broadcast %get3A_123 : f32 to vector<256x256xf32>
      %mul3A_125 = arith.mulf %get3A_120, %mul3A_124 : vector<256x256xf32>
      %add3A_126 = arith.addf %add3A_115, %mul3A_125 : vector<256x256xf32>
      %get3A_127 = arith.index_cast %scan3A_36 : i32 to index
      %get3A_128 = arith.constant 2 : index
      %get3A_129 = arith.constant 2 : index
      %get3A_130 = vector.load %arg10[%get3A_127, %get3A_128, %get3A_129] : memref<16x258x258xf32, #tpu.memory_space<vmem>>, vector<1x256x256xf32>
      %get3A_131 = vector.shape_cast %get3A_130 : vector<1x256x256xf32> to vector<256x256xf32>
      %get3A_132 = arith.index_cast %add3A : i32 to index
      %get3A_133 = arith.constant 8 : index
      %get3A_134 = memref.load %arg4[%get3A_132, %get3A_133] : memref<128x9xf32, #tpu.memory_space<smem>>
      %mul3A_135 = vector.broadcast %get3A_134 : f32 to vector<256x256xf32>
      %mul3A_136 = arith.mulf %get3A_131, %mul3A_135 : vector<256x256xf32>
      %add3A_137 = arith.addf %add3A_126, %mul3A_136 : vector<256x256xf32>
      %get3A_138 = arith.index_cast %add3A : i32 to index
      %get3A_139 = memref.load %arg5[%get3A_138] : memref<128xf32, #tpu.memory_space<smem>>
      %add3A_140 = vector.broadcast %get3A_139 : f32 to vector<256x256xf32>
      %add3A_141 = arith.addf %add3A_137, %add3A_140 : vector<256x256xf32>
      %ge3A = arith.constant 0.000000e+00 : f32
      %ge3A_142 = vector.broadcast %ge3A : f32 to vector<256x256xf32>
      %ge3A_143 = arith.cmpf oge, %add3A_141, %ge3A_142 : vector<256x256xf32>
      %mul3A_144 = arith.constant 0.00999999977 : f32
      %mul3A_145 = vector.broadcast %mul3A_144 : f32 to vector<256x256xf32>
      %mul3A_146 = arith.mulf %mul3A_145, %add3A_141 : vector<256x256xf32>
      %select_n3A = arith.select %ge3A_143, %add3A_141, %mul3A_146 : vector<256x256xi1>, vector<256x256xf32>
      %broadcast_in_dim3A_147 = arith.constant 0.000000e+00 : f32
      %broadcast_in_dim3A_148 = vector.broadcast %broadcast_in_dim3A_147 : f32 to vector<256x256xf32>
      %get3A_149 = arith.index_cast %scan3A_36 : i32 to index
      %get3A_150 = arith.constant 0 : index
      %get3A_151 = arith.constant 0 : index
      %get3A_152 = vector.load %arg11[%get3A_149, %get3A_150, %get3A_151] : memref<16x260x260xf32, #tpu.memory_space<vmem>>, vector<1x256x256xf32>
      %get3A_153 = vector.shape_cast %get3A_152 : vector<1x256x256xf32> to vector<256x256xf32>
      %get3A_154 = arith.index_cast %add3A : i32 to index
      %get3A_155 = arith.constant 0 : index
      %get3A_156 = memref.load %arg6[%get3A_154, %get3A_155] : memref<128x25xf32, #tpu.memory_space<smem>>
      %mul3A_157 = vector.broadcast %get3A_156 : f32 to vector<256x256xf32>
      %mul3A_158 = arith.mulf %get3A_153, %mul3A_157 : vector<256x256xf32>
      %add3A_159 = arith.addf %broadcast_in_dim3A_148, %mul3A_158 : vector<256x256xf32>
      %get3A_160 = arith.index_cast %scan3A_36 : i32 to index
      %get3A_161 = arith.constant 0 : index
      %get3A_162 = arith.constant 1 : index
      %get3A_163 = vector.load %arg11[%get3A_160, %get3A_161, %get3A_162] : memref<16x260x260xf32, #tpu.memory_space<vmem>>, vector<1x256x256xf32>
      %get3A_164 = vector.shape_cast %get3A_163 : vector<1x256x256xf32> to vector<256x256xf32>
      %get3A_165 = arith.index_cast %add3A : i32 to index
      %get3A_166 = arith.constant 1 : index
      %get3A_167 = memref.load %arg6[%get3A_165, %get3A_166] : memref<128x25xf32, #tpu.memory_space<smem>>
      %mul3A_168 = vector.broadcast %get3A_167 : f32 to vector<256x256xf32>
      %mul3A_169 = arith.mulf %get3A_164, %mul3A_168 : vector<256x256xf32>
      %add3A_170 = arith.addf %add3A_159, %mul3A_169 : vector<256x256xf32>
      %get3A_171 = arith.index_cast %scan3A_36 : i32 to index
      %get3A_172 = arith.constant 0 : index
      %get3A_173 = arith.constant 2 : index
      %get3A_174 = vector.load %arg11[%get3A_171, %get3A_172, %get3A_173] : memref<16x260x260xf32, #tpu.memory_space<vmem>>, vector<1x256x256xf32>
      %get3A_175 = vector.shape_cast %get3A_174 : vector<1x256x256xf32> to vector<256x256xf32>
      %get3A_176 = arith.index_cast %add3A : i32 to index
      %get3A_177 = arith.constant 2 : index
      %get3A_178 = memref.load %arg6[%get3A_176, %get3A_177] : memref<128x25xf32, #tpu.memory_space<smem>>
      %mul3A_179 = vector.broadcast %get3A_178 : f32 to vector<256x256xf32>
      %mul3A_180 = arith.mulf %get3A_175, %mul3A_179 : vector<256x256xf32>
      %add3A_181 = arith.addf %add3A_170, %mul3A_180 : vector<256x256xf32>
      %get3A_182 = arith.index_cast %scan3A_36 : i32 to index
      %get3A_183 = arith.constant 0 : index
      %get3A_184 = arith.constant 3 : index
      %get3A_185 = vector.load %arg11[%get3A_182, %get3A_183, %get3A_184] : memref<16x260x260xf32, #tpu.memory_space<vmem>>, vector<1x256x256xf32>
      %get3A_186 = vector.shape_cast %get3A_185 : vector<1x256x256xf32> to vector<256x256xf32>
      %get3A_187 = arith.index_cast %add3A : i32 to index
      %get3A_188 = arith.constant 3 : index
      %get3A_189 = memref.load %arg6[%get3A_187, %get3A_188] : memref<128x25xf32, #tpu.memory_space<smem>>
      %mul3A_190 = vector.broadcast %get3A_189 : f32 to vector<256x256xf32>
      %mul3A_191 = arith.mulf %get3A_186, %mul3A_190 : vector<256x256xf32>
      %add3A_192 = arith.addf %add3A_181, %mul3A_191 : vector<256x256xf32>
      %get3A_193 = arith.index_cast %scan3A_36 : i32 to index
      %get3A_194 = arith.constant 0 : index
      %get3A_195 = arith.constant 4 : index
      %get3A_196 = vector.load %arg11[%get3A_193, %get3A_194, %get3A_195] : memref<16x260x260xf32, #tpu.memory_space<vmem>>, vector<1x256x256xf32>
      %get3A_197 = vector.shape_cast %get3A_196 : vector<1x256x256xf32> to vector<256x256xf32>
      %get3A_198 = arith.index_cast %add3A : i32 to index
      %get3A_199 = arith.constant 4 : index
      %get3A_200 = memref.load %arg6[%get3A_198, %get3A_199] : memref<128x25xf32, #tpu.memory_space<smem>>
      %mul3A_201 = vector.broadcast %get3A_200 : f32 to vector<256x256xf32>
      %mul3A_202 = arith.mulf %get3A_197, %mul3A_201 : vector<256x256xf32>
      %add3A_203 = arith.addf %add3A_192, %mul3A_202 : vector<256x256xf32>
      %get3A_204 = arith.index_cast %scan3A_36 : i32 to index
      %get3A_205 = arith.constant 1 : index
      %get3A_206 = arith.constant 0 : index
      %get3A_207 = vector.load %arg11[%get3A_204, %get3A_205, %get3A_206] : memref<16x260x260xf32, #tpu.memory_space<vmem>>, vector<1x256x256xf32>
      %get3A_208 = vector.shape_cast %get3A_207 : vector<1x256x256xf32> to vector<256x256xf32>
      %get3A_209 = arith.index_cast %add3A : i32 to index
      %get3A_210 = arith.constant 5 : index
      %get3A_211 = memref.load %arg6[%get3A_209, %get3A_210] : memref<128x25xf32, #tpu.memory_space<smem>>
      %mul3A_212 = vector.broadcast %get3A_211 : f32 to vector<256x256xf32>
      %mul3A_213 = arith.mulf %get3A_208, %mul3A_212 : vector<256x256xf32>
      %add3A_214 = arith.addf %add3A_203, %mul3A_213 : vector<256x256xf32>
      %get3A_215 = arith.index_cast %scan3A_36 : i32 to index
      %get3A_216 = arith.constant 1 : index
      %get3A_217 = arith.constant 1 : index
      %get3A_218 = vector.load %arg11[%get3A_215, %get3A_216, %get3A_217] : memref<16x260x260xf32, #tpu.memory_space<vmem>>, vector<1x256x256xf32>
      %get3A_219 = vector.shape_cast %get3A_218 : vector<1x256x256xf32> to vector<256x256xf32>
      %get3A_220 = arith.index_cast %add3A : i32 to index
      %get3A_221 = arith.constant 6 : index
      %get3A_222 = memref.load %arg6[%get3A_220, %get3A_221] : memref<128x25xf32, #tpu.memory_space<smem>>
      %mul3A_223 = vector.broadcast %get3A_222 : f32 to vector<256x256xf32>
      %mul3A_224 = arith.mulf %get3A_219, %mul3A_223 : vector<256x256xf32>
      %add3A_225 = arith.addf %add3A_214, %mul3A_224 : vector<256x256xf32>
      %get3A_226 = arith.index_cast %scan3A_36 : i32 to index
      %get3A_227 = arith.constant 1 : index
      %get3A_228 = arith.constant 2 : index
      %get3A_229 = vector.load %arg11[%get3A_226, %get3A_227, %get3A_228] : memref<16x260x260xf32, #tpu.memory_space<vmem>>, vector<1x256x256xf32>
      %get3A_230 = vector.shape_cast %get3A_229 : vector<1x256x256xf32> to vector<256x256xf32>
      %get3A_231 = arith.index_cast %add3A : i32 to index
      %get3A_232 = arith.constant 7 : index
      %get3A_233 = memref.load %arg6[%get3A_231, %get3A_232] : memref<128x25xf32, #tpu.memory_space<smem>>
      %mul3A_234 = vector.broadcast %get3A_233 : f32 to vector<256x256xf32>
      %mul3A_235 = arith.mulf %get3A_230, %mul3A_234 : vector<256x256xf32>
      %add3A_236 = arith.addf %add3A_225, %mul3A_235 : vector<256x256xf32>
      %get3A_237 = arith.index_cast %scan3A_36 : i32 to index
      %get3A_238 = arith.constant 1 : index
      %get3A_239 = arith.constant 3 : index
      %get3A_240 = vector.load %arg11[%get3A_237, %get3A_238, %get3A_239] : memref<16x260x260xf32, #tpu.memory_space<vmem>>, vector<1x256x256xf32>
      %get3A_241 = vector.shape_cast %get3A_240 : vector<1x256x256xf32> to vector<256x256xf32>
      %get3A_242 = arith.index_cast %add3A : i32 to index
      %get3A_243 = arith.constant 8 : index
      %get3A_244 = memref.load %arg6[%get3A_242, %get3A_243] : memref<128x25xf32, #tpu.memory_space<smem>>
      %mul3A_245 = vector.broadcast %get3A_244 : f32 to vector<256x256xf32>
      %mul3A_246 = arith.mulf %get3A_241, %mul3A_245 : vector<256x256xf32>
      %add3A_247 = arith.addf %add3A_236, %mul3A_246 : vector<256x256xf32>
      %get3A_248 = arith.index_cast %scan3A_36 : i32 to index
      %get3A_249 = arith.constant 1 : index
      %get3A_250 = arith.constant 4 : index
      %get3A_251 = vector.load %arg11[%get3A_248, %get3A_249, %get3A_250] : memref<16x260x260xf32, #tpu.memory_space<vmem>>, vector<1x256x256xf32>
      %get3A_252 = vector.shape_cast %get3A_251 : vector<1x256x256xf32> to vector<256x256xf32>
      %get3A_253 = arith.index_cast %add3A : i32 to index
      %get3A_254 = arith.constant 9 : index
      %get3A_255 = memref.load %arg6[%get3A_253, %get3A_254] : memref<128x25xf32, #tpu.memory_space<smem>>
      %mul3A_256 = vector.broadcast %get3A_255 : f32 to vector<256x256xf32>
      %mul3A_257 = arith.mulf %get3A_252, %mul3A_256 : vector<256x256xf32>
      %add3A_258 = arith.addf %add3A_247, %mul3A_257 : vector<256x256xf32>
      %get3A_259 = arith.index_cast %scan3A_36 : i32 to index
      %get3A_260 = arith.constant 2 : index
      %get3A_261 = arith.constant 0 : index
      %get3A_262 = vector.load %arg11[%get3A_259, %get3A_260, %get3A_261] : memref<16x260x260xf32, #tpu.memory_space<vmem>>, vector<1x256x256xf32>
      %get3A_263 = vector.shape_cast %get3A_262 : vector<1x256x256xf32> to vector<256x256xf32>
      %get3A_264 = arith.index_cast %add3A : i32 to index
      %get3A_265 = arith.constant 10 : index
      %get3A_266 = memref.load %arg6[%get3A_264, %get3A_265] : memref<128x25xf32, #tpu.memory_space<smem>>
      %mul3A_267 = vector.broadcast %get3A_266 : f32 to vector<256x256xf32>
      %mul3A_268 = arith.mulf %get3A_263, %mul3A_267 : vector<256x256xf32>
      %add3A_269 = arith.addf %add3A_258, %mul3A_268 : vector<256x256xf32>
      %get3A_270 = arith.index_cast %scan3A_36 : i32 to index
      %get3A_271 = arith.constant 2 : index
      %get3A_272 = arith.constant 1 : index
      %get3A_273 = vector.load %arg11[%get3A_270, %get3A_271, %get3A_272] : memref<16x260x260xf32, #tpu.memory_space<vmem>>, vector<1x256x256xf32>
      %get3A_274 = vector.shape_cast %get3A_273 : vector<1x256x256xf32> to vector<256x256xf32>
      %get3A_275 = arith.index_cast %add3A : i32 to index
      %get3A_276 = arith.constant 11 : index
      %get3A_277 = memref.load %arg6[%get3A_275, %get3A_276] : memref<128x25xf32, #tpu.memory_space<smem>>
      %mul3A_278 = vector.broadcast %get3A_277 : f32 to vector<256x256xf32>
      %mul3A_279 = arith.mulf %get3A_274, %mul3A_278 : vector<256x256xf32>
      %add3A_280 = arith.addf %add3A_269, %mul3A_279 : vector<256x256xf32>
      %get3A_281 = arith.index_cast %scan3A_36 : i32 to index
      %get3A_282 = arith.constant 2 : index
      %get3A_283 = arith.constant 2 : index
      %get3A_284 = vector.load %arg11[%get3A_281, %get3A_282, %get3A_283] : memref<16x260x260xf32, #tpu.memory_space<vmem>>, vector<1x256x256xf32>
      %get3A_285 = vector.shape_cast %get3A_284 : vector<1x256x256xf32> to vector<256x256xf32>
      %get3A_286 = arith.index_cast %add3A : i32 to index
      %get3A_287 = arith.constant 12 : index
      %get3A_288 = memref.load %arg6[%get3A_286, %get3A_287] : memref<128x25xf32, #tpu.memory_space<smem>>
      %mul3A_289 = vector.broadcast %get3A_288 : f32 to vector<256x256xf32>
      %mul3A_290 = arith.mulf %get3A_285, %mul3A_289 : vector<256x256xf32>
      %add3A_291 = arith.addf %add3A_280, %mul3A_290 : vector<256x256xf32>
      %get3A_292 = arith.index_cast %scan3A_36 : i32 to index
      %get3A_293 = arith.constant 2 : index
      %get3A_294 = arith.constant 3 : index
      %get3A_295 = vector.load %arg11[%get3A_292, %get3A_293, %get3A_294] : memref<16x260x260xf32, #tpu.memory_space<vmem>>, vector<1x256x256xf32>
      %get3A_296 = vector.shape_cast %get3A_295 : vector<1x256x256xf32> to vector<256x256xf32>
      %get3A_297 = arith.index_cast %add3A : i32 to index
      %get3A_298 = arith.constant 13 : index
      %get3A_299 = memref.load %arg6[%get3A_297, %get3A_298] : memref<128x25xf32, #tpu.memory_space<smem>>
      %mul3A_300 = vector.broadcast %get3A_299 : f32 to vector<256x256xf32>
      %mul3A_301 = arith.mulf %get3A_296, %mul3A_300 : vector<256x256xf32>
      %add3A_302 = arith.addf %add3A_291, %mul3A_301 : vector<256x256xf32>
      %get3A_303 = arith.index_cast %scan3A_36 : i32 to index
      %get3A_304 = arith.constant 2 : index
      %get3A_305 = arith.constant 4 : index
      %get3A_306 = vector.load %arg11[%get3A_303, %get3A_304, %get3A_305] : memref<16x260x260xf32, #tpu.memory_space<vmem>>, vector<1x256x256xf32>
      %get3A_307 = vector.shape_cast %get3A_306 : vector<1x256x256xf32> to vector<256x256xf32>
      %get3A_308 = arith.index_cast %add3A : i32 to index
      %get3A_309 = arith.constant 14 : index
      %get3A_310 = memref.load %arg6[%get3A_308, %get3A_309] : memref<128x25xf32, #tpu.memory_space<smem>>
      %mul3A_311 = vector.broadcast %get3A_310 : f32 to vector<256x256xf32>
      %mul3A_312 = arith.mulf %get3A_307, %mul3A_311 : vector<256x256xf32>
      %add3A_313 = arith.addf %add3A_302, %mul3A_312 : vector<256x256xf32>
      %get3A_314 = arith.index_cast %scan3A_36 : i32 to index
      %get3A_315 = arith.constant 3 : index
      %get3A_316 = arith.constant 0 : index
      %get3A_317 = vector.load %arg11[%get3A_314, %get3A_315, %get3A_316] : memref<16x260x260xf32, #tpu.memory_space<vmem>>, vector<1x256x256xf32>
      %get3A_318 = vector.shape_cast %get3A_317 : vector<1x256x256xf32> to vector<256x256xf32>
      %get3A_319 = arith.index_cast %add3A : i32 to index
      %get3A_320 = arith.constant 15 : index
      %get3A_321 = memref.load %arg6[%get3A_319, %get3A_320] : memref<128x25xf32, #tpu.memory_space<smem>>
      %mul3A_322 = vector.broadcast %get3A_321 : f32 to vector<256x256xf32>
      %mul3A_323 = arith.mulf %get3A_318, %mul3A_322 : vector<256x256xf32>
      %add3A_324 = arith.addf %add3A_313, %mul3A_323 : vector<256x256xf32>
      %get3A_325 = arith.index_cast %scan3A_36 : i32 to index
      %get3A_326 = arith.constant 3 : index
      %get3A_327 = arith.constant 1 : index
      %get3A_328 = vector.load %arg11[%get3A_325, %get3A_326, %get3A_327] : memref<16x260x260xf32, #tpu.memory_space<vmem>>, vector<1x256x256xf32>
      %get3A_329 = vector.shape_cast %get3A_328 : vector<1x256x256xf32> to vector<256x256xf32>
      %get3A_330 = arith.index_cast %add3A : i32 to index
      %get3A_331 = arith.constant 16 : index
      %get3A_332 = memref.load %arg6[%get3A_330, %get3A_331] : memref<128x25xf32, #tpu.memory_space<smem>>
      %mul3A_333 = vector.broadcast %get3A_332 : f32 to vector<256x256xf32>
      %mul3A_334 = arith.mulf %get3A_329, %mul3A_333 : vector<256x256xf32>
      %add3A_335 = arith.addf %add3A_324, %mul3A_334 : vector<256x256xf32>
      %get3A_336 = arith.index_cast %scan3A_36 : i32 to index
      %get3A_337 = arith.constant 3 : index
      %get3A_338 = arith.constant 2 : index
      %get3A_339 = vector.load %arg11[%get3A_336, %get3A_337, %get3A_338] : memref<16x260x260xf32, #tpu.memory_space<vmem>>, vector<1x256x256xf32>
      %get3A_340 = vector.shape_cast %get3A_339 : vector<1x256x256xf32> to vector<256x256xf32>
      %get3A_341 = arith.index_cast %add3A : i32 to index
      %get3A_342 = arith.constant 17 : index
      %get3A_343 = memref.load %arg6[%get3A_341, %get3A_342] : memref<128x25xf32, #tpu.memory_space<smem>>
      %mul3A_344 = vector.broadcast %get3A_343 : f32 to vector<256x256xf32>
      %mul3A_345 = arith.mulf %get3A_340, %mul3A_344 : vector<256x256xf32>
      %add3A_346 = arith.addf %add3A_335, %mul3A_345 : vector<256x256xf32>
      %get3A_347 = arith.index_cast %scan3A_36 : i32 to index
      %get3A_348 = arith.constant 3 : index
      %get3A_349 = arith.constant 3 : index
      %get3A_350 = vector.load %arg11[%get3A_347, %get3A_348, %get3A_349] : memref<16x260x260xf32, #tpu.memory_space<vmem>>, vector<1x256x256xf32>
      %get3A_351 = vector.shape_cast %get3A_350 : vector<1x256x256xf32> to vector<256x256xf32>
      %get3A_352 = arith.index_cast %add3A : i32 to index
      %get3A_353 = arith.constant 18 : index
      %get3A_354 = memref.load %arg6[%get3A_352, %get3A_353] : memref<128x25xf32, #tpu.memory_space<smem>>
      %mul3A_355 = vector.broadcast %get3A_354 : f32 to vector<256x256xf32>
      %mul3A_356 = arith.mulf %get3A_351, %mul3A_355 : vector<256x256xf32>
      %add3A_357 = arith.addf %add3A_346, %mul3A_356 : vector<256x256xf32>
      %get3A_358 = arith.index_cast %scan3A_36 : i32 to index
      %get3A_359 = arith.constant 3 : index
      %get3A_360 = arith.constant 4 : index
      %get3A_361 = vector.load %arg11[%get3A_358, %get3A_359, %get3A_360] : memref<16x260x260xf32, #tpu.memory_space<vmem>>, vector<1x256x256xf32>
      %get3A_362 = vector.shape_cast %get3A_361 : vector<1x256x256xf32> to vector<256x256xf32>
      %get3A_363 = arith.index_cast %add3A : i32 to index
      %get3A_364 = arith.constant 19 : index
      %get3A_365 = memref.load %arg6[%get3A_363, %get3A_364] : memref<128x25xf32, #tpu.memory_space<smem>>
      %mul3A_366 = vector.broadcast %get3A_365 : f32 to vector<256x256xf32>
      %mul3A_367 = arith.mulf %get3A_362, %mul3A_366 : vector<256x256xf32>
      %add3A_368 = arith.addf %add3A_357, %mul3A_367 : vector<256x256xf32>
      %get3A_369 = arith.index_cast %scan3A_36 : i32 to index
      %get3A_370 = arith.constant 4 : index
      %get3A_371 = arith.constant 0 : index
      %get3A_372 = vector.load %arg11[%get3A_369, %get3A_370, %get3A_371] : memref<16x260x260xf32, #tpu.memory_space<vmem>>, vector<1x256x256xf32>
      %get3A_373 = vector.shape_cast %get3A_372 : vector<1x256x256xf32> to vector<256x256xf32>
      %get3A_374 = arith.index_cast %add3A : i32 to index
      %get3A_375 = arith.constant 20 : index
      %get3A_376 = memref.load %arg6[%get3A_374, %get3A_375] : memref<128x25xf32, #tpu.memory_space<smem>>
      %mul3A_377 = vector.broadcast %get3A_376 : f32 to vector<256x256xf32>
      %mul3A_378 = arith.mulf %get3A_373, %mul3A_377 : vector<256x256xf32>
      %add3A_379 = arith.addf %add3A_368, %mul3A_378 : vector<256x256xf32>
      %get3A_380 = arith.index_cast %scan3A_36 : i32 to index
      %get3A_381 = arith.constant 4 : index
      %get3A_382 = arith.constant 1 : index
      %get3A_383 = vector.load %arg11[%get3A_380, %get3A_381, %get3A_382] : memref<16x260x260xf32, #tpu.memory_space<vmem>>, vector<1x256x256xf32>
      %get3A_384 = vector.shape_cast %get3A_383 : vector<1x256x256xf32> to vector<256x256xf32>
      %get3A_385 = arith.index_cast %add3A : i32 to index
      %get3A_386 = arith.constant 21 : index
      %get3A_387 = memref.load %arg6[%get3A_385, %get3A_386] : memref<128x25xf32, #tpu.memory_space<smem>>
      %mul3A_388 = vector.broadcast %get3A_387 : f32 to vector<256x256xf32>
      %mul3A_389 = arith.mulf %get3A_384, %mul3A_388 : vector<256x256xf32>
      %add3A_390 = arith.addf %add3A_379, %mul3A_389 : vector<256x256xf32>
      %get3A_391 = arith.index_cast %scan3A_36 : i32 to index
      %get3A_392 = arith.constant 4 : index
      %get3A_393 = arith.constant 2 : index
      %get3A_394 = vector.load %arg11[%get3A_391, %get3A_392, %get3A_393] : memref<16x260x260xf32, #tpu.memory_space<vmem>>, vector<1x256x256xf32>
      %get3A_395 = vector.shape_cast %get3A_394 : vector<1x256x256xf32> to vector<256x256xf32>
      %get3A_396 = arith.index_cast %add3A : i32 to index
      %get3A_397 = arith.constant 22 : index
      %get3A_398 = memref.load %arg6[%get3A_396, %get3A_397] : memref<128x25xf32, #tpu.memory_space<smem>>
      %mul3A_399 = vector.broadcast %get3A_398 : f32 to vector<256x256xf32>
      %mul3A_400 = arith.mulf %get3A_395, %mul3A_399 : vector<256x256xf32>
      %add3A_401 = arith.addf %add3A_390, %mul3A_400 : vector<256x256xf32>
      %get3A_402 = arith.index_cast %scan3A_36 : i32 to index
      %get3A_403 = arith.constant 4 : index
      %get3A_404 = arith.constant 3 : index
      %get3A_405 = vector.load %arg11[%get3A_402, %get3A_403, %get3A_404] : memref<16x260x260xf32, #tpu.memory_space<vmem>>, vector<1x256x256xf32>
      %get3A_406 = vector.shape_cast %get3A_405 : vector<1x256x256xf32> to vector<256x256xf32>
      %get3A_407 = arith.index_cast %add3A : i32 to index
      %get3A_408 = arith.constant 23 : index
      %get3A_409 = memref.load %arg6[%get3A_407, %get3A_408] : memref<128x25xf32, #tpu.memory_space<smem>>
      %mul3A_410 = vector.broadcast %get3A_409 : f32 to vector<256x256xf32>
      %mul3A_411 = arith.mulf %get3A_406, %mul3A_410 : vector<256x256xf32>
      %add3A_412 = arith.addf %add3A_401, %mul3A_411 : vector<256x256xf32>
      %get3A_413 = arith.index_cast %scan3A_36 : i32 to index
      %get3A_414 = arith.constant 4 : index
      %get3A_415 = arith.constant 4 : index
      %get3A_416 = vector.load %arg11[%get3A_413, %get3A_414, %get3A_415] : memref<16x260x260xf32, #tpu.memory_space<vmem>>, vector<1x256x256xf32>
      %get3A_417 = vector.shape_cast %get3A_416 : vector<1x256x256xf32> to vector<256x256xf32>
      %get3A_418 = arith.index_cast %add3A : i32 to index
      %get3A_419 = arith.constant 24 : index
      %get3A_420 = memref.load %arg6[%get3A_418, %get3A_419] : memref<128x25xf32, #tpu.memory_space<smem>>
      %mul3A_421 = vector.broadcast %get3A_420 : f32 to vector<256x256xf32>
      %mul3A_422 = arith.mulf %get3A_417, %mul3A_421 : vector<256x256xf32>
      %add3A_423 = arith.addf %add3A_412, %mul3A_422 : vector<256x256xf32>
      %get3A_424 = arith.index_cast %add3A : i32 to index
      %get3A_425 = memref.load %arg7[%get3A_424] : memref<128xf32, #tpu.memory_space<smem>>
      %add3A_426 = vector.broadcast %get3A_425 : f32 to vector<256x256xf32>
      %add3A_427 = arith.addf %add3A_423, %add3A_426 : vector<256x256xf32>
      %ge3A_428 = arith.constant 0.000000e+00 : f32
      %ge3A_429 = vector.broadcast %ge3A_428 : f32 to vector<256x256xf32>
      %ge3A_430 = arith.cmpf oge, %add3A_427, %ge3A_429 : vector<256x256xf32>
      %mul3A_431 = arith.constant 0.00999999977 : f32
      %mul3A_432 = vector.broadcast %mul3A_431 : f32 to vector<256x256xf32>
      %mul3A_433 = arith.mulf %mul3A_432, %add3A_427 : vector<256x256xf32>
      %select_n3A_434 = arith.select %ge3A_430, %add3A_427, %mul3A_433 : vector<256x256xi1>, vector<256x256xf32>
      %get3A_435 = arith.index_cast %scan3A_36 : i32 to index
      %get3A_436 = arith.constant 0 : index
      %get3A_437 = arith.constant 0 : index
      %get3A_438 = vector.load %arg1[%get3A_435, %get3A_436, %get3A_437] : memref<16x256x256xf32, #tpu.memory_space<vmem>>, vector<1x256x256xf32>
      %get3A_439 = vector.shape_cast %get3A_438 : vector<1x256x256xf32> to vector<256x256xf32>
      %mul3A_440 = vector.broadcast %get3A_27 : f32 to vector<256x256xf32>
      %mul3A_441 = arith.mulf %mul3A_440, %get3A_439 : vector<256x256xf32>
      %mul3A_442 = vector.broadcast %get3A_29 : f32 to vector<256x256xf32>
      %mul3A_443 = arith.mulf %mul3A_442, %select_n3A : vector<256x256xf32>
      %add3A_444 = arith.addf %mul3A_441, %mul3A_443 : vector<256x256xf32>
      %mul3A_445 = vector.broadcast %get3A_31 : f32 to vector<256x256xf32>
      %mul3A_446 = arith.mulf %mul3A_445, %select_n3A_434 : vector<256x256xf32>
      %add3A_447 = arith.addf %add3A_444, %mul3A_446 : vector<256x256xf32>
      %swap3A_448 = arith.index_cast %scan3A_36 : i32 to index
      %swap3A_449 = arith.constant 0 : index
      %swap3A_450 = arith.constant 0 : index
      %swap3A_451 = vector.load %arg9[%swap3A_448, %swap3A_449, %swap3A_450] : memref<16x256x256xf32, #tpu.memory_space<vmem>>, vector<1x256x256xf32>
      %swap3A_452 = vector.shape_cast %swap3A_451 : vector<1x256x256xf32> to vector<256x256xf32>
      %swap3A_453 = vector.shape_cast %add3A_447 : vector<256x256xf32> to vector<1x256x256xf32>
      tpu.vector_store %arg9[%swap3A_448, %swap3A_449, %swap3A_450], %swap3A_453 {strides = array<i32>} : memref<16x256x256xf32, #tpu.memory_space<vmem>>, vector<1x256x256xf32>,
    }
    %scan3A_35 = arith.constant 16 : i32
    return
  }
  func.func @transform_0(%arg0: i32) -> (i32, i32, i32) {
    %c0_i32 = arith.constant 0 : i32
    %c0_i32_0 = arith.constant 0 : i32
    %c0_i32_1 = arith.constant 0 : i32
    return %arg0, %c0_i32, %c0_i32_0 : i32, i32, i32
  }
  func.func @transform_1(%arg0: i32) -> (i32, i32, i32) {
    %c0_i32 = arith.constant 0 : i32
    %c0_i32_0 = arith.constant 0 : i32
    %c0_i32_1 = arith.constant 0 : i32
    return %arg0, %c0_i32, %c0_i32_0 : i32, i32, i32
  }
  func.func @transform_2(%arg0: i32) -> (i32, i32, i32) {
    %c0_i32 = arith.constant 0 : i32
    %c0_i32_0 = arith.constant 0 : i32
    %c0_i32_1 = arith.constant 0 : i32
    return %arg0, %c0_i32, %c0_i32_0 : i32, i32, i32
  }
  func.func @transform_3(%arg0: i32) -> (i32, i32) {
    %c0_i32 = arith.constant 0 : i32
    %c0_i32_0 = arith.constant 0 : i32
    %c0_i32_1 = arith.constant 0 : i32
    return %c0_i32, %c0_i32_0 : i32, i32
  }
  func.func @transform_4(%arg0: i32) -> i32 {
    %c0_i32 = arith.constant 0 : i32
    %c0_i32_0 = arith.constant 0 : i32
    return %c0_i32 : i32
  }
  func.func @transform_5(%arg0: i32) -> (i32, i32) {
    %c0_i32 = arith.constant 0 : i32
    %c0_i32_0 = arith.constant 0 : i32
    %c0_i32_1 = arith.constant 0 : i32
    return %c0_i32, %c0_i32_0 : i32, i32
  }
  func.func @transform_6(%arg0: i32) -> i32 {
    %c0_i32 = arith.constant 0 : i32
    %c0_i32_0 = arith.constant 0 : i32
    return %c0_i32 : i32
  }
  func.func @transform_7(%arg0: i32) -> i32 {
    %c0_i32 = arith.constant 0 : i32
    %c0_i32_0 = arith.constant 0 : i32
    return %c0_i32 : i32
  }
  func.func @transform_8(%arg0: i32) -> (i32, i32, i32) {
    %c0_i32 = arith.constant 0 : i32
    %c0_i32_0 = arith.constant 0 : i32
    %c0_i32_1 = arith.constant 0 : i32
    return %arg0, %c0_i32, %c0_i32_0 : i32, i32, i32
  }
}

module attributes {stable_mosaic.version = 14 : i64} {
  func.func @_b_body(%arg0: memref<130x36x2601xf32, #tpu.memory_space<vmem>>, %arg1: memref<36x2601xf32, #tpu.memory_space<vmem>>, %arg2: memref<9x2601xf32, #tpu.memory_space<vmem>>, %arg3: memref<9x36x2601xf32, #tpu.memory_space<vmem>>, %arg4: memref<130x2601xf32, #tpu.memory_space<vmem>>) attributes {dimension_semantics = [], scalar_prefetch = 0 : i64, scratch_operands = 0 : i64, tpu.core_type = #tpu.core_type<tc>} {
    %get3A = arith.constant 0 : index
    %get3A_0 = arith.constant 0 : index
    %get3A_1 = vector.load %arg1[%get3A, %get3A_0] : memref<36x2601xf32, #tpu.memory_space<vmem>>, vector<36x2601xf32>
    %reduce_sum3A = arith.constant dense<0.000000e+00> : vector<2601xf32>
    %reduce_sum3A_2 = vector.multi_reduction <add>, %get3A_1, %reduce_sum3A [0] : vector<36x2601xf32> to vector<2601xf32>
    %broadcast_in_dim3A = vector.shape_cast %reduce_sum3A_2 : vector<2601xf32> to vector<1x2601xf32>
    %max3A = arith.constant 1.000000e+00 : f32
    %max3A_3 = vector.broadcast %max3A : f32 to vector<1x2601xf32>
    %max3A_4 = arith.maximumf %broadcast_in_dim3A, %max3A_3 : vector<1x2601xf32>
    %div3A = arith.constant 1.000000e+00 : f32
    %div3A_5 = vector.broadcast %div3A : f32 to vector<1x2601xf32>
    %div3A_6 = arith.divf %div3A_5, %max3A_4 : vector<1x2601xf32>
    %scan3A = arith.constant 0 : i32
    %scan3A_7 = arith.constant 130 : i32
    %scan3A_8 = arith.addi %scan3A, %scan3A_7 : i32
    %scan3A_9 = arith.constant 1 : i32
    scf.for %scan3A_15 = %scan3A to %scan3A_8 step %scan3A_9  : i32 {
      %get3A_16 = arith.index_cast %scan3A_15 : i32 to index
      %get3A_17 = arith.constant 0 : index
      %get3A_18 = arith.constant 0 : index
      %get3A_19 = vector.load %arg0[%get3A_16, %get3A_17, %get3A_18] : memref<130x36x2601xf32, #tpu.memory_space<vmem>>, vector<1x36x2601xf32>
      %get3A_20 = vector.shape_cast %get3A_19 : vector<1x36x2601xf32> to vector<36x2601xf32>
      %reduce_sum3A_21 = arith.constant dense<0.000000e+00> : vector<2601xf32>
      %reduce_sum3A_22 = vector.multi_reduction <add>, %get3A_20, %reduce_sum3A_21 [0] : vector<36x2601xf32> to vector<2601xf32>
      %broadcast_in_dim3A_23 = vector.shape_cast %reduce_sum3A_22 : vector<2601xf32> to vector<1x2601xf32>
      %mul3A = arith.mulf %broadcast_in_dim3A_23, %div3A_6 : vector<1x2601xf32>
      %swap3A = arith.index_cast %scan3A_15 : i32 to index
      %swap3A_24 = arith.constant 0 : index
      %swap3A_25 = vector.load %arg4[%swap3A, %swap3A_24] : memref<130x2601xf32, #tpu.memory_space<vmem>>, vector<1x2601xf32>
      tpu.vector_store %arg4[%swap3A, %swap3A_24], %mul3A {strides = array<i32>} : memref<130x2601xf32, #tpu.memory_space<vmem>>, vector<1x2601xf32>,
    }
    %scan3A_10 = arith.constant 130 : i32
    %scan3A_11 = arith.constant 0 : i32
    %scan3A_12 = arith.constant 10 : i32
    %scan3A_13 = arith.addi %scan3A_11, %scan3A_12 : i32
    %scan3A_14 = arith.constant 1 : i32
    scf.for %scan3A_15 = %scan3A_11 to %scan3A_13 step %scan3A_14  : i32 {
      %broadcast_in_dim3A_16 = arith.constant 0.000000e+00 : f32
      %broadcast_in_dim3A_17 = vector.broadcast %broadcast_in_dim3A_16 : f32 to vector<1x2601xf32>
      %scan3A_18 = arith.constant 0 : i32
      %scan3A_19 = arith.constant 130 : i32
      %scan3A_20 = arith.addi %scan3A_18, %scan3A_19 : i32
      %scan3A_21 = arith.constant 1 : i32
      %scan3A_22 = scf.for %scan3A_662 = %scan3A_18 to %scan3A_20 step %scan3A_21 iter_args(%scan3A_663 = %broadcast_in_dim3A_17) -> (vector<1x2601xf32>)  : i32 {
        %get3A_664 = arith.index_cast %scan3A_662 : i32 to index
        %get3A_665 = arith.constant 0 : index
        %get3A_666 = vector.load %arg4[%get3A_664, %get3A_665] : memref<130x2601xf32, #tpu.memory_space<vmem>>, vector<1x2601xf32>
        %mul3A_667 = arith.mulf %get3A_666, %get3A_666 : vector<1x2601xf32>
        %add3A_668 = arith.addf %scan3A_663, %mul3A_667 : vector<1x2601xf32>
        scf.yield %add3A_668 : vector<1x2601xf32>
      }
      %scan3A_23 = arith.constant 130 : i32
      %broadcast_in_dim3A_24 = arith.constant 0.000000e+00 : f32
      %broadcast_in_dim3A_25 = vector.broadcast %broadcast_in_dim3A_24 : f32 to vector<36x2601xf32>
      %broadcast_in_dim3A_26 = arith.constant 0.000000e+00 : f32
      %broadcast_in_dim3A_27 = vector.broadcast %broadcast_in_dim3A_26 : f32 to vector<36x2601xf32>
      %broadcast_in_dim3A_28 = arith.constant 0.000000e+00 : f32
      %broadcast_in_dim3A_29 = vector.broadcast %broadcast_in_dim3A_28 : f32 to vector<36x2601xf32>
      %scan3A_30 = arith.constant 0 : i32
      %scan3A_31 = arith.constant 130 : i32
      %scan3A_32 = arith.addi %scan3A_30, %scan3A_31 : i32
      %scan3A_33 = arith.constant 1 : i32
      %scan3A_34:3 = scf.for %scan3A_662 = %scan3A_30 to %scan3A_32 step %scan3A_33 iter_args(%scan3A_663 = %broadcast_in_dim3A_25, %scan3A_664 = %broadcast_in_dim3A_27, %scan3A_665 = %broadcast_in_dim3A_29) -> (vector<36x2601xf32>, vector<36x2601xf32>, vector<36x2601xf32>)  : i32 {
        %get3A_666 = arith.index_cast %scan3A_662 : i32 to index
        %get3A_667 = arith.constant 0 : index
        %get3A_668 = arith.constant 0 : index
        %get3A_669 = vector.load %arg0[%get3A_666, %get3A_667, %get3A_668] : memref<130x36x2601xf32, #tpu.memory_space<vmem>>, vector<1x36x2601xf32>
        %get3A_670 = vector.shape_cast %get3A_669 : vector<1x36x2601xf32> to vector<36x2601xf32>
        %get3A_671 = arith.index_cast %scan3A_662 : i32 to index
        %get3A_672 = arith.constant 0 : index
        %get3A_673 = vector.load %arg4[%get3A_671, %get3A_672] : memref<130x2601xf32, #tpu.memory_space<vmem>>, vector<1x2601xf32>
        %broadcast_in_dim3A_674 = arith.constant 0.000000e+00 : f32
        %broadcast_in_dim3A_675 = vector.broadcast %broadcast_in_dim3A_674 : f32 to vector<1x52xf32>
        %slice3A_676 = vector.extract_strided_slice %get3A_673 {offsets = [0, 0], sizes = [1, 2549], strides = [1, 1]} : vector<1x2601xf32> to vector<1x2549xf32>
        %concatenate3A_677 = tpu.concatenate %broadcast_in_dim3A_675, %slice3A_676 in 1 : vector<1x52xf32>, vector<1x2549xf32> -> vector<1x2601xf32>
        %mul3A_678 = vector.broadcast %concatenate3A_677 : vector<1x2601xf32> to vector<36x2601xf32>
        %mul3A_679 = arith.mulf %get3A_670, %mul3A_678 : vector<36x2601xf32>
        %add3A_680 = arith.addf %scan3A_663, %mul3A_679 : vector<36x2601xf32>
        %broadcast_in_dim3A_681 = arith.constant 0.000000e+00 : f32
        %broadcast_in_dim3A_682 = vector.broadcast %broadcast_in_dim3A_681 : f32 to vector<1x51xf32>
        %slice3A_683 = vector.extract_strided_slice %get3A_673 {offsets = [0, 0], sizes = [1, 2550], strides = [1, 1]} : vector<1x2601xf32> to vector<1x2550xf32>
        %concatenate3A_684 = tpu.concatenate %broadcast_in_dim3A_682, %slice3A_683 in 1 : vector<1x51xf32>, vector<1x2550xf32> -> vector<1x2601xf32>
        %mul3A_685 = vector.broadcast %concatenate3A_684 : vector<1x2601xf32> to vector<36x2601xf32>
        %mul3A_686 = arith.mulf %get3A_670, %mul3A_685 : vector<36x2601xf32>
        %add3A_687 = arith.addf %scan3A_664, %mul3A_686 : vector<36x2601xf32>
        %broadcast_in_dim3A_688 = arith.constant 0.000000e+00 : f32
        %broadcast_in_dim3A_689 = vector.broadcast %broadcast_in_dim3A_688 : f32 to vector<1x50xf32>
        %slice3A_690 = vector.extract_strided_slice %get3A_673 {offsets = [0, 0], sizes = [1, 2551], strides = [1, 1]} : vector<1x2601xf32> to vector<1x2551xf32>
        %concatenate3A_691 = tpu.concatenate %broadcast_in_dim3A_689, %slice3A_690 in 1 : vector<1x50xf32>, vector<1x2551xf32> -> vector<1x2601xf32>
        %mul3A_692 = vector.broadcast %concatenate3A_691 : vector<1x2601xf32> to vector<36x2601xf32>
        %mul3A_693 = arith.mulf %get3A_670, %mul3A_692 : vector<36x2601xf32>
        %add3A_694 = arith.addf %scan3A_665, %mul3A_693 : vector<36x2601xf32>
        scf.yield %add3A_680, %add3A_687, %add3A_694 : vector<36x2601xf32>, vector<36x2601xf32>, vector<36x2601xf32>
      }
      %scan3A_35 = arith.constant 130 : i32
      %get3A_36 = arith.constant 0 : index
      %get3A_37 = arith.constant 0 : index
      %get3A_38 = vector.load %arg2[%get3A_36, %get3A_37] : memref<9x2601xf32, #tpu.memory_space<vmem>>, vector<1x2601xf32>
      %gt3A = arith.constant 0.000000e+00 : f32
      %gt3A_39 = vector.broadcast %gt3A : f32 to vector<1x2601xf32>
      %gt3A_40 = arith.cmpf ogt, %get3A_38, %gt3A_39 : vector<1x2601xf32>
      %mul3A = arith.constant 2.000000e+00 : f32
      %mul3A_41 = vector.broadcast %mul3A : f32 to vector<36x2601xf32>
      %mul3A_42 = arith.mulf %mul3A_41, %scan3A_34#0 : vector<36x2601xf32>
      %broadcast_in_dim3A_43 = arith.constant 0.000000e+00 : f32
      %broadcast_in_dim3A_44 = vector.broadcast %broadcast_in_dim3A_43 : f32 to vector<1x52xf32>
      %slice3A = vector.extract_strided_slice %scan3A_22 {offsets = [0, 0], sizes = [1, 2549], strides = [1, 1]} : vector<1x2601xf32> to vector<1x2549xf32>
      %concatenate3A = tpu.concatenate %broadcast_in_dim3A_44, %slice3A in 1 : vector<1x52xf32>, vector<1x2549xf32> -> vector<1x2601xf32>
      %sub3A = vector.broadcast %concatenate3A : vector<1x2601xf32> to vector<36x2601xf32>
      %sub3A_45 = arith.subf %mul3A_42, %sub3A : vector<36x2601xf32>
      %jit3A = arith.constant -1.000000e+16 : f32
      %broadcast_in_dim3A_46 = vector.shape_cast %gt3A_40 : vector<1x2601xi1> to vector<1x2601xi1>
      %broadcast_in_dim3A_47 = vector.broadcast %broadcast_in_dim3A_46 : vector<1x2601xi1> to vector<36x2601xi1>
      %broadcast_in_dim3A_48 = vector.broadcast %jit3A : f32 to vector<36x2601xf32>
      %select_n3A = arith.select %broadcast_in_dim3A_47, %sub3A_45, %broadcast_in_dim3A_48 : vector<36x2601xi1>, vector<36x2601xf32>
      %swap3A = arith.constant 0 : index
      %swap3A_49 = arith.constant 0 : index
      %swap3A_50 = arith.constant 0 : index
      %swap3A_51 = vector.load %arg3[%swap3A, %swap3A_49, %swap3A_50] : memref<9x36x2601xf32, #tpu.memory_space<vmem>>, vector<1x36x2601xf32>
      %swap3A_52 = vector.shape_cast %swap3A_51 : vector<1x36x2601xf32> to vector<36x2601xf32>
      %swap3A_53 = vector.shape_cast %select_n3A : vector<36x2601xf32> to vector<1x36x2601xf32>
      tpu.vector_store %arg3[%swap3A, %swap3A_49, %swap3A_50], %swap3A_53 {strides = array<i32>} : memref<9x36x2601xf32, #tpu.memory_space<vmem>>, vector<1x36x2601xf32>,
      %get3A_54 = arith.constant 1 : index
      %get3A_55 = arith.constant 0 : index
      %get3A_56 = vector.load %arg2[%get3A_54, %get3A_55] : memref<9x2601xf32, #tpu.memory_space<vmem>>, vector<1x2601xf32>
      %gt3A_57 = arith.constant 0.000000e+00 : f32
      %gt3A_58 = vector.broadcast %gt3A_57 : f32 to vector<1x2601xf32>
      %gt3A_59 = arith.cmpf ogt, %get3A_56, %gt3A_58 : vector<1x2601xf32>
      %mul3A_60 = arith.constant 2.000000e+00 : f32
      %mul3A_61 = vector.broadcast %mul3A_60 : f32 to vector<36x2601xf32>
      %mul3A_62 = arith.mulf %mul3A_61, %scan3A_34#1 : vector<36x2601xf32>
      %broadcast_in_dim3A_63 = arith.constant 0.000000e+00 : f32
      %broadcast_in_dim3A_64 = vector.broadcast %broadcast_in_dim3A_63 : f32 to vector<1x51xf32>
      %slice3A_65 = vector.extract_strided_slice %scan3A_22 {offsets = [0, 0], sizes = [1, 2550], strides = [1, 1]} : vector<1x2601xf32> to vector<1x2550xf32>
      %concatenate3A_66 = tpu.concatenate %broadcast_in_dim3A_64, %slice3A_65 in 1 : vector<1x51xf32>, vector<1x2550xf32> -> vector<1x2601xf32>
      %sub3A_67 = vector.broadcast %concatenate3A_66 : vector<1x2601xf32> to vector<36x2601xf32>
      %sub3A_68 = arith.subf %mul3A_62, %sub3A_67 : vector<36x2601xf32>
      %jit3A_69 = arith.constant -1.000000e+16 : f32
      %broadcast_in_dim3A_70 = vector.shape_cast %gt3A_59 : vector<1x2601xi1> to vector<1x2601xi1>
      %broadcast_in_dim3A_71 = vector.broadcast %broadcast_in_dim3A_70 : vector<1x2601xi1> to vector<36x2601xi1>
      %broadcast_in_dim3A_72 = vector.broadcast %jit3A_69 : f32 to vector<36x2601xf32>
      %select_n3A_73 = arith.select %broadcast_in_dim3A_71, %sub3A_68, %broadcast_in_dim3A_72 : vector<36x2601xi1>, vector<36x2601xf32>
      %swap3A_74 = arith.constant 1 : index
      %swap3A_75 = arith.constant 0 : index
      %swap3A_76 = arith.constant 0 : index
      %swap3A_77 = vector.load %arg3[%swap3A_74, %swap3A_75, %swap3A_76] : memref<9x36x2601xf32, #tpu.memory_space<vmem>>, vector<1x36x2601xf32>
      %swap3A_78 = vector.shape_cast %swap3A_77 : vector<1x36x2601xf32> to vector<36x2601xf32>
      %swap3A_79 = vector.shape_cast %select_n3A_73 : vector<36x2601xf32> to vector<1x36x2601xf32>
      tpu.vector_store %arg3[%swap3A_74, %swap3A_75, %swap3A_76], %swap3A_79 {strides = array<i32>} : memref<9x36x2601xf32, #tpu.memory_space<vmem>>, vector<1x36x2601xf32>,
      %max3A_80 = arith.maximumf %select_n3A, %select_n3A_73 : vector<36x2601xf32>
      %get3A_81 = arith.constant 2 : index
      %get3A_82 = arith.constant 0 : index
      %get3A_83 = vector.load %arg2[%get3A_81, %get3A_82] : memref<9x2601xf32, #tpu.memory_space<vmem>>, vector<1x2601xf32>
      %gt3A_84 = arith.constant 0.000000e+00 : f32
      %gt3A_85 = vector.broadcast %gt3A_84 : f32 to vector<1x2601xf32>
      %gt3A_86 = arith.cmpf ogt, %get3A_83, %gt3A_85 : vector<1x2601xf32>
      %mul3A_87 = arith.constant 2.000000e+00 : f32
      %mul3A_88 = vector.broadcast %mul3A_87 : f32 to vector<36x2601xf32>
      %mul3A_89 = arith.mulf %mul3A_88, %scan3A_34#2 : vector<36x2601xf32>
      %broadcast_in_dim3A_90 = arith.constant 0.000000e+00 : f32
      %broadcast_in_dim3A_91 = vector.broadcast %broadcast_in_dim3A_90 : f32 to vector<1x50xf32>
      %slice3A_92 = vector.extract_strided_slice %scan3A_22 {offsets = [0, 0], sizes = [1, 2551], strides = [1, 1]} : vector<1x2601xf32> to vector<1x2551xf32>
      %concatenate3A_93 = tpu.concatenate %broadcast_in_dim3A_91, %slice3A_92 in 1 : vector<1x50xf32>, vector<1x2551xf32> -> vector<1x2601xf32>
      %sub3A_94 = vector.broadcast %concatenate3A_93 : vector<1x2601xf32> to vector<36x2601xf32>
      %sub3A_95 = arith.subf %mul3A_89, %sub3A_94 : vector<36x2601xf32>
      %jit3A_96 = arith.constant -1.000000e+16 : f32
      %broadcast_in_dim3A_97 = vector.shape_cast %gt3A_86 : vector<1x2601xi1> to vector<1x2601xi1>
      %broadcast_in_dim3A_98 = vector.broadcast %broadcast_in_dim3A_97 : vector<1x2601xi1> to vector<36x2601xi1>
      %broadcast_in_dim3A_99 = vector.broadcast %jit3A_96 : f32 to vector<36x2601xf32>
      %select_n3A_100 = arith.select %broadcast_in_dim3A_98, %sub3A_95, %broadcast_in_dim3A_99 : vector<36x2601xi1>, vector<36x2601xf32>
      %swap3A_101 = arith.constant 2 : index
      %swap3A_102 = arith.constant 0 : index
      %swap3A_103 = arith.constant 0 : index
      %swap3A_104 = vector.load %arg3[%swap3A_101, %swap3A_102, %swap3A_103] : memref<9x36x2601xf32, #tpu.memory_space<vmem>>, vector<1x36x2601xf32>
      %swap3A_105 = vector.shape_cast %swap3A_104 : vector<1x36x2601xf32> to vector<36x2601xf32>
      %swap3A_106 = vector.shape_cast %select_n3A_100 : vector<36x2601xf32> to vector<1x36x2601xf32>
      tpu.vector_store %arg3[%swap3A_101, %swap3A_102, %swap3A_103], %swap3A_106 {strides = array<i32>} : memref<9x36x2601xf32, #tpu.memory_space<vmem>>, vector<1x36x2601xf32>,
      %max3A_107 = arith.maximumf %max3A_80, %select_n3A_100 : vector<36x2601xf32>
      %broadcast_in_dim3A_108 = arith.constant 0.000000e+00 : f32
      %broadcast_in_dim3A_109 = vector.broadcast %broadcast_in_dim3A_108 : f32 to vector<36x2601xf32>
      %broadcast_in_dim3A_110 = arith.constant 0.000000e+00 : f32
      %broadcast_in_dim3A_111 = vector.broadcast %broadcast_in_dim3A_110 : f32 to vector<36x2601xf32>
      %broadcast_in_dim3A_112 = arith.constant 0.000000e+00 : f32
      %broadcast_in_dim3A_113 = vector.broadcast %broadcast_in_dim3A_112 : f32 to vector<36x2601xf32>
      %scan3A_114 = arith.constant 0 : i32
      %scan3A_115 = arith.constant 130 : i32
      %scan3A_116 = arith.addi %scan3A_114, %scan3A_115 : i32
      %scan3A_117 = arith.constant 1 : i32
      %scan3A_118:3 = scf.for %scan3A_662 = %scan3A_114 to %scan3A_116 step %scan3A_117 iter_args(%scan3A_663 = %broadcast_in_dim3A_109, %scan3A_664 = %broadcast_in_dim3A_111, %scan3A_665 = %broadcast_in_dim3A_113) -> (vector<36x2601xf32>, vector<36x2601xf32>, vector<36x2601xf32>)  : i32 {
        %get3A_666 = arith.index_cast %scan3A_662 : i32 to index
        %get3A_667 = arith.constant 0 : index
        %get3A_668 = arith.constant 0 : index
        %get3A_669 = vector.load %arg0[%get3A_666, %get3A_667, %get3A_668] : memref<130x36x2601xf32, #tpu.memory_space<vmem>>, vector<1x36x2601xf32>
        %get3A_670 = vector.shape_cast %get3A_669 : vector<1x36x2601xf32> to vector<36x2601xf32>
        %get3A_671 = arith.index_cast %scan3A_662 : i32 to index
        %get3A_672 = arith.constant 0 : index
        %get3A_673 = vector.load %arg4[%get3A_671, %get3A_672] : memref<130x2601xf32, #tpu.memory_space<vmem>>, vector<1x2601xf32>
        %broadcast_in_dim3A_674 = arith.constant 0.000000e+00 : f32
        %broadcast_in_dim3A_675 = vector.broadcast %broadcast_in_dim3A_674 : f32 to vector<1x1xf32>
        %slice3A_676 = vector.extract_strided_slice %get3A_673 {offsets = [0, 0], sizes = [1, 2600], strides = [1, 1]} : vector<1x2601xf32> to vector<1x2600xf32>
        %concatenate3A_677 = tpu.concatenate %broadcast_in_dim3A_675, %slice3A_676 in 1 : vector<1x1xf32>, vector<1x2600xf32> -> vector<1x2601xf32>
        %mul3A_678 = vector.broadcast %concatenate3A_677 : vector<1x2601xf32> to vector<36x2601xf32>
        %mul3A_679 = arith.mulf %get3A_670, %mul3A_678 : vector<36x2601xf32>
        %add3A_680 = arith.addf %scan3A_663, %mul3A_679 : vector<36x2601xf32>
        %mul3A_681 = vector.broadcast %get3A_673 : vector<1x2601xf32> to vector<36x2601xf32>
        %mul3A_682 = arith.mulf %get3A_670, %mul3A_681 : vector<36x2601xf32>
        %add3A_683 = arith.addf %scan3A_664, %mul3A_682 : vector<36x2601xf32>
        %slice3A_684 = vector.extract_strided_slice %get3A_673 {offsets = [0, 1], sizes = [1, 2600], strides = [1, 1]} : vector<1x2601xf32> to vector<1x2600xf32>
        %broadcast_in_dim3A_685 = arith.constant 0.000000e+00 : f32
        %broadcast_in_dim3A_686 = vector.broadcast %broadcast_in_dim3A_685 : f32 to vector<1x1xf32>
        %concatenate3A_687 = tpu.concatenate %slice3A_684, %broadcast_in_dim3A_686 in 1 : vector<1x2600xf32>, vector<1x1xf32> -> vector<1x2601xf32>
        %mul3A_688 = vector.broadcast %concatenate3A_687 : vector<1x2601xf32> to vector<36x2601xf32>
        %mul3A_689 = arith.mulf %get3A_670, %mul3A_688 : vector<36x2601xf32>
        %add3A_690 = arith.addf %scan3A_665, %mul3A_689 : vector<36x2601xf32>
        scf.yield %add3A_680, %add3A_683, %add3A_690 : vector<36x2601xf32>, vector<36x2601xf32>, vector<36x2601xf32>
      }
      %scan3A_119 = arith.constant 130 : i32
      %get3A_120 = arith.constant 3 : index
      %get3A_121 = arith.constant 0 : index
      %get3A_122 = vector.load %arg2[%get3A_120, %get3A_121] : memref<9x2601xf32, #tpu.memory_space<vmem>>, vector<1x2601xf32>
      %gt3A_123 = arith.constant 0.000000e+00 : f32
      %gt3A_124 = vector.broadcast %gt3A_123 : f32 to vector<1x2601xf32>
      %gt3A_125 = arith.cmpf ogt, %get3A_122, %gt3A_124 : vector<1x2601xf32>
      %mul3A_126 = arith.constant 2.000000e+00 : f32
      %mul3A_127 = vector.broadcast %mul3A_126 : f32 to vector<36x2601xf32>
      %mul3A_128 = arith.mulf %mul3A_127, %scan3A_118#0 : vector<36x2601xf32>
      %broadcast_in_dim3A_129 = arith.constant 0.000000e+00 : f32
      %broadcast_in_dim3A_130 = vector.broadcast %broadcast_in_dim3A_129 : f32 to vector<1x1xf32>
      %slice3A_131 = vector.extract_strided_slice %scan3A_22 {offsets = [0, 0], sizes = [1, 2600], strides = [1, 1]} : vector<1x2601xf32> to vector<1x2600xf32>
      %concatenate3A_132 = tpu.concatenate %broadcast_in_dim3A_130, %slice3A_131 in 1 : vector<1x1xf32>, vector<1x2600xf32> -> vector<1x2601xf32>
      %sub3A_133 = vector.broadcast %concatenate3A_132 : vector<1x2601xf32> to vector<36x2601xf32>
      %sub3A_134 = arith.subf %mul3A_128, %sub3A_133 : vector<36x2601xf32>
      %jit3A_135 = arith.constant -1.000000e+16 : f32
      %broadcast_in_dim3A_136 = vector.shape_cast %gt3A_125 : vector<1x2601xi1> to vector<1x2601xi1>
      %broadcast_in_dim3A_137 = vector.broadcast %broadcast_in_dim3A_136 : vector<1x2601xi1> to vector<36x2601xi1>
      %broadcast_in_dim3A_138 = vector.broadcast %jit3A_135 : f32 to vector<36x2601xf32>
      %select_n3A_139 = arith.select %broadcast_in_dim3A_137, %sub3A_134, %broadcast_in_dim3A_138 : vector<36x2601xi1>, vector<36x2601xf32>
      %swap3A_140 = arith.constant 3 : index
      %swap3A_141 = arith.constant 0 : index
      %swap3A_142 = arith.constant 0 : index
      %swap3A_143 = vector.load %arg3[%swap3A_140, %swap3A_141, %swap3A_142] : memref<9x36x2601xf32, #tpu.memory_space<vmem>>, vector<1x36x2601xf32>
      %swap3A_144 = vector.shape_cast %swap3A_143 : vector<1x36x2601xf32> to vector<36x2601xf32>
      %swap3A_145 = vector.shape_cast %select_n3A_139 : vector<36x2601xf32> to vector<1x36x2601xf32>
      tpu.vector_store %arg3[%swap3A_140, %swap3A_141, %swap3A_142], %swap3A_145 {strides = array<i32>} : memref<9x36x2601xf32, #tpu.memory_space<vmem>>, vector<1x36x2601xf32>,
      %max3A_146 = arith.maximumf %max3A_107, %select_n3A_139 : vector<36x2601xf32>
      %get3A_147 = arith.constant 4 : index
      %get3A_148 = arith.constant 0 : index
      %get3A_149 = vector.load %arg2[%get3A_147, %get3A_148] : memref<9x2601xf32, #tpu.memory_space<vmem>>, vector<1x2601xf32>
      %gt3A_150 = arith.constant 0.000000e+00 : f32
      %gt3A_151 = vector.broadcast %gt3A_150 : f32 to vector<1x2601xf32>
      %gt3A_152 = arith.cmpf ogt, %get3A_149, %gt3A_151 : vector<1x2601xf32>
      %mul3A_153 = arith.constant 2.000000e+00 : f32
      %mul3A_154 = vector.broadcast %mul3A_153 : f32 to vector<36x2601xf32>
      %mul3A_155 = arith.mulf %mul3A_154, %scan3A_118#1 : vector<36x2601xf32>
      %sub3A_156 = vector.broadcast %scan3A_22 : vector<1x2601xf32> to vector<36x2601xf32>
      %sub3A_157 = arith.subf %mul3A_155, %sub3A_156 : vector<36x2601xf32>
      %jit3A_158 = arith.constant -1.000000e+16 : f32
      %broadcast_in_dim3A_159 = vector.shape_cast %gt3A_152 : vector<1x2601xi1> to vector<1x2601xi1>
      %broadcast_in_dim3A_160 = vector.broadcast %broadcast_in_dim3A_159 : vector<1x2601xi1> to vector<36x2601xi1>
      %broadcast_in_dim3A_161 = vector.broadcast %jit3A_158 : f32 to vector<36x2601xf32>
      %select_n3A_162 = arith.select %broadcast_in_dim3A_160, %sub3A_157, %broadcast_in_dim3A_161 : vector<36x2601xi1>, vector<36x2601xf32>
      %swap3A_163 = arith.constant 4 : index
      %swap3A_164 = arith.constant 0 : index
      %swap3A_165 = arith.constant 0 : index
      %swap3A_166 = vector.load %arg3[%swap3A_163, %swap3A_164, %swap3A_165] : memref<9x36x2601xf32, #tpu.memory_space<vmem>>, vector<1x36x2601xf32>
      %swap3A_167 = vector.shape_cast %swap3A_166 : vector<1x36x2601xf32> to vector<36x2601xf32>
      %swap3A_168 = vector.shape_cast %select_n3A_162 : vector<36x2601xf32> to vector<1x36x2601xf32>
      tpu.vector_store %arg3[%swap3A_163, %swap3A_164, %swap3A_165], %swap3A_168 {strides = array<i32>} : memref<9x36x2601xf32, #tpu.memory_space<vmem>>, vector<1x36x2601xf32>,
      %max3A_169 = arith.maximumf %max3A_146, %select_n3A_162 : vector<36x2601xf32>
      %get3A_170 = arith.constant 5 : index
      %get3A_171 = arith.constant 0 : index
      %get3A_172 = vector.load %arg2[%get3A_170, %get3A_171] : memref<9x2601xf32, #tpu.memory_space<vmem>>, vector<1x2601xf32>
      %gt3A_173 = arith.constant 0.000000e+00 : f32
      %gt3A_174 = vector.broadcast %gt3A_173 : f32 to vector<1x2601xf32>
      %gt3A_175 = arith.cmpf ogt, %get3A_172, %gt3A_174 : vector<1x2601xf32>
      %mul3A_176 = arith.constant 2.000000e+00 : f32
      %mul3A_177 = vector.broadcast %mul3A_176 : f32 to vector<36x2601xf32>
      %mul3A_178 = arith.mulf %mul3A_177, %scan3A_118#2 : vector<36x2601xf32>
      %slice3A_179 = vector.extract_strided_slice %scan3A_22 {offsets = [0, 1], sizes = [1, 2600], strides = [1, 1]} : vector<1x2601xf32> to vector<1x2600xf32>
      %broadcast_in_dim3A_180 = arith.constant 0.000000e+00 : f32
      %broadcast_in_dim3A_181 = vector.broadcast %broadcast_in_dim3A_180 : f32 to vector<1x1xf32>
      %concatenate3A_182 = tpu.concatenate %slice3A_179, %broadcast_in_dim3A_181 in 1 : vector<1x2600xf32>, vector<1x1xf32> -> vector<1x2601xf32>
      %sub3A_183 = vector.broadcast %concatenate3A_182 : vector<1x2601xf32> to vector<36x2601xf32>
      %sub3A_184 = arith.subf %mul3A_178, %sub3A_183 : vector<36x2601xf32>
      %jit3A_185 = arith.constant -1.000000e+16 : f32
      %broadcast_in_dim3A_186 = vector.shape_cast %gt3A_175 : vector<1x2601xi1> to vector<1x2601xi1>
      %broadcast_in_dim3A_187 = vector.broadcast %broadcast_in_dim3A_186 : vector<1x2601xi1> to vector<36x2601xi1>
      %broadcast_in_dim3A_188 = vector.broadcast %jit3A_185 : f32 to vector<36x2601xf32>
      %select_n3A_189 = arith.select %broadcast_in_dim3A_187, %sub3A_184, %broadcast_in_dim3A_188 : vector<36x2601xi1>, vector<36x2601xf32>
      %swap3A_190 = arith.constant 5 : index
      %swap3A_191 = arith.constant 0 : index
      %swap3A_192 = arith.constant 0 : index
      %swap3A_193 = vector.load %arg3[%swap3A_190, %swap3A_191, %swap3A_192] : memref<9x36x2601xf32, #tpu.memory_space<vmem>>, vector<1x36x2601xf32>
      %swap3A_194 = vector.shape_cast %swap3A_193 : vector<1x36x2601xf32> to vector<36x2601xf32>
      %swap3A_195 = vector.shape_cast %select_n3A_189 : vector<36x2601xf32> to vector<1x36x2601xf32>
      tpu.vector_store %arg3[%swap3A_190, %swap3A_191, %swap3A_192], %swap3A_195 {strides = array<i32>} : memref<9x36x2601xf32, #tpu.memory_space<vmem>>, vector<1x36x2601xf32>,
      %max3A_196 = arith.maximumf %max3A_169, %select_n3A_189 : vector<36x2601xf32>
      %broadcast_in_dim3A_197 = arith.constant 0.000000e+00 : f32
      %broadcast_in_dim3A_198 = vector.broadcast %broadcast_in_dim3A_197 : f32 to vector<36x2601xf32>
      %broadcast_in_dim3A_199 = arith.constant 0.000000e+00 : f32
      %broadcast_in_dim3A_200 = vector.broadcast %broadcast_in_dim3A_199 : f32 to vector<36x2601xf32>
      %broadcast_in_dim3A_201 = arith.constant 0.000000e+00 : f32
      %broadcast_in_dim3A_202 = vector.broadcast %broadcast_in_dim3A_201 : f32 to vector<36x2601xf32>
      %scan3A_203 = arith.constant 0 : i32
      %scan3A_204 = arith.constant 130 : i32
      %scan3A_205 = arith.addi %scan3A_203, %scan3A_204 : i32
      %scan3A_206 = arith.constant 1 : i32
      %scan3A_207:3 = scf.for %scan3A_662 = %scan3A_203 to %scan3A_205 step %scan3A_206 iter_args(%scan3A_663 = %broadcast_in_dim3A_198, %scan3A_664 = %broadcast_in_dim3A_200, %scan3A_665 = %broadcast_in_dim3A_202) -> (vector<36x2601xf32>, vector<36x2601xf32>, vector<36x2601xf32>)  : i32 {
        %get3A_666 = arith.index_cast %scan3A_662 : i32 to index
        %get3A_667 = arith.constant 0 : index
        %get3A_668 = arith.constant 0 : index
        %get3A_669 = vector.load %arg0[%get3A_666, %get3A_667, %get3A_668] : memref<130x36x2601xf32, #tpu.memory_space<vmem>>, vector<1x36x2601xf32>
        %get3A_670 = vector.shape_cast %get3A_669 : vector<1x36x2601xf32> to vector<36x2601xf32>
        %get3A_671 = arith.index_cast %scan3A_662 : i32 to index
        %get3A_672 = arith.constant 0 : index
        %get3A_673 = vector.load %arg4[%get3A_671, %get3A_672] : memref<130x2601xf32, #tpu.memory_space<vmem>>, vector<1x2601xf32>
        %slice3A_674 = vector.extract_strided_slice %get3A_673 {offsets = [0, 50], sizes = [1, 2551], strides = [1, 1]} : vector<1x2601xf32> to vector<1x2551xf32>
        %broadcast_in_dim3A_675 = arith.constant 0.000000e+00 : f32
        %broadcast_in_dim3A_676 = vector.broadcast %broadcast_in_dim3A_675 : f32 to vector<1x50xf32>
        %concatenate3A_677 = tpu.concatenate %slice3A_674, %broadcast_in_dim3A_676 in 1 : vector<1x2551xf32>, vector<1x50xf32> -> vector<1x2601xf32>
        %mul3A_678 = vector.broadcast %concatenate3A_677 : vector<1x2601xf32> to vector<36x2601xf32>
        %mul3A_679 = arith.mulf %get3A_670, %mul3A_678 : vector<36x2601xf32>
        %add3A_680 = arith.addf %scan3A_663, %mul3A_679 : vector<36x2601xf32>
        %slice3A_681 = vector.extract_strided_slice %get3A_673 {offsets = [0, 51], sizes = [1, 2550], strides = [1, 1]} : vector<1x2601xf32> to vector<1x2550xf32>
        %broadcast_in_dim3A_682 = arith.constant 0.000000e+00 : f32
        %broadcast_in_dim3A_683 = vector.broadcast %broadcast_in_dim3A_682 : f32 to vector<1x51xf32>
        %concatenate3A_684 = tpu.concatenate %slice3A_681, %broadcast_in_dim3A_683 in 1 : vector<1x2550xf32>, vector<1x51xf32> -> vector<1x2601xf32>
        %mul3A_685 = vector.broadcast %concatenate3A_684 : vector<1x2601xf32> to vector<36x2601xf32>
        %mul3A_686 = arith.mulf %get3A_670, %mul3A_685 : vector<36x2601xf32>
        %add3A_687 = arith.addf %scan3A_664, %mul3A_686 : vector<36x2601xf32>
        %slice3A_688 = vector.extract_strided_slice %get3A_673 {offsets = [0, 52], sizes = [1, 2549], strides = [1, 1]} : vector<1x2601xf32> to vector<1x2549xf32>
        %broadcast_in_dim3A_689 = arith.constant 0.000000e+00 : f32
        %broadcast_in_dim3A_690 = vector.broadcast %broadcast_in_dim3A_689 : f32 to vector<1x52xf32>
        %concatenate3A_691 = tpu.concatenate %slice3A_688, %broadcast_in_dim3A_690 in 1 : vector<1x2549xf32>, vector<1x52xf32> -> vector<1x2601xf32>
        %mul3A_692 = vector.broadcast %concatenate3A_691 : vector<1x2601xf32> to vector<36x2601xf32>
        %mul3A_693 = arith.mulf %get3A_670, %mul3A_692 : vector<36x2601xf32>
        %add3A_694 = arith.addf %scan3A_665, %mul3A_693 : vector<36x2601xf32>
        scf.yield %add3A_680, %add3A_687, %add3A_694 : vector<36x2601xf32>, vector<36x2601xf32>, vector<36x2601xf32>
      }
      %scan3A_208 = arith.constant 130 : i32
      %get3A_209 = arith.constant 6 : index
      %get3A_210 = arith.constant 0 : index
      %get3A_211 = vector.load %arg2[%get3A_209, %get3A_210] : memref<9x2601xf32, #tpu.memory_space<vmem>>, vector<1x2601xf32>
      %gt3A_212 = arith.constant 0.000000e+00 : f32
      %gt3A_213 = vector.broadcast %gt3A_212 : f32 to vector<1x2601xf32>
      %gt3A_214 = arith.cmpf ogt, %get3A_211, %gt3A_213 : vector<1x2601xf32>
      %mul3A_215 = arith.constant 2.000000e+00 : f32
      %mul3A_216 = vector.broadcast %mul3A_215 : f32 to vector<36x2601xf32>
      %mul3A_217 = arith.mulf %mul3A_216, %scan3A_207#0 : vector<36x2601xf32>
      %slice3A_218 = vector.extract_strided_slice %scan3A_22 {offsets = [0, 50], sizes = [1, 2551], strides = [1, 1]} : vector<1x2601xf32> to vector<1x2551xf32>
      %broadcast_in_dim3A_219 = arith.constant 0.000000e+00 : f32
      %broadcast_in_dim3A_220 = vector.broadcast %broadcast_in_dim3A_219 : f32 to vector<1x50xf32>
      %concatenate3A_221 = tpu.concatenate %slice3A_218, %broadcast_in_dim3A_220 in 1 : vector<1x2551xf32>, vector<1x50xf32> -> vector<1x2601xf32>
      %sub3A_222 = vector.broadcast %concatenate3A_221 : vector<1x2601xf32> to vector<36x2601xf32>
      %sub3A_223 = arith.subf %mul3A_217, %sub3A_222 : vector<36x2601xf32>
      %jit3A_224 = arith.constant -1.000000e+16 : f32
      %broadcast_in_dim3A_225 = vector.shape_cast %gt3A_214 : vector<1x2601xi1> to vector<1x2601xi1>
      %broadcast_in_dim3A_226 = vector.broadcast %broadcast_in_dim3A_225 : vector<1x2601xi1> to vector<36x2601xi1>
      %broadcast_in_dim3A_227 = vector.broadcast %jit3A_224 : f32 to vector<36x2601xf32>
      %select_n3A_228 = arith.select %broadcast_in_dim3A_226, %sub3A_223, %broadcast_in_dim3A_227 : vector<36x2601xi1>, vector<36x2601xf32>
      %swap3A_229 = arith.constant 6 : index
      %swap3A_230 = arith.constant 0 : index
      %swap3A_231 = arith.constant 0 : index
      %swap3A_232 = vector.load %arg3[%swap3A_229, %swap3A_230, %swap3A_231] : memref<9x36x2601xf32, #tpu.memory_space<vmem>>, vector<1x36x2601xf32>
      %swap3A_233 = vector.shape_cast %swap3A_232 : vector<1x36x2601xf32> to vector<36x2601xf32>
      %swap3A_234 = vector.shape_cast %select_n3A_228 : vector<36x2601xf32> to vector<1x36x2601xf32>
      tpu.vector_store %arg3[%swap3A_229, %swap3A_230, %swap3A_231], %swap3A_234 {strides = array<i32>} : memref<9x36x2601xf32, #tpu.memory_space<vmem>>, vector<1x36x2601xf32>,
      %max3A_235 = arith.maximumf %max3A_196, %select_n3A_228 : vector<36x2601xf32>
      %get3A_236 = arith.constant 7 : index
      %get3A_237 = arith.constant 0 : index
      %get3A_238 = vector.load %arg2[%get3A_236, %get3A_237] : memref<9x2601xf32, #tpu.memory_space<vmem>>, vector<1x2601xf32>
      %gt3A_239 = arith.constant 0.000000e+00 : f32
      %gt3A_240 = vector.broadcast %gt3A_239 : f32 to vector<1x2601xf32>
      %gt3A_241 = arith.cmpf ogt, %get3A_238, %gt3A_240 : vector<1x2601xf32>
      %mul3A_242 = arith.constant 2.000000e+00 : f32
      %mul3A_243 = vector.broadcast %mul3A_242 : f32 to vector<36x2601xf32>
      %mul3A_244 = arith.mulf %mul3A_243, %scan3A_207#1 : vector<36x2601xf32>
      %slice3A_245 = vector.extract_strided_slice %scan3A_22 {offsets = [0, 51], sizes = [1, 2550], strides = [1, 1]} : vector<1x2601xf32> to vector<1x2550xf32>
      %broadcast_in_dim3A_246 = arith.constant 0.000000e+00 : f32
      %broadcast_in_dim3A_247 = vector.broadcast %broadcast_in_dim3A_246 : f32 to vector<1x51xf32>
      %concatenate3A_248 = tpu.concatenate %slice3A_245, %broadcast_in_dim3A_247 in 1 : vector<1x2550xf32>, vector<1x51xf32> -> vector<1x2601xf32>
      %sub3A_249 = vector.broadcast %concatenate3A_248 : vector<1x2601xf32> to vector<36x2601xf32>
      %sub3A_250 = arith.subf %mul3A_244, %sub3A_249 : vector<36x2601xf32>
      %jit3A_251 = arith.constant -1.000000e+16 : f32
      %broadcast_in_dim3A_252 = vector.shape_cast %gt3A_241 : vector<1x2601xi1> to vector<1x2601xi1>
      %broadcast_in_dim3A_253 = vector.broadcast %broadcast_in_dim3A_252 : vector<1x2601xi1> to vector<36x2601xi1>
      %broadcast_in_dim3A_254 = vector.broadcast %jit3A_251 : f32 to vector<36x2601xf32>
      %select_n3A_255 = arith.select %broadcast_in_dim3A_253, %sub3A_250, %broadcast_in_dim3A_254 : vector<36x2601xi1>, vector<36x2601xf32>
      %swap3A_256 = arith.constant 7 : index
      %swap3A_257 = arith.constant 0 : index
      %swap3A_258 = arith.constant 0 : index
      %swap3A_259 = vector.load %arg3[%swap3A_256, %swap3A_257, %swap3A_258] : memref<9x36x2601xf32, #tpu.memory_space<vmem>>, vector<1x36x2601xf32>
      %swap3A_260 = vector.shape_cast %swap3A_259 : vector<1x36x2601xf32> to vector<36x2601xf32>
      %swap3A_261 = vector.shape_cast %select_n3A_255 : vector<36x2601xf32> to vector<1x36x2601xf32>
      tpu.vector_store %arg3[%swap3A_256, %swap3A_257, %swap3A_258], %swap3A_261 {strides = array<i32>} : memref<9x36x2601xf32, #tpu.memory_space<vmem>>, vector<1x36x2601xf32>,
      %max3A_262 = arith.maximumf %max3A_235, %select_n3A_255 : vector<36x2601xf32>
      %get3A_263 = arith.constant 8 : index
      %get3A_264 = arith.constant 0 : index
      %get3A_265 = vector.load %arg2[%get3A_263, %get3A_264] : memref<9x2601xf32, #tpu.memory_space<vmem>>, vector<1x2601xf32>
      %gt3A_266 = arith.constant 0.000000e+00 : f32
      %gt3A_267 = vector.broadcast %gt3A_266 : f32 to vector<1x2601xf32>
      %gt3A_268 = arith.cmpf ogt, %get3A_265, %gt3A_267 : vector<1x2601xf32>
      %mul3A_269 = arith.constant 2.000000e+00 : f32
      %mul3A_270 = vector.broadcast %mul3A_269 : f32 to vector<36x2601xf32>
      %mul3A_271 = arith.mulf %mul3A_270, %scan3A_207#2 : vector<36x2601xf32>
      %slice3A_272 = vector.extract_strided_slice %scan3A_22 {offsets = [0, 52], sizes = [1, 2549], strides = [1, 1]} : vector<1x2601xf32> to vector<1x2549xf32>
      %broadcast_in_dim3A_273 = arith.constant 0.000000e+00 : f32
      %broadcast_in_dim3A_274 = vector.broadcast %broadcast_in_dim3A_273 : f32 to vector<1x52xf32>
      %concatenate3A_275 = tpu.concatenate %slice3A_272, %broadcast_in_dim3A_274 in 1 : vector<1x2549xf32>, vector<1x52xf32> -> vector<1x2601xf32>
      %sub3A_276 = vector.broadcast %concatenate3A_275 : vector<1x2601xf32> to vector<36x2601xf32>
      %sub3A_277 = arith.subf %mul3A_271, %sub3A_276 : vector<36x2601xf32>
      %jit3A_278 = arith.constant -1.000000e+16 : f32
      %broadcast_in_dim3A_279 = vector.shape_cast %gt3A_268 : vector<1x2601xi1> to vector<1x2601xi1>
      %broadcast_in_dim3A_280 = vector.broadcast %broadcast_in_dim3A_279 : vector<1x2601xi1> to vector<36x2601xi1>
      %broadcast_in_dim3A_281 = vector.broadcast %jit3A_278 : f32 to vector<36x2601xf32>
      %select_n3A_282 = arith.select %broadcast_in_dim3A_280, %sub3A_277, %broadcast_in_dim3A_281 : vector<36x2601xi1>, vector<36x2601xf32>
      %swap3A_283 = arith.constant 8 : index
      %swap3A_284 = arith.constant 0 : index
      %swap3A_285 = arith.constant 0 : index
      %swap3A_286 = vector.load %arg3[%swap3A_283, %swap3A_284, %swap3A_285] : memref<9x36x2601xf32, #tpu.memory_space<vmem>>, vector<1x36x2601xf32>
      %swap3A_287 = vector.shape_cast %swap3A_286 : vector<1x36x2601xf32> to vector<36x2601xf32>
      %swap3A_288 = vector.shape_cast %select_n3A_282 : vector<36x2601xf32> to vector<1x36x2601xf32>
      tpu.vector_store %arg3[%swap3A_283, %swap3A_284, %swap3A_285], %swap3A_288 {strides = array<i32>} : memref<9x36x2601xf32, #tpu.memory_space<vmem>>, vector<1x36x2601xf32>,
      %max3A_289 = arith.maximumf %max3A_262, %select_n3A_282 : vector<36x2601xf32>
      %broadcast_in_dim3A_290 = arith.constant 0.000000e+00 : f32
      %broadcast_in_dim3A_291 = vector.broadcast %broadcast_in_dim3A_290 : f32 to vector<36x2601xf32>
      %get3A_292 = arith.constant 0 : index
      %get3A_293 = arith.constant 0 : index
      %get3A_294 = arith.constant 0 : index
      %get3A_295 = vector.load %arg3[%get3A_292, %get3A_293, %get3A_294] : memref<9x36x2601xf32, #tpu.memory_space<vmem>>, vector<1x36x2601xf32>
      %get3A_296 = vector.shape_cast %get3A_295 : vector<1x36x2601xf32> to vector<36x2601xf32>
      %sub3A_297 = arith.subf %get3A_296, %max3A_289 : vector<36x2601xf32>
      %exp3A = math.exp %sub3A_297 : vector<36x2601xf32>
      %swap3A_298 = arith.constant 0 : index
      %swap3A_299 = arith.constant 0 : index
      %swap3A_300 = arith.constant 0 : index
      %swap3A_301 = vector.load %arg3[%swap3A_298, %swap3A_299, %swap3A_300] : memref<9x36x2601xf32, #tpu.memory_space<vmem>>, vector<1x36x2601xf32>
      %swap3A_302 = vector.shape_cast %swap3A_301 : vector<1x36x2601xf32> to vector<36x2601xf32>
      %swap3A_303 = vector.shape_cast %exp3A : vector<36x2601xf32> to vector<1x36x2601xf32>
      tpu.vector_store %arg3[%swap3A_298, %swap3A_299, %swap3A_300], %swap3A_303 {strides = array<i32>} : memref<9x36x2601xf32, #tpu.memory_space<vmem>>, vector<1x36x2601xf32>,
      %add3A = arith.addf %broadcast_in_dim3A_291, %exp3A : vector<36x2601xf32>
      %get3A_304 = arith.constant 1 : index
      %get3A_305 = arith.constant 0 : index
      %get3A_306 = arith.constant 0 : index
      %get3A_307 = vector.load %arg3[%get3A_304, %get3A_305, %get3A_306] : memref<9x36x2601xf32, #tpu.memory_space<vmem>>, vector<1x36x2601xf32>
      %get3A_308 = vector.shape_cast %get3A_307 : vector<1x36x2601xf32> to vector<36x2601xf32>
      %sub3A_309 = arith.subf %get3A_308, %max3A_289 : vector<36x2601xf32>
      %exp3A_310 = math.exp %sub3A_309 : vector<36x2601xf32>
      %swap3A_311 = arith.constant 1 : index
      %swap3A_312 = arith.constant 0 : index
      %swap3A_313 = arith.constant 0 : index
      %swap3A_314 = vector.load %arg3[%swap3A_311, %swap3A_312, %swap3A_313] : memref<9x36x2601xf32, #tpu.memory_space<vmem>>, vector<1x36x2601xf32>
      %swap3A_315 = vector.shape_cast %swap3A_314 : vector<1x36x2601xf32> to vector<36x2601xf32>
      %swap3A_316 = vector.shape_cast %exp3A_310 : vector<36x2601xf32> to vector<1x36x2601xf32>
      tpu.vector_store %arg3[%swap3A_311, %swap3A_312, %swap3A_313], %swap3A_316 {strides = array<i32>} : memref<9x36x2601xf32, #tpu.memory_space<vmem>>, vector<1x36x2601xf32>,
      %add3A_317 = arith.addf %add3A, %exp3A_310 : vector<36x2601xf32>
      %get3A_318 = arith.constant 2 : index
      %get3A_319 = arith.constant 0 : index
      %get3A_320 = arith.constant 0 : index
      %get3A_321 = vector.load %arg3[%get3A_318, %get3A_319, %get3A_320] : memref<9x36x2601xf32, #tpu.memory_space<vmem>>, vector<1x36x2601xf32>
      %get3A_322 = vector.shape_cast %get3A_321 : vector<1x36x2601xf32> to vector<36x2601xf32>
      %sub3A_323 = arith.subf %get3A_322, %max3A_289 : vector<36x2601xf32>
      %exp3A_324 = math.exp %sub3A_323 : vector<36x2601xf32>
      %swap3A_325 = arith.constant 2 : index
      %swap3A_326 = arith.constant 0 : index
      %swap3A_327 = arith.constant 0 : index
      %swap3A_328 = vector.load %arg3[%swap3A_325, %swap3A_326, %swap3A_327] : memref<9x36x2601xf32, #tpu.memory_space<vmem>>, vector<1x36x2601xf32>
      %swap3A_329 = vector.shape_cast %swap3A_328 : vector<1x36x2601xf32> to vector<36x2601xf32>
      %swap3A_330 = vector.shape_cast %exp3A_324 : vector<36x2601xf32> to vector<1x36x2601xf32>
      tpu.vector_store %arg3[%swap3A_325, %swap3A_326, %swap3A_327], %swap3A_330 {strides = array<i32>} : memref<9x36x2601xf32, #tpu.memory_space<vmem>>, vector<1x36x2601xf32>,
      %add3A_331 = arith.addf %add3A_317, %exp3A_324 : vector<36x2601xf32>
      %get3A_332 = arith.constant 3 : index
      %get3A_333 = arith.constant 0 : index
      %get3A_334 = arith.constant 0 : index
      %get3A_335 = vector.load %arg3[%get3A_332, %get3A_333, %get3A_334] : memref<9x36x2601xf32, #tpu.memory_space<vmem>>, vector<1x36x2601xf32>
      %get3A_336 = vector.shape_cast %get3A_335 : vector<1x36x2601xf32> to vector<36x2601xf32>
      %sub3A_337 = arith.subf %get3A_336, %max3A_289 : vector<36x2601xf32>
      %exp3A_338 = math.exp %sub3A_337 : vector<36x2601xf32>
      %swap3A_339 = arith.constant 3 : index
      %swap3A_340 = arith.constant 0 : index
      %swap3A_341 = arith.constant 0 : index
      %swap3A_342 = vector.load %arg3[%swap3A_339, %swap3A_340, %swap3A_341] : memref<9x36x2601xf32, #tpu.memory_space<vmem>>, vector<1x36x2601xf32>
      %swap3A_343 = vector.shape_cast %swap3A_342 : vector<1x36x2601xf32> to vector<36x2601xf32>
      %swap3A_344 = vector.shape_cast %exp3A_338 : vector<36x2601xf32> to vector<1x36x2601xf32>
      tpu.vector_store %arg3[%swap3A_339, %swap3A_340, %swap3A_341], %swap3A_344 {strides = array<i32>} : memref<9x36x2601xf32, #tpu.memory_space<vmem>>, vector<1x36x2601xf32>,
      %add3A_345 = arith.addf %add3A_331, %exp3A_338 : vector<36x2601xf32>
      %get3A_346 = arith.constant 4 : index
      %get3A_347 = arith.constant 0 : index
      %get3A_348 = arith.constant 0 : index
      %get3A_349 = vector.load %arg3[%get3A_346, %get3A_347, %get3A_348] : memref<9x36x2601xf32, #tpu.memory_space<vmem>>, vector<1x36x2601xf32>
      %get3A_350 = vector.shape_cast %get3A_349 : vector<1x36x2601xf32> to vector<36x2601xf32>
      %sub3A_351 = arith.subf %get3A_350, %max3A_289 : vector<36x2601xf32>
      %exp3A_352 = math.exp %sub3A_351 : vector<36x2601xf32>
      %swap3A_353 = arith.constant 4 : index
      %swap3A_354 = arith.constant 0 : index
      %swap3A_355 = arith.constant 0 : index
      %swap3A_356 = vector.load %arg3[%swap3A_353, %swap3A_354, %swap3A_355] : memref<9x36x2601xf32, #tpu.memory_space<vmem>>, vector<1x36x2601xf32>
      %swap3A_357 = vector.shape_cast %swap3A_356 : vector<1x36x2601xf32> to vector<36x2601xf32>
      %swap3A_358 = vector.shape_cast %exp3A_352 : vector<36x2601xf32> to vector<1x36x2601xf32>
      tpu.vector_store %arg3[%swap3A_353, %swap3A_354, %swap3A_355], %swap3A_358 {strides = array<i32>} : memref<9x36x2601xf32, #tpu.memory_space<vmem>>, vector<1x36x2601xf32>,
      %add3A_359 = arith.addf %add3A_345, %exp3A_352 : vector<36x2601xf32>
      %get3A_360 = arith.constant 5 : index
      %get3A_361 = arith.constant 0 : index
      %get3A_362 = arith.constant 0 : index
      %get3A_363 = vector.load %arg3[%get3A_360, %get3A_361, %get3A_362] : memref<9x36x2601xf32, #tpu.memory_space<vmem>>, vector<1x36x2601xf32>
      %get3A_364 = vector.shape_cast %get3A_363 : vector<1x36x2601xf32> to vector<36x2601xf32>
      %sub3A_365 = arith.subf %get3A_364, %max3A_289 : vector<36x2601xf32>
      %exp3A_366 = math.exp %sub3A_365 : vector<36x2601xf32>
      %swap3A_367 = arith.constant 5 : index
      %swap3A_368 = arith.constant 0 : index
      %swap3A_369 = arith.constant 0 : index
      %swap3A_370 = vector.load %arg3[%swap3A_367, %swap3A_368, %swap3A_369] : memref<9x36x2601xf32, #tpu.memory_space<vmem>>, vector<1x36x2601xf32>
      %swap3A_371 = vector.shape_cast %swap3A_370 : vector<1x36x2601xf32> to vector<36x2601xf32>
      %swap3A_372 = vector.shape_cast %exp3A_366 : vector<36x2601xf32> to vector<1x36x2601xf32>
      tpu.vector_store %arg3[%swap3A_367, %swap3A_368, %swap3A_369], %swap3A_372 {strides = array<i32>} : memref<9x36x2601xf32, #tpu.memory_space<vmem>>, vector<1x36x2601xf32>,
      %add3A_373 = arith.addf %add3A_359, %exp3A_366 : vector<36x2601xf32>
      %get3A_374 = arith.constant 6 : index
      %get3A_375 = arith.constant 0 : index
      %get3A_376 = arith.constant 0 : index
      %get3A_377 = vector.load %arg3[%get3A_374, %get3A_375, %get3A_376] : memref<9x36x2601xf32, #tpu.memory_space<vmem>>, vector<1x36x2601xf32>
      %get3A_378 = vector.shape_cast %get3A_377 : vector<1x36x2601xf32> to vector<36x2601xf32>
      %sub3A_379 = arith.subf %get3A_378, %max3A_289 : vector<36x2601xf32>
      %exp3A_380 = math.exp %sub3A_379 : vector<36x2601xf32>
      %swap3A_381 = arith.constant 6 : index
      %swap3A_382 = arith.constant 0 : index
      %swap3A_383 = arith.constant 0 : index
      %swap3A_384 = vector.load %arg3[%swap3A_381, %swap3A_382, %swap3A_383] : memref<9x36x2601xf32, #tpu.memory_space<vmem>>, vector<1x36x2601xf32>
      %swap3A_385 = vector.shape_cast %swap3A_384 : vector<1x36x2601xf32> to vector<36x2601xf32>
      %swap3A_386 = vector.shape_cast %exp3A_380 : vector<36x2601xf32> to vector<1x36x2601xf32>
      tpu.vector_store %arg3[%swap3A_381, %swap3A_382, %swap3A_383], %swap3A_386 {strides = array<i32>} : memref<9x36x2601xf32, #tpu.memory_space<vmem>>, vector<1x36x2601xf32>,
      %add3A_387 = arith.addf %add3A_373, %exp3A_380 : vector<36x2601xf32>
      %get3A_388 = arith.constant 7 : index
      %get3A_389 = arith.constant 0 : index
      %get3A_390 = arith.constant 0 : index
      %get3A_391 = vector.load %arg3[%get3A_388, %get3A_389, %get3A_390] : memref<9x36x2601xf32, #tpu.memory_space<vmem>>, vector<1x36x2601xf32>
      %get3A_392 = vector.shape_cast %get3A_391 : vector<1x36x2601xf32> to vector<36x2601xf32>
      %sub3A_393 = arith.subf %get3A_392, %max3A_289 : vector<36x2601xf32>
      %exp3A_394 = math.exp %sub3A_393 : vector<36x2601xf32>
      %swap3A_395 = arith.constant 7 : index
      %swap3A_396 = arith.constant 0 : index
      %swap3A_397 = arith.constant 0 : index
      %swap3A_398 = vector.load %arg3[%swap3A_395, %swap3A_396, %swap3A_397] : memref<9x36x2601xf32, #tpu.memory_space<vmem>>, vector<1x36x2601xf32>
      %swap3A_399 = vector.shape_cast %swap3A_398 : vector<1x36x2601xf32> to vector<36x2601xf32>
      %swap3A_400 = vector.shape_cast %exp3A_394 : vector<36x2601xf32> to vector<1x36x2601xf32>
      tpu.vector_store %arg3[%swap3A_395, %swap3A_396, %swap3A_397], %swap3A_400 {strides = array<i32>} : memref<9x36x2601xf32, #tpu.memory_space<vmem>>, vector<1x36x2601xf32>,
      %add3A_401 = arith.addf %add3A_387, %exp3A_394 : vector<36x2601xf32>
      %get3A_402 = arith.constant 8 : index
      %get3A_403 = arith.constant 0 : index
      %get3A_404 = arith.constant 0 : index
      %get3A_405 = vector.load %arg3[%get3A_402, %get3A_403, %get3A_404] : memref<9x36x2601xf32, #tpu.memory_space<vmem>>, vector<1x36x2601xf32>
      %get3A_406 = vector.shape_cast %get3A_405 : vector<1x36x2601xf32> to vector<36x2601xf32>
      %sub3A_407 = arith.subf %get3A_406, %max3A_289 : vector<36x2601xf32>
      %exp3A_408 = math.exp %sub3A_407 : vector<36x2601xf32>
      %swap3A_409 = arith.constant 8 : index
      %swap3A_410 = arith.constant 0 : index
      %swap3A_411 = arith.constant 0 : index
      %swap3A_412 = vector.load %arg3[%swap3A_409, %swap3A_410, %swap3A_411] : memref<9x36x2601xf32, #tpu.memory_space<vmem>>, vector<1x36x2601xf32>
      %swap3A_413 = vector.shape_cast %swap3A_412 : vector<1x36x2601xf32> to vector<36x2601xf32>
      %swap3A_414 = vector.shape_cast %exp3A_408 : vector<36x2601xf32> to vector<1x36x2601xf32>
      tpu.vector_store %arg3[%swap3A_409, %swap3A_410, %swap3A_411], %swap3A_414 {strides = array<i32>} : memref<9x36x2601xf32, #tpu.memory_space<vmem>>, vector<1x36x2601xf32>,
      %add3A_415 = arith.addf %add3A_401, %exp3A_408 : vector<36x2601xf32>
      %div3A_416 = arith.constant 1.000000e+00 : f32
      %div3A_417 = vector.broadcast %div3A_416 : f32 to vector<36x2601xf32>
      %div3A_418 = arith.divf %div3A_417, %add3A_415 : vector<36x2601xf32>
      %get3A_419 = arith.constant 0 : index
      %get3A_420 = arith.constant 0 : index
      %get3A_421 = arith.constant 0 : index
      %get3A_422 = vector.load %arg3[%get3A_419, %get3A_420, %get3A_421] : memref<9x36x2601xf32, #tpu.memory_space<vmem>>, vector<1x36x2601xf32>
      %get3A_423 = vector.shape_cast %get3A_422 : vector<1x36x2601xf32> to vector<36x2601xf32>
      %mul3A_424 = arith.mulf %get3A_423, %div3A_418 : vector<36x2601xf32>
      %mul3A_425 = arith.mulf %mul3A_424, %get3A_1 : vector<36x2601xf32>
      %swap3A_426 = arith.constant 0 : index
      %swap3A_427 = arith.constant 0 : index
      %swap3A_428 = arith.constant 0 : index
      %swap3A_429 = vector.load %arg3[%swap3A_426, %swap3A_427, %swap3A_428] : memref<9x36x2601xf32, #tpu.memory_space<vmem>>, vector<1x36x2601xf32>
      %swap3A_430 = vector.shape_cast %swap3A_429 : vector<1x36x2601xf32> to vector<36x2601xf32>
      %swap3A_431 = vector.shape_cast %mul3A_425 : vector<36x2601xf32> to vector<1x36x2601xf32>
      tpu.vector_store %arg3[%swap3A_426, %swap3A_427, %swap3A_428], %swap3A_431 {strides = array<i32>} : memref<9x36x2601xf32, #tpu.memory_space<vmem>>, vector<1x36x2601xf32>,
      %get3A_432 = arith.constant 1 : index
      %get3A_433 = arith.constant 0 : index
      %get3A_434 = arith.constant 0 : index
      %get3A_435 = vector.load %arg3[%get3A_432, %get3A_433, %get3A_434] : memref<9x36x2601xf32, #tpu.memory_space<vmem>>, vector<1x36x2601xf32>
      %get3A_436 = vector.shape_cast %get3A_435 : vector<1x36x2601xf32> to vector<36x2601xf32>
      %mul3A_437 = arith.mulf %get3A_436, %div3A_418 : vector<36x2601xf32>
      %mul3A_438 = arith.mulf %mul3A_437, %get3A_1 : vector<36x2601xf32>
      %swap3A_439 = arith.constant 1 : index
      %swap3A_440 = arith.constant 0 : index
      %swap3A_441 = arith.constant 0 : index
      %swap3A_442 = vector.load %arg3[%swap3A_439, %swap3A_440, %swap3A_441] : memref<9x36x2601xf32, #tpu.memory_space<vmem>>, vector<1x36x2601xf32>
      %swap3A_443 = vector.shape_cast %swap3A_442 : vector<1x36x2601xf32> to vector<36x2601xf32>
      %swap3A_444 = vector.shape_cast %mul3A_438 : vector<36x2601xf32> to vector<1x36x2601xf32>
      tpu.vector_store %arg3[%swap3A_439, %swap3A_440, %swap3A_441], %swap3A_444 {strides = array<i32>} : memref<9x36x2601xf32, #tpu.memory_space<vmem>>, vector<1x36x2601xf32>,
      %get3A_445 = arith.constant 2 : index
      %get3A_446 = arith.constant 0 : index
      %get3A_447 = arith.constant 0 : index
      %get3A_448 = vector.load %arg3[%get3A_445, %get3A_446, %get3A_447] : memref<9x36x2601xf32, #tpu.memory_space<vmem>>, vector<1x36x2601xf32>
      %get3A_449 = vector.shape_cast %get3A_448 : vector<1x36x2601xf32> to vector<36x2601xf32>
      %mul3A_450 = arith.mulf %get3A_449, %div3A_418 : vector<36x2601xf32>
      %mul3A_451 = arith.mulf %mul3A_450, %get3A_1 : vector<36x2601xf32>
      %swap3A_452 = arith.constant 2 : index
      %swap3A_453 = arith.constant 0 : index
      %swap3A_454 = arith.constant 0 : index
      %swap3A_455 = vector.load %arg3[%swap3A_452, %swap3A_453, %swap3A_454] : memref<9x36x2601xf32, #tpu.memory_space<vmem>>, vector<1x36x2601xf32>
      %swap3A_456 = vector.shape_cast %swap3A_455 : vector<1x36x2601xf32> to vector<36x2601xf32>
      %swap3A_457 = vector.shape_cast %mul3A_451 : vector<36x2601xf32> to vector<1x36x2601xf32>
      tpu.vector_store %arg3[%swap3A_452, %swap3A_453, %swap3A_454], %swap3A_457 {strides = array<i32>} : memref<9x36x2601xf32, #tpu.memory_space<vmem>>, vector<1x36x2601xf32>,
      %get3A_458 = arith.constant 3 : index
      %get3A_459 = arith.constant 0 : index
      %get3A_460 = arith.constant 0 : index
      %get3A_461 = vector.load %arg3[%get3A_458, %get3A_459, %get3A_460] : memref<9x36x2601xf32, #tpu.memory_space<vmem>>, vector<1x36x2601xf32>
      %get3A_462 = vector.shape_cast %get3A_461 : vector<1x36x2601xf32> to vector<36x2601xf32>
      %mul3A_463 = arith.mulf %get3A_462, %div3A_418 : vector<36x2601xf32>
      %mul3A_464 = arith.mulf %mul3A_463, %get3A_1 : vector<36x2601xf32>
      %swap3A_465 = arith.constant 3 : index
      %swap3A_466 = arith.constant 0 : index
      %swap3A_467 = arith.constant 0 : index
      %swap3A_468 = vector.load %arg3[%swap3A_465, %swap3A_466, %swap3A_467] : memref<9x36x2601xf32, #tpu.memory_space<vmem>>, vector<1x36x2601xf32>
      %swap3A_469 = vector.shape_cast %swap3A_468 : vector<1x36x2601xf32> to vector<36x2601xf32>
      %swap3A_470 = vector.shape_cast %mul3A_464 : vector<36x2601xf32> to vector<1x36x2601xf32>
      tpu.vector_store %arg3[%swap3A_465, %swap3A_466, %swap3A_467], %swap3A_470 {strides = array<i32>} : memref<9x36x2601xf32, #tpu.memory_space<vmem>>, vector<1x36x2601xf32>,
      %get3A_471 = arith.constant 4 : index
      %get3A_472 = arith.constant 0 : index
      %get3A_473 = arith.constant 0 : index
      %get3A_474 = vector.load %arg3[%get3A_471, %get3A_472, %get3A_473] : memref<9x36x2601xf32, #tpu.memory_space<vmem>>, vector<1x36x2601xf32>
      %get3A_475 = vector.shape_cast %get3A_474 : vector<1x36x2601xf32> to vector<36x2601xf32>
      %mul3A_476 = arith.mulf %get3A_475, %div3A_418 : vector<36x2601xf32>
      %mul3A_477 = arith.mulf %mul3A_476, %get3A_1 : vector<36x2601xf32>
      %swap3A_478 = arith.constant 4 : index
      %swap3A_479 = arith.constant 0 : index
      %swap3A_480 = arith.constant 0 : index
      %swap3A_481 = vector.load %arg3[%swap3A_478, %swap3A_479, %swap3A_480] : memref<9x36x2601xf32, #tpu.memory_space<vmem>>, vector<1x36x2601xf32>
      %swap3A_482 = vector.shape_cast %swap3A_481 : vector<1x36x2601xf32> to vector<36x2601xf32>
      %swap3A_483 = vector.shape_cast %mul3A_477 : vector<36x2601xf32> to vector<1x36x2601xf32>
      tpu.vector_store %arg3[%swap3A_478, %swap3A_479, %swap3A_480], %swap3A_483 {strides = array<i32>} : memref<9x36x2601xf32, #tpu.memory_space<vmem>>, vector<1x36x2601xf32>,
      %get3A_484 = arith.constant 5 : index
      %get3A_485 = arith.constant 0 : index
      %get3A_486 = arith.constant 0 : index
      %get3A_487 = vector.load %arg3[%get3A_484, %get3A_485, %get3A_486] : memref<9x36x2601xf32, #tpu.memory_space<vmem>>, vector<1x36x2601xf32>
      %get3A_488 = vector.shape_cast %get3A_487 : vector<1x36x2601xf32> to vector<36x2601xf32>
      %mul3A_489 = arith.mulf %get3A_488, %div3A_418 : vector<36x2601xf32>
      %mul3A_490 = arith.mulf %mul3A_489, %get3A_1 : vector<36x2601xf32>
      %swap3A_491 = arith.constant 5 : index
      %swap3A_492 = arith.constant 0 : index
      %swap3A_493 = arith.constant 0 : index
      %swap3A_494 = vector.load %arg3[%swap3A_491, %swap3A_492, %swap3A_493] : memref<9x36x2601xf32, #tpu.memory_space<vmem>>, vector<1x36x2601xf32>
      %swap3A_495 = vector.shape_cast %swap3A_494 : vector<1x36x2601xf32> to vector<36x2601xf32>
      %swap3A_496 = vector.shape_cast %mul3A_490 : vector<36x2601xf32> to vector<1x36x2601xf32>
      tpu.vector_store %arg3[%swap3A_491, %swap3A_492, %swap3A_493], %swap3A_496 {strides = array<i32>} : memref<9x36x2601xf32, #tpu.memory_space<vmem>>, vector<1x36x2601xf32>,
      %get3A_497 = arith.constant 6 : index
      %get3A_498 = arith.constant 0 : index
      %get3A_499 = arith.constant 0 : index
      %get3A_500 = vector.load %arg3[%get3A_497, %get3A_498, %get3A_499] : memref<9x36x2601xf32, #tpu.memory_space<vmem>>, vector<1x36x2601xf32>
      %get3A_501 = vector.shape_cast %get3A_500 : vector<1x36x2601xf32> to vector<36x2601xf32>
      %mul3A_502 = arith.mulf %get3A_501, %div3A_418 : vector<36x2601xf32>
      %mul3A_503 = arith.mulf %mul3A_502, %get3A_1 : vector<36x2601xf32>
      %swap3A_504 = arith.constant 6 : index
      %swap3A_505 = arith.constant 0 : index
      %swap3A_506 = arith.constant 0 : index
      %swap3A_507 = vector.load %arg3[%swap3A_504, %swap3A_505, %swap3A_506] : memref<9x36x2601xf32, #tpu.memory_space<vmem>>, vector<1x36x2601xf32>
      %swap3A_508 = vector.shape_cast %swap3A_507 : vector<1x36x2601xf32> to vector<36x2601xf32>
      %swap3A_509 = vector.shape_cast %mul3A_503 : vector<36x2601xf32> to vector<1x36x2601xf32>
      tpu.vector_store %arg3[%swap3A_504, %swap3A_505, %swap3A_506], %swap3A_509 {strides = array<i32>} : memref<9x36x2601xf32, #tpu.memory_space<vmem>>, vector<1x36x2601xf32>,
      %get3A_510 = arith.constant 7 : index
      %get3A_511 = arith.constant 0 : index
      %get3A_512 = arith.constant 0 : index
      %get3A_513 = vector.load %arg3[%get3A_510, %get3A_511, %get3A_512] : memref<9x36x2601xf32, #tpu.memory_space<vmem>>, vector<1x36x2601xf32>
      %get3A_514 = vector.shape_cast %get3A_513 : vector<1x36x2601xf32> to vector<36x2601xf32>
      %mul3A_515 = arith.mulf %get3A_514, %div3A_418 : vector<36x2601xf32>
      %mul3A_516 = arith.mulf %mul3A_515, %get3A_1 : vector<36x2601xf32>
      %swap3A_517 = arith.constant 7 : index
      %swap3A_518 = arith.constant 0 : index
      %swap3A_519 = arith.constant 0 : index
      %swap3A_520 = vector.load %arg3[%swap3A_517, %swap3A_518, %swap3A_519] : memref<9x36x2601xf32, #tpu.memory_space<vmem>>, vector<1x36x2601xf32>
      %swap3A_521 = vector.shape_cast %swap3A_520 : vector<1x36x2601xf32> to vector<36x2601xf32>
      %swap3A_522 = vector.shape_cast %mul3A_516 : vector<36x2601xf32> to vector<1x36x2601xf32>
      tpu.vector_store %arg3[%swap3A_517, %swap3A_518, %swap3A_519], %swap3A_522 {strides = array<i32>} : memref<9x36x2601xf32, #tpu.memory_space<vmem>>, vector<1x36x2601xf32>,
      %get3A_523 = arith.constant 8 : index
      %get3A_524 = arith.constant 0 : index
      %get3A_525 = arith.constant 0 : index
      %get3A_526 = vector.load %arg3[%get3A_523, %get3A_524, %get3A_525] : memref<9x36x2601xf32, #tpu.memory_space<vmem>>, vector<1x36x2601xf32>
      %get3A_527 = vector.shape_cast %get3A_526 : vector<1x36x2601xf32> to vector<36x2601xf32>
      %mul3A_528 = arith.mulf %get3A_527, %div3A_418 : vector<36x2601xf32>
      %mul3A_529 = arith.mulf %mul3A_528, %get3A_1 : vector<36x2601xf32>
      %swap3A_530 = arith.constant 8 : index
      %swap3A_531 = arith.constant 0 : index
      %swap3A_532 = arith.constant 0 : index
      %swap3A_533 = vector.load %arg3[%swap3A_530, %swap3A_531, %swap3A_532] : memref<9x36x2601xf32, #tpu.memory_space<vmem>>, vector<1x36x2601xf32>
      %swap3A_534 = vector.shape_cast %swap3A_533 : vector<1x36x2601xf32> to vector<36x2601xf32>
      %swap3A_535 = vector.shape_cast %mul3A_529 : vector<36x2601xf32> to vector<1x36x2601xf32>
      tpu.vector_store %arg3[%swap3A_530, %swap3A_531, %swap3A_532], %swap3A_535 {strides = array<i32>} : memref<9x36x2601xf32, #tpu.memory_space<vmem>>, vector<1x36x2601xf32>,
      %broadcast_in_dim3A_536 = arith.constant 0.000000e+00 : f32
      %broadcast_in_dim3A_537 = vector.broadcast %broadcast_in_dim3A_536 : f32 to vector<1x2601xf32>
      %get3A_538 = arith.constant 0 : index
      %get3A_539 = arith.constant 0 : index
      %get3A_540 = arith.constant 0 : index
      %get3A_541 = vector.load %arg3[%get3A_538, %get3A_539, %get3A_540] : memref<9x36x2601xf32, #tpu.memory_space<vmem>>, vector<1x36x2601xf32>
      %get3A_542 = vector.shape_cast %get3A_541 : vector<1x36x2601xf32> to vector<36x2601xf32>
      %reduce_sum3A_543 = arith.constant dense<0.000000e+00> : vector<2601xf32>
      %reduce_sum3A_544 = vector.multi_reduction <add>, %get3A_542, %reduce_sum3A_543 [0] : vector<36x2601xf32> to vector<2601xf32>
      %broadcast_in_dim3A_545 = vector.shape_cast %reduce_sum3A_544 : vector<2601xf32> to vector<1x2601xf32>
      %slice3A_546 = vector.extract_strided_slice %broadcast_in_dim3A_545 {offsets = [0, 52], sizes = [1, 2549], strides = [1, 1]} : vector<1x2601xf32> to vector<1x2549xf32>
      %broadcast_in_dim3A_547 = arith.constant 0.000000e+00 : f32
      %broadcast_in_dim3A_548 = vector.broadcast %broadcast_in_dim3A_547 : f32 to vector<1x52xf32>
      %concatenate3A_549 = tpu.concatenate %slice3A_546, %broadcast_in_dim3A_548 in 1 : vector<1x2549xf32>, vector<1x52xf32> -> vector<1x2601xf32>
      %add3A_550 = arith.addf %broadcast_in_dim3A_537, %concatenate3A_549 : vector<1x2601xf32>
      %get3A_551 = arith.constant 1 : index
      %get3A_552 = arith.constant 0 : index
      %get3A_553 = arith.constant 0 : index
      %get3A_554 = vector.load %arg3[%get3A_551, %get3A_552, %get3A_553] : memref<9x36x2601xf32, #tpu.memory_space<vmem>>, vector<1x36x2601xf32>
      %get3A_555 = vector.shape_cast %get3A_554 : vector<1x36x2601xf32> to vector<36x2601xf32>
      %reduce_sum3A_556 = arith.constant dense<0.000000e+00> : vector<2601xf32>
      %reduce_sum3A_557 = vector.multi_reduction <add>, %get3A_555, %reduce_sum3A_556 [0] : vector<36x2601xf32> to vector<2601xf32>
      %broadcast_in_dim3A_558 = vector.shape_cast %reduce_sum3A_557 : vector<2601xf32> to vector<1x2601xf32>
      %slice3A_559 = vector.extract_strided_slice %broadcast_in_dim3A_558 {offsets = [0, 51], sizes = [1, 2550], strides = [1, 1]} : vector<1x2601xf32> to vector<1x2550xf32>
      %broadcast_in_dim3A_560 = arith.constant 0.000000e+00 : f32
      %broadcast_in_dim3A_561 = vector.broadcast %broadcast_in_dim3A_560 : f32 to vector<1x51xf32>
      %concatenate3A_562 = tpu.concatenate %slice3A_559, %broadcast_in_dim3A_561 in 1 : vector<1x2550xf32>, vector<1x51xf32> -> vector<1x2601xf32>
      %add3A_563 = arith.addf %add3A_550, %concatenate3A_562 : vector<1x2601xf32>
      %get3A_564 = arith.constant 2 : index
      %get3A_565 = arith.constant 0 : index
      %get3A_566 = arith.constant 0 : index
      %get3A_567 = vector.load %arg3[%get3A_564, %get3A_565, %get3A_566] : memref<9x36x2601xf32, #tpu.memory_space<vmem>>, vector<1x36x2601xf32>
      %get3A_568 = vector.shape_cast %get3A_567 : vector<1x36x2601xf32> to vector<36x2601xf32>
      %reduce_sum3A_569 = arith.constant dense<0.000000e+00> : vector<2601xf32>
      %reduce_sum3A_570 = vector.multi_reduction <add>, %get3A_568, %reduce_sum3A_569 [0] : vector<36x2601xf32> to vector<2601xf32>
      %broadcast_in_dim3A_571 = vector.shape_cast %reduce_sum3A_570 : vector<2601xf32> to vector<1x2601xf32>
      %slice3A_572 = vector.extract_strided_slice %broadcast_in_dim3A_571 {offsets = [0, 50], sizes = [1, 2551], strides = [1, 1]} : vector<1x2601xf32> to vector<1x2551xf32>
      %broadcast_in_dim3A_573 = arith.constant 0.000000e+00 : f32
      %broadcast_in_dim3A_574 = vector.broadcast %broadcast_in_dim3A_573 : f32 to vector<1x50xf32>
      %concatenate3A_575 = tpu.concatenate %slice3A_572, %broadcast_in_dim3A_574 in 1 : vector<1x2551xf32>, vector<1x50xf32> -> vector<1x2601xf32>
      %add3A_576 = arith.addf %add3A_563, %concatenate3A_575 : vector<1x2601xf32>
      %get3A_577 = arith.constant 3 : index
      %get3A_578 = arith.constant 0 : index
      %get3A_579 = arith.constant 0 : index
      %get3A_580 = vector.load %arg3[%get3A_577, %get3A_578, %get3A_579] : memref<9x36x2601xf32, #tpu.memory_space<vmem>>, vector<1x36x2601xf32>
      %get3A_581 = vector.shape_cast %get3A_580 : vector<1x36x2601xf32> to vector<36x2601xf32>
      %reduce_sum3A_582 = arith.constant dense<0.000000e+00> : vector<2601xf32>
      %reduce_sum3A_583 = vector.multi_reduction <add>, %get3A_581, %reduce_sum3A_582 [0] : vector<36x2601xf32> to vector<2601xf32>
      %broadcast_in_dim3A_584 = vector.shape_cast %reduce_sum3A_583 : vector<2601xf32> to vector<1x2601xf32>
      %slice3A_585 = vector.extract_strided_slice %broadcast_in_dim3A_584 {offsets = [0, 1], sizes = [1, 2600], strides = [1, 1]} : vector<1x2601xf32> to vector<1x2600xf32>
      %broadcast_in_dim3A_586 = arith.constant 0.000000e+00 : f32
      %broadcast_in_dim3A_587 = vector.broadcast %broadcast_in_dim3A_586 : f32 to vector<1x1xf32>
      %concatenate3A_588 = tpu.concatenate %slice3A_585, %broadcast_in_dim3A_587 in 1 : vector<1x2600xf32>, vector<1x1xf32> -> vector<1x2601xf32>
      %add3A_589 = arith.addf %add3A_576, %concatenate3A_588 : vector<1x2601xf32>
      %get3A_590 = arith.constant 4 : index
      %get3A_591 = arith.constant 0 : index
      %get3A_592 = arith.constant 0 : index
      %get3A_593 = vector.load %arg3[%get3A_590, %get3A_591, %get3A_592] : memref<9x36x2601xf32, #tpu.memory_space<vmem>>, vector<1x36x2601xf32>
      %get3A_594 = vector.shape_cast %get3A_593 : vector<1x36x2601xf32> to vector<36x2601xf32>
      %reduce_sum3A_595 = arith.constant dense<0.000000e+00> : vector<2601xf32>
      %reduce_sum3A_596 = vector.multi_reduction <add>, %get3A_594, %reduce_sum3A_595 [0] : vector<36x2601xf32> to vector<2601xf32>
      %broadcast_in_dim3A_597 = vector.shape_cast %reduce_sum3A_596 : vector<2601xf32> to vector<1x2601xf32>
      %add3A_598 = arith.addf %add3A_589, %broadcast_in_dim3A_597 : vector<1x2601xf32>
      %get3A_599 = arith.constant 5 : index
      %get3A_600 = arith.constant 0 : index
      %get3A_601 = arith.constant 0 : index
      %get3A_602 = vector.load %arg3[%get3A_599, %get3A_600, %get3A_601] : memref<9x36x2601xf32, #tpu.memory_space<vmem>>, vector<1x36x2601xf32>
      %get3A_603 = vector.shape_cast %get3A_602 : vector<1x36x2601xf32> to vector<36x2601xf32>
      %reduce_sum3A_604 = arith.constant dense<0.000000e+00> : vector<2601xf32>
      %reduce_sum3A_605 = vector.multi_reduction <add>, %get3A_603, %reduce_sum3A_604 [0] : vector<36x2601xf32> to vector<2601xf32>
      %broadcast_in_dim3A_606 = vector.shape_cast %reduce_sum3A_605 : vector<2601xf32> to vector<1x2601xf32>
      %broadcast_in_dim3A_607 = arith.constant 0.000000e+00 : f32
      %broadcast_in_dim3A_608 = vector.broadcast %broadcast_in_dim3A_607 : f32 to vector<1x1xf32>
      %slice3A_609 = vector.extract_strided_slice %broadcast_in_dim3A_606 {offsets = [0, 0], sizes = [1, 2600], strides = [1, 1]} : vector<1x2601xf32> to vector<1x2600xf32>
      %concatenate3A_610 = tpu.concatenate %broadcast_in_dim3A_608, %slice3A_609 in 1 : vector<1x1xf32>, vector<1x2600xf32> -> vector<1x2601xf32>
      %add3A_611 = arith.addf %add3A_598, %concatenate3A_610 : vector<1x2601xf32>
      %get3A_612 = arith.constant 6 : index
      %get3A_613 = arith.constant 0 : index
      %get3A_614 = arith.constant 0 : index
      %get3A_615 = vector.load %arg3[%get3A_612, %get3A_613, %get3A_614] : memref<9x36x2601xf32, #tpu.memory_space<vmem>>, vector<1x36x2601xf32>
      %get3A_616 = vector.shape_cast %get3A_615 : vector<1x36x2601xf32> to vector<36x2601xf32>
      %reduce_sum3A_617 = arith.constant dense<0.000000e+00> : vector<2601xf32>
      %reduce_sum3A_618 = vector.multi_reduction <add>, %get3A_616, %reduce_sum3A_617 [0] : vector<36x2601xf32> to vector<2601xf32>
      %broadcast_in_dim3A_619 = vector.shape_cast %reduce_sum3A_618 : vector<2601xf32> to vector<1x2601xf32>
      %broadcast_in_dim3A_620 = arith.constant 0.000000e+00 : f32
      %broadcast_in_dim3A_621 = vector.broadcast %broadcast_in_dim3A_620 : f32 to vector<1x50xf32>
      %slice3A_622 = vector.extract_strided_slice %broadcast_in_dim3A_619 {offsets = [0, 0], sizes = [1, 2551], strides = [1, 1]} : vector<1x2601xf32> to vector<1x2551xf32>
      %concatenate3A_623 = tpu.concatenate %broadcast_in_dim3A_621, %slice3A_622 in 1 : vector<1x50xf32>, vector<1x2551xf32> -> vector<1x2601xf32>
      %add3A_624 = arith.addf %add3A_611, %concatenate3A_623 : vector<1x2601xf32>
      %get3A_625 = arith.constant 7 : index
      %get3A_626 = arith.constant 0 : index
      %get3A_627 = arith.constant 0 : index
      %get3A_628 = vector.load %arg3[%get3A_625, %get3A_626, %get3A_627] : memref<9x36x2601xf32, #tpu.memory_space<vmem>>, vector<1x36x2601xf32>
      %get3A_629 = vector.shape_cast %get3A_628 : vector<1x36x2601xf32> to vector<36x2601xf32>
      %reduce_sum3A_630 = arith.constant dense<0.000000e+00> : vector<2601xf32>
      %reduce_sum3A_631 = vector.multi_reduction <add>, %get3A_629, %reduce_sum3A_630 [0] : vector<36x2601xf32> to vector<2601xf32>
      %broadcast_in_dim3A_632 = vector.shape_cast %reduce_sum3A_631 : vector<2601xf32> to vector<1x2601xf32>
      %broadcast_in_dim3A_633 = arith.constant 0.000000e+00 : f32
      %broadcast_in_dim3A_634 = vector.broadcast %broadcast_in_dim3A_633 : f32 to vector<1x51xf32>
      %slice3A_635 = vector.extract_strided_slice %broadcast_in_dim3A_632 {offsets = [0, 0], sizes = [1, 2550], strides = [1, 1]} : vector<1x2601xf32> to vector<1x2550xf32>
      %concatenate3A_636 = tpu.concatenate %broadcast_in_dim3A_634, %slice3A_635 in 1 : vector<1x51xf32>, vector<1x2550xf32> -> vector<1x2601xf32>
      %add3A_637 = arith.addf %add3A_624, %concatenate3A_636 : vector<1x2601xf32>
      %get3A_638 = arith.constant 8 : index
      %get3A_639 = arith.constant 0 : index
      %get3A_640 = arith.constant 0 : index
      %get3A_641 = vector.load %arg3[%get3A_638, %get3A_639, %get3A_640] : memref<9x36x2601xf32, #tpu.memory_space<vmem>>, vector<1x36x2601xf32>
      %get3A_642 = vector.shape_cast %get3A_641 : vector<1x36x2601xf32> to vector<36x2601xf32>
      %reduce_sum3A_643 = arith.constant dense<0.000000e+00> : vector<2601xf32>
      %reduce_sum3A_644 = vector.multi_reduction <add>, %get3A_642, %reduce_sum3A_643 [0] : vector<36x2601xf32> to vector<2601xf32>
      %broadcast_in_dim3A_645 = vector.shape_cast %reduce_sum3A_644 : vector<2601xf32> to vector<1x2601xf32>
      %broadcast_in_dim3A_646 = arith.constant 0.000000e+00 : f32
      %broadcast_in_dim3A_647 = vector.broadcast %broadcast_in_dim3A_646 : f32 to vector<1x52xf32>
      %slice3A_648 = vector.extract_strided_slice %broadcast_in_dim3A_645 {offsets = [0, 0], sizes = [1, 2549], strides = [1, 1]} : vector<1x2601xf32> to vector<1x2549xf32>
      %concatenate3A_649 = tpu.concatenate %broadcast_in_dim3A_647, %slice3A_648 in 1 : vector<1x52xf32>, vector<1x2549xf32> -> vector<1x2601xf32>
      %add3A_650 = arith.addf %add3A_637, %concatenate3A_649 : vector<1x2601xf32>
      %add3A_651 = arith.constant 1.000000e-16 : f32
      %add3A_652 = vector.broadcast %add3A_651 : f32 to vector<1x2601xf32>
      %add3A_653 = arith.addf %add3A_650, %add3A_652 : vector<1x2601xf32>
      %div3A_654 = arith.constant 1.000000e+00 : f32
      %div3A_655 = vector.broadcast %div3A_654 : f32 to vector<1x2601xf32>
      %div3A_656 = arith.divf %div3A_655, %add3A_653 : vector<1x2601xf32>
      %scan3A_657 = arith.constant 0 : i32
      %scan3A_658 = arith.constant 130 : i32
      %scan3A_659 = arith.addi %scan3A_657, %scan3A_658 : i32
      %scan3A_660 = arith.constant 1 : i32
      scf.for %scan3A_662 = %scan3A_657 to %scan3A_659 step %scan3A_660  : i32 {
        %get3A_663 = arith.index_cast %scan3A_662 : i32 to index
        %get3A_664 = arith.constant 0 : index
        %get3A_665 = arith.constant 0 : index
        %get3A_666 = vector.load %arg0[%get3A_663, %get3A_664, %get3A_665] : memref<130x36x2601xf32, #tpu.memory_space<vmem>>, vector<1x36x2601xf32>
        %get3A_667 = vector.shape_cast %get3A_666 : vector<1x36x2601xf32> to vector<36x2601xf32>
        %broadcast_in_dim3A_668 = arith.constant 0.000000e+00 : f32
        %broadcast_in_dim3A_669 = vector.broadcast %broadcast_in_dim3A_668 : f32 to vector<1x2601xf32>
        %get3A_670 = arith.constant 0 : index
        %get3A_671 = arith.constant 0 : index
        %get3A_672 = arith.constant 0 : index
        %get3A_673 = vector.load %arg3[%get3A_670, %get3A_671, %get3A_672] : memref<9x36x2601xf32, #tpu.memory_space<vmem>>, vector<1x36x2601xf32>
        %get3A_674 = vector.shape_cast %get3A_673 : vector<1x36x2601xf32> to vector<36x2601xf32>
        %mul3A_675 = arith.mulf %get3A_667, %get3A_674 : vector<36x2601xf32>
        %reduce_sum3A_676 = arith.constant dense<0.000000e+00> : vector<2601xf32>
        %reduce_sum3A_677 = vector.multi_reduction <add>, %mul3A_675, %reduce_sum3A_676 [0] : vector<36x2601xf32> to vector<2601xf32>
        %broadcast_in_dim3A_678 = vector.shape_cast %reduce_sum3A_677 : vector<2601xf32> to vector<1x2601xf32>
        %slice3A_679 = vector.extract_strided_slice %broadcast_in_dim3A_678 {offsets = [0, 52], sizes = [1, 2549], strides = [1, 1]} : vector<1x2601xf32> to vector<1x2549xf32>
        %broadcast_in_dim3A_680 = arith.constant 0.000000e+00 : f32
        %broadcast_in_dim3A_681 = vector.broadcast %broadcast_in_dim3A_680 : f32 to vector<1x52xf32>
        %concatenate3A_682 = tpu.concatenate %slice3A_679, %broadcast_in_dim3A_681 in 1 : vector<1x2549xf32>, vector<1x52xf32> -> vector<1x2601xf32>
        %add3A_683 = arith.addf %broadcast_in_dim3A_669, %concatenate3A_682 : vector<1x2601xf32>
        %get3A_684 = arith.constant 1 : index
        %get3A_685 = arith.constant 0 : index
        %get3A_686 = arith.constant 0 : index
        %get3A_687 = vector.load %arg3[%get3A_684, %get3A_685, %get3A_686] : memref<9x36x2601xf32, #tpu.memory_space<vmem>>, vector<1x36x2601xf32>
        %get3A_688 = vector.shape_cast %get3A_687 : vector<1x36x2601xf32> to vector<36x2601xf32>
        %mul3A_689 = arith.mulf %get3A_667, %get3A_688 : vector<36x2601xf32>
        %reduce_sum3A_690 = arith.constant dense<0.000000e+00> : vector<2601xf32>
        %reduce_sum3A_691 = vector.multi_reduction <add>, %mul3A_689, %reduce_sum3A_690 [0] : vector<36x2601xf32> to vector<2601xf32>
        %broadcast_in_dim3A_692 = vector.shape_cast %reduce_sum3A_691 : vector<2601xf32> to vector<1x2601xf32>
        %slice3A_693 = vector.extract_strided_slice %broadcast_in_dim3A_692 {offsets = [0, 51], sizes = [1, 2550], strides = [1, 1]} : vector<1x2601xf32> to vector<1x2550xf32>
        %broadcast_in_dim3A_694 = arith.constant 0.000000e+00 : f32
        %broadcast_in_dim3A_695 = vector.broadcast %broadcast_in_dim3A_694 : f32 to vector<1x51xf32>
        %concatenate3A_696 = tpu.concatenate %slice3A_693, %broadcast_in_dim3A_695 in 1 : vector<1x2550xf32>, vector<1x51xf32> -> vector<1x2601xf32>
        %add3A_697 = arith.addf %add3A_683, %concatenate3A_696 : vector<1x2601xf32>
        %get3A_698 = arith.constant 2 : index
        %get3A_699 = arith.constant 0 : index
        %get3A_700 = arith.constant 0 : index
        %get3A_701 = vector.load %arg3[%get3A_698, %get3A_699, %get3A_700] : memref<9x36x2601xf32, #tpu.memory_space<vmem>>, vector<1x36x2601xf32>
        %get3A_702 = vector.shape_cast %get3A_701 : vector<1x36x2601xf32> to vector<36x2601xf32>
        %mul3A_703 = arith.mulf %get3A_667, %get3A_702 : vector<36x2601xf32>
        %reduce_sum3A_704 = arith.constant dense<0.000000e+00> : vector<2601xf32>
        %reduce_sum3A_705 = vector.multi_reduction <add>, %mul3A_703, %reduce_sum3A_704 [0] : vector<36x2601xf32> to vector<2601xf32>
        %broadcast_in_dim3A_706 = vector.shape_cast %reduce_sum3A_705 : vector<2601xf32> to vector<1x2601xf32>
        %slice3A_707 = vector.extract_strided_slice %broadcast_in_dim3A_706 {offsets = [0, 50], sizes = [1, 2551], strides = [1, 1]} : vector<1x2601xf32> to vector<1x2551xf32>
        %broadcast_in_dim3A_708 = arith.constant 0.000000e+00 : f32
        %broadcast_in_dim3A_709 = vector.broadcast %broadcast_in_dim3A_708 : f32 to vector<1x50xf32>
        %concatenate3A_710 = tpu.concatenate %slice3A_707, %broadcast_in_dim3A_709 in 1 : vector<1x2551xf32>, vector<1x50xf32> -> vector<1x2601xf32>
        %add3A_711 = arith.addf %add3A_697, %concatenate3A_710 : vector<1x2601xf32>
        %get3A_712 = arith.constant 3 : index
        %get3A_713 = arith.constant 0 : index
        %get3A_714 = arith.constant 0 : index
        %get3A_715 = vector.load %arg3[%get3A_712, %get3A_713, %get3A_714] : memref<9x36x2601xf32, #tpu.memory_space<vmem>>, vector<1x36x2601xf32>
        %get3A_716 = vector.shape_cast %get3A_715 : vector<1x36x2601xf32> to vector<36x2601xf32>
        %mul3A_717 = arith.mulf %get3A_667, %get3A_716 : vector<36x2601xf32>
        %reduce_sum3A_718 = arith.constant dense<0.000000e+00> : vector<2601xf32>
        %reduce_sum3A_719 = vector.multi_reduction <add>, %mul3A_717, %reduce_sum3A_718 [0] : vector<36x2601xf32> to vector<2601xf32>
        %broadcast_in_dim3A_720 = vector.shape_cast %reduce_sum3A_719 : vector<2601xf32> to vector<1x2601xf32>
        %slice3A_721 = vector.extract_strided_slice %broadcast_in_dim3A_720 {offsets = [0, 1], sizes = [1, 2600], strides = [1, 1]} : vector<1x2601xf32> to vector<1x2600xf32>
        %broadcast_in_dim3A_722 = arith.constant 0.000000e+00 : f32
        %broadcast_in_dim3A_723 = vector.broadcast %broadcast_in_dim3A_722 : f32 to vector<1x1xf32>
        %concatenate3A_724 = tpu.concatenate %slice3A_721, %broadcast_in_dim3A_723 in 1 : vector<1x2600xf32>, vector<1x1xf32> -> vector<1x2601xf32>
        %add3A_725 = arith.addf %add3A_711, %concatenate3A_724 : vector<1x2601xf32>
        %get3A_726 = arith.constant 4 : index
        %get3A_727 = arith.constant 0 : index
        %get3A_728 = arith.constant 0 : index
        %get3A_729 = vector.load %arg3[%get3A_726, %get3A_727, %get3A_728] : memref<9x36x2601xf32, #tpu.memory_space<vmem>>, vector<1x36x2601xf32>
        %get3A_730 = vector.shape_cast %get3A_729 : vector<1x36x2601xf32> to vector<36x2601xf32>
        %mul3A_731 = arith.mulf %get3A_667, %get3A_730 : vector<36x2601xf32>
        %reduce_sum3A_732 = arith.constant dense<0.000000e+00> : vector<2601xf32>
        %reduce_sum3A_733 = vector.multi_reduction <add>, %mul3A_731, %reduce_sum3A_732 [0] : vector<36x2601xf32> to vector<2601xf32>
        %broadcast_in_dim3A_734 = vector.shape_cast %reduce_sum3A_733 : vector<2601xf32> to vector<1x2601xf32>
        %add3A_735 = arith.addf %add3A_725, %broadcast_in_dim3A_734 : vector<1x2601xf32>
        %get3A_736 = arith.constant 5 : index
        %get3A_737 = arith.constant 0 : index
        %get3A_738 = arith.constant 0 : index
        %get3A_739 = vector.load %arg3[%get3A_736, %get3A_737, %get3A_738] : memref<9x36x2601xf32, #tpu.memory_space<vmem>>, vector<1x36x2601xf32>
        %get3A_740 = vector.shape_cast %get3A_739 : vector<1x36x2601xf32> to vector<36x2601xf32>
        %mul3A_741 = arith.mulf %get3A_667, %get3A_740 : vector<36x2601xf32>
        %reduce_sum3A_742 = arith.constant dense<0.000000e+00> : vector<2601xf32>
        %reduce_sum3A_743 = vector.multi_reduction <add>, %mul3A_741, %reduce_sum3A_742 [0] : vector<36x2601xf32> to vector<2601xf32>
        %broadcast_in_dim3A_744 = vector.shape_cast %reduce_sum3A_743 : vector<2601xf32> to vector<1x2601xf32>
        %broadcast_in_dim3A_745 = arith.constant 0.000000e+00 : f32
        %broadcast_in_dim3A_746 = vector.broadcast %broadcast_in_dim3A_745 : f32 to vector<1x1xf32>
        %slice3A_747 = vector.extract_strided_slice %broadcast_in_dim3A_744 {offsets = [0, 0], sizes = [1, 2600], strides = [1, 1]} : vector<1x2601xf32> to vector<1x2600xf32>
        %concatenate3A_748 = tpu.concatenate %broadcast_in_dim3A_746, %slice3A_747 in 1 : vector<1x1xf32>, vector<1x2600xf32> -> vector<1x2601xf32>
        %add3A_749 = arith.addf %add3A_735, %concatenate3A_748 : vector<1x2601xf32>
        %get3A_750 = arith.constant 6 : index
        %get3A_751 = arith.constant 0 : index
        %get3A_752 = arith.constant 0 : index
        %get3A_753 = vector.load %arg3[%get3A_750, %get3A_751, %get3A_752] : memref<9x36x2601xf32, #tpu.memory_space<vmem>>, vector<1x36x2601xf32>
        %get3A_754 = vector.shape_cast %get3A_753 : vector<1x36x2601xf32> to vector<36x2601xf32>
        %mul3A_755 = arith.mulf %get3A_667, %get3A_754 : vector<36x2601xf32>
        %reduce_sum3A_756 = arith.constant dense<0.000000e+00> : vector<2601xf32>
        %reduce_sum3A_757 = vector.multi_reduction <add>, %mul3A_755, %reduce_sum3A_756 [0] : vector<36x2601xf32> to vector<2601xf32>
        %broadcast_in_dim3A_758 = vector.shape_cast %reduce_sum3A_757 : vector<2601xf32> to vector<1x2601xf32>
        %broadcast_in_dim3A_759 = arith.constant 0.000000e+00 : f32
        %broadcast_in_dim3A_760 = vector.broadcast %broadcast_in_dim3A_759 : f32 to vector<1x50xf32>
        %slice3A_761 = vector.extract_strided_slice %broadcast_in_dim3A_758 {offsets = [0, 0], sizes = [1, 2551], strides = [1, 1]} : vector<1x2601xf32> to vector<1x2551xf32>
        %concatenate3A_762 = tpu.concatenate %broadcast_in_dim3A_760, %slice3A_761 in 1 : vector<1x50xf32>, vector<1x2551xf32> -> vector<1x2601xf32>
        %add3A_763 = arith.addf %add3A_749, %concatenate3A_762 : vector<1x2601xf32>
        %get3A_764 = arith.constant 7 : index
        %get3A_765 = arith.constant 0 : index
        %get3A_766 = arith.constant 0 : index
        %get3A_767 = vector.load %arg3[%get3A_764, %get3A_765, %get3A_766] : memref<9x36x2601xf32, #tpu.memory_space<vmem>>, vector<1x36x2601xf32>
        %get3A_768 = vector.shape_cast %get3A_767 : vector<1x36x2601xf32> to vector<36x2601xf32>
        %mul3A_769 = arith.mulf %get3A_667, %get3A_768 : vector<36x2601xf32>
        %reduce_sum3A_770 = arith.constant dense<0.000000e+00> : vector<2601xf32>
        %reduce_sum3A_771 = vector.multi_reduction <add>, %mul3A_769, %reduce_sum3A_770 [0] : vector<36x2601xf32> to vector<2601xf32>
        %broadcast_in_dim3A_772 = vector.shape_cast %reduce_sum3A_771 : vector<2601xf32> to vector<1x2601xf32>
        %broadcast_in_dim3A_773 = arith.constant 0.000000e+00 : f32
        %broadcast_in_dim3A_774 = vector.broadcast %broadcast_in_dim3A_773 : f32 to vector<1x51xf32>
        %slice3A_775 = vector.extract_strided_slice %broadcast_in_dim3A_772 {offsets = [0, 0], sizes = [1, 2550], strides = [1, 1]} : vector<1x2601xf32> to vector<1x2550xf32>
        %concatenate3A_776 = tpu.concatenate %broadcast_in_dim3A_774, %slice3A_775 in 1 : vector<1x51xf32>, vector<1x2550xf32> -> vector<1x2601xf32>
        %add3A_777 = arith.addf %add3A_763, %concatenate3A_776 : vector<1x2601xf32>
        %get3A_778 = arith.constant 8 : index
        %get3A_779 = arith.constant 0 : index
        %get3A_780 = arith.constant 0 : index
        %get3A_781 = vector.load %arg3[%get3A_778, %get3A_779, %get3A_780] : memref<9x36x2601xf32, #tpu.memory_space<vmem>>, vector<1x36x2601xf32>
        %get3A_782 = vector.shape_cast %get3A_781 : vector<1x36x2601xf32> to vector<36x2601xf32>
        %mul3A_783 = arith.mulf %get3A_667, %get3A_782 : vector<36x2601xf32>
        %reduce_sum3A_784 = arith.constant dense<0.000000e+00> : vector<2601xf32>
        %reduce_sum3A_785 = vector.multi_reduction <add>, %mul3A_783, %reduce_sum3A_784 [0] : vector<36x2601xf32> to vector<2601xf32>
        %broadcast_in_dim3A_786 = vector.shape_cast %reduce_sum3A_785 : vector<2601xf32> to vector<1x2601xf32>
        %broadcast_in_dim3A_787 = arith.constant 0.000000e+00 : f32
        %broadcast_in_dim3A_788 = vector.broadcast %broadcast_in_dim3A_787 : f32 to vector<1x52xf32>
        %slice3A_789 = vector.extract_strided_slice %broadcast_in_dim3A_786 {offsets = [0, 0], sizes = [1, 2549], strides = [1, 1]} : vector<1x2601xf32> to vector<1x2549xf32>
        %concatenate3A_790 = tpu.concatenate %broadcast_in_dim3A_788, %slice3A_789 in 1 : vector<1x52xf32>, vector<1x2549xf32> -> vector<1x2601xf32>
        %add3A_791 = arith.addf %add3A_777, %concatenate3A_790 : vector<1x2601xf32>
        %mul3A_792 = arith.mulf %add3A_791, %div3A_656 : vector<1x2601xf32>
        %swap3A_793 = arith.index_cast %scan3A_662 : i32 to index
        %swap3A_794 = arith.constant 0 : index
        %swap3A_795 = vector.load %arg4[%swap3A_793, %swap3A_794] : memref<130x2601xf32, #tpu.memory_space<vmem>>, vector<1x2601xf32>
        tpu.vector_store %arg4[%swap3A_793, %swap3A_794], %mul3A_792 {strides = array<i32>} : memref<130x2601xf32, #tpu.memory_space<vmem>>, vector<1x2601xf32>,
      }
      %scan3A_661 = arith.constant 130 : i32
    }
    return
  }
}

</mosaic_0001>

<sc_bundles>
// kernel: sparse-core-data-format-call.1.cloned.1.call-start
scs
called_computation.1_lowered:
.L_overlay_start_0:
0x0: {  	s2 =	sld [smem:$0x3FD9]  }
0x1: {  	s3 =	sld [smem:$0x3FFE];
	_ =	sdelay $0x1  }
0x2: {  	s1 =	srdreg.scid  }
0x3: {  	s0 =	sand.u32 $0x1, s1  }
0x4: {  	s18 =	sshll.u32 s0, $0xA;
	s2 =	sadd.s32 s3, s2  }
0x5: {  	s2 =	sadd.s32 s2, s18  }
0x6: {  	[smem:$0x3FB4] =	sst s2  }
0x7: {  	_ = 	snop  }
0x8: {  	(tm) =	ssettm $0x1  }
0x9: {  	s19 =	sld [smem:$0x3FFB];
	_ =	sdelay $0x3  }
0xa: {  	_ =	strace s19  }
0xb: {  	s2 =	sld [smem:$0x3FFC];
	_ =	sdelay $0x3  }
0xc: {  	_ =	strace s2  }
0xd: {  	s2 =	sld [smem:$0x3FFD];
	_ =	sdelay $0x3  }
0xe: {  	_ =	strace s2  }
0xf: {  	_ =	strace $0x8FFFFFFF  }
0x10: {  	s20 =	sld [smem:$0x3FDB];
	_ =	sdelay $0x1  }
0x11: {  	s21 =	simm.s32 $_scs_section_size  }
0x12: {  	s4 =	simm.s32 $_size__tile_overlayer_lowered;
	s5 =	simm.s32 $_tile_overlayer_lowered  }
0x13: {  	s6 =	simm.s32 $0x1BFF;
	s22 =	sshll.u32 s5, $0x1;
	s3 =	sadd.s32 s21, s20  }
0x14: {  	s23 =	simm.s32 $0x0;
	s4 =	sshll.u32 s4, $0x1;
	s5 =	sadd.s32 s22, s3  }
0x15: {  	[timem:s23], [sflag:s6] =	dma.local [hbm:s5], s4  }
0x16: {  	_ =	swait.ge [sflag:s6], s4  }
0x17: {  	s4 =	ssub.s32 $0x0, s4;
	[sflag:s6] =	ssyncset.done $0x0  }
0x18: {  	[sflag:s6] =	ssyncadd.s32 s4;
	_ =	sdelay $0x1  }
0x19: {  	s24 =	simm.s32 $0x1B8B  }
0x1a: {  	_ =	swait.ge [sflag:s24], $0x1  }
0x1b: {  	[sflag:s24] =	ssyncset.done $0x0  }
0x1c: {  	[sflag:s24] =	ssyncadd.s32 $0xFFFFFFFF  }
0x1d: {  	s4 =	sld [smem:$0x0]  }
0x1e: {  	s5 =	sand.u32 $0xFFFFFFFE, s1  }
0x1f: {  	p0 =	sne.s32 s1, s5  }
0x20: {  	s5 =	sshll.u32 @p0 s5, $0xE  }
0x21: {  	s5 =	sadd.s32 @p0 $0x11B8D, s5;
	s6 =	sshll.u32 @p0 s4, $0x11  }
0x22: {  	s5 =	sor.u32 @p0 s6, s5  }
0x23: {  	[sflag:s5] =	ssyncadd.remote.s32 @p0 $0x1;
	_ =	sdelay $0x1  }
0x24: {  	s5 =	simm.s32 @p0 $0x1B8D  }
0x25: {  	_ =	swait.eq @p0 [sflag:s5], $0x1  }
0x26: {  	[sflag:s5] =	ssyncadd.s32 @p0 $0xFFFFFFFF  }
0x27: {  	s6 =	sshll.u32 @!p0 s1, $0xE  }
0x28: {  	s6 =	sor.u32 @!p0 $0x4000, s6;
	s5 =	simm.s32 @!p0 $0x1B8D  }
0x29: {  	s4 =	sshll.u32 @!p0 s4, $0x11;
	s6 =	sadd.s32 @!p0 $0x11B8D, s6;
	_ =	swait.eq @!p0 [sflag:s5], $0x1  }
0x2a: {  	s4 =	sor.u32 @!p0 s4, s6;
	[sflag:s5] =	ssyncadd.s32 @!p0 $0xFFFFFFFF  }
0x2b: {  	s26 =	simm.s32 $0x1B8E;
	s25 =	sld [smem:$0x3FFE];
	[sflag:s4] =	ssyncadd.remote.s32 @!p0 $0x1  }
0x2c: {  	s27 =	simm.s32 $execute0_lowered;
	[smem:$0x3FD2] =	sst s26  }
0x2d: {  	s5 =	sshll.u32 s27, $0x1;
	_ =	strace $0x8000004F;
	[dreg:$0x1] =	wrdreg $0xFFFFFFFF  }
0x2e: {  	s28 =	simm.s32 $_size_execute0_lowered;
	s3 =	sadd.s32 s3, s5;
	[dreg:$0x0] =	wrdreg $0x0  }
0x2f: {  	s5 =	sshll.u32 s28, $0x1;
	[dreg:$0x2] =	wrdreg s3  }
0x30: {  	[dreg:$0x3] =	wrdreg s5  }
0x31: {  	[dreg:$0x4] =	wrdreg $0xC0  }
0x32: {  	_ =	task [dreg:s23], $0x5FFFF  }
0x33: {  	[dreg:$0x1] =	wrdreg $0xFFFFFFFF  }
0x34: {  	[dreg:$0x0] =	wrdreg $0x60  }
0x35: {  	[dreg:$0x2] =	wrdreg s25  }
0x36: {  	[dreg:$0x3] =	wrdreg $0x9  }
0x37: {  	_ =	task.clear_ibuf [dreg:s23], $0x4FFFF;
	_ =	strace $0x9000004F  }
0x38: {  	s29 =	simm.s32 $0x9;
	_ =	strace $0x80000051  }
0x39: {  	_ =	swait.ge [sflag:s29], $0x1  }
0x3a: {  	[sflag:s29] =	ssyncadd.s32 $0xFFFFFFFF  }
0x3b: {  	_ =	strace $0x90000051  }
0x3c: {  	_ =	sfence  }
0x3d: {  	s30 =	sld [smem:$0x0];
	_ =	sdelay $0x2  }
0x3e: {  	s31 =	sshll.u32 s1, $0xD;
	s1 =	sshrl.u32 s1, $0x2  }
0x3f: {  	s4 =	sand.u32 $0x4000, s31;
	s1 =	sadd.s32 s1, s30  }
0x40: {  	s0 =	sor.u32 s4, s0;
	s1 =	sshll.u32 s1, $0x11  }
0x41: {  	s0 =	sor.u32 s1, s0  }
0x42: {  	s0 =	sadd.s32 $0x8F2B, s0  }
0x43: {  	[sflag:s0] =	ssyncadd.remote.s32 $0x1  }
0x44: {  	_ =	sfence.sel $0xFFFF  }
0x45: {  	[dreg:$0x0] =	wrdreg $0xFFFFFFFF;
	(pc) =	sbr.abs _section_cstart, $3  }
0x46: {  	[dreg:$0x1] =	wrdreg $0xFFFFFFFF  }
0x47: {  	_ =	task.clear_ibuf [dreg:s23], $0x2FFFF;
	_ =	strace $0x9FFFFFFF  }
0x48: {  	(tm) =	ssettm $0x7FFFFFFF  }
0x49: {  	_ =	shalt  }
tec
execute0_lowered:
.L_overlay_start_1:
0x0: {  	(tag) =	ssettag $0x1  }
0x1: {  	s0 =	srdreg.scid;
	s1 =	rddreg [dreg:$0x0]  }
0x2: {  	s5 =	simm.s32 $0x1;
	s8 =	simm.s32 $0x2;
	s14 =	simm.s32 $0x0  }
0x3: {  	s9 =	simm.s32 $0x10000;
	s10 =	simm.s32 $0x0;
	s15 =	simm.s32 $0x0  }
0x4: {  	s12 =	stileid.u32;
	s13 =	simm.s32 $0x0;
	s2 =	sshll.u32 s0, $0x3  }
0x5: {  	s21 =	simm.s32 $0x0;
	s0 =	rddreg [dreg:$0x1];
	s2 =	sand.u32 $0x8, s2  }
.Ltmp0:
0x6: {  	_ =	strace $0x80000050;
	s6 =	ssub.s32 $0x100, s2;
	(pc) =	sbr.rel .LBB1_1-.Ltmp0, $4  }
0x7: {  	s3 =	sadd.s32 $0x345E00, s1;
	s4 =	sadd.s32 $0x445E00, s1;
	s7 =	sshrl.u32 s6, $0x3  }
0x8: {  	[sflag:s5] =	ssyncpa.u1 $0x0;
	s6 =	sshrl.u32 s6, $0x4;
	s7 =	sand.u32 $0x1, s7  }
0x9: {  	s1 =	stileid.u32;
	[sflag:s8] =	ssyncpa.u1 $0x0;
	s6 =	sadd.s32 s6, s7  }
0xa: {  	s8 =	simm.s32 $0x800;
	s11 =	smov.u32 s2;
	s7 =	sadd.s32 $0x1, s6  }
.LBB1_7:
0xb: {  	s16 =	sadd.s32 $0x10, s11  }
0xc: {  	s14 =	sadd.s32 $0x10, s12;
	s18 =	smov.u32 s12;
	p1 =	sgt.s32 s16, $0xFF  }
0xd: {  	s18 =	smov.u32 @p1 s14  }
0xe: {  	s16 =	smov.u32 @p1 s2;
	p1 =	sgt.s32 s18, $0xF  }
0xf: {  	s18 =	smov.u32 @p1 s1;
	p1 =	sne.s32 s13, s7  }
.Ltmp1:
0x10: {  	p0 =	slt.u32 s13, $0x2;
	(pc) =	sbr.rel @!p1 .LBB1_8-.Ltmp1, $4  }
0x11: {  	s17 =	simm.s32 @!p0 $0x2  }
0x12: {  	s15 =	smov.u32 s12;
	s10 =	sadd.s32 $0x4000, s10;
	_ =	swait.ge @!p0 [sflag:s17], $0x4000  }
0x13: {  	s14 =	smov.u32 s11;
	[sflag:s17] =	ssyncset.done @!p0 $0x0;
	s11 =	smov.u32 s16  }
0x14: {  	s13 =	sadd.s32 $0x1, s13;
	[sflag:s17] =	ssyncadd.s32 @!p0 $0xFFFFC000;
	s12 =	smov.u32 s18  }
.LBB1_1:
0x15: {  	p0 =	sge.u32 s13, s6  }
0x16: {  	s31 =	sadd.s32 $0xFFFFFFFF, s13;
	s16 =	sxor.u32 @!p0 $0xFFFFFFFF, s13;
	s17 =	sshll.u32 @!p0 s12, $0x10  }
0x17: {  	s18 =	sshll.u32 @!p0 s11, $0x8;
	s16 =	sshll.u32 @!p0 s16, $0xE;
	s17 =	sadd.s32 @!p0 s3, s17  }
0x18: {  	s16 =	sand.u32 @!p0 $0x4000, s16;
	s17 =	sadd.s32 @!p0 s18, s17;
	s18 =	simm.s32 @!p0 $0x0  }
0x19: {  	[tilespmem:s16], [sflag:$0x1] =	stream.linear.gather @!p0 [hbm4b:s17+s18], $0x4000, $0x38;
	[tilespmem:$0x10000] =	vst v63  }
0x1a: {  	p0 =	sge.u32 s31, s6  }
.Ltmp2:
0x1b: {  	_ = 	snop;
	(pc) =	sbr.rel @p0 .LBB1_7-.Ltmp2, $1  }
0x1c: {  	_ =	sdelay $0x3  }
0x1d: {  	s16 =	sshll.u32 s10, $0x2;
	_ =	swait.ge [sflag:s5], $0x4000;
	s31 =	sshll.u32 s13, $0xE  }
0x1e: {  	p0 =	por $0x0, $0x0;
	s22 =	simm.s32 $0x0;
	s23 =	simm.s32 $0x0  }
0x1f: {  	s16 =	sand.u32 $0x10000, s16;
	[sflag:s5] =	ssyncset.done $0x0;
	s19 =	sand.u32 $0x4000, s31  }
0x20: {  	s20 =	sshrl.u32 s16, $0x2;
	[sflag:s5] =	ssyncadd.s32 $0xFFFFC000;
	s16 =	sor.u32 $0x8000, s19  }
0x21: {  	s17 =	sor.u32 $0x40, s20;
	s18 =	sor.u32 $0x8410, s20;
	s20 =	sadd.s32 $0x8400, s20  }
.LBB1_3:
0x22: {  	v1 =	vld [tilespmem:s17+$0xFFFFFFD0]  }
0x23: {  	v2 =	vld [tilespmem:s17+$0x430]  }
0x24: {  	s24 =	sshll.u32 s23, $0xB;
	v4 =	vld [tilespmem:s17+$0xFFFFFFE0]  }
0x25: {  	v7 =	vld [tilespmem:s17+$0xFFFFFFF0];
	v0 =	vmov s24  }
0x26: {  	v8 =	vld [tilespmem:s17+$0x0]  }
0x27: {  	s30 =	sand.u32 $0x300, s21;
	v9 =	vld [tilespmem:s17+$0x10]  }
0x28: {  	s25 =	sand.u32 $0x80, s21;
	v10 =	vld [tilespmem:s17+$0x20];
	s24 =	sadd.s32 s30, s19  }
0x29: {  	v11 =	vld [tilespmem:s17+$0x30];
	s24 =	sadd.s32 s25, s24;
	s25 =	simm.s32 $0x1;
	[tilespmem:s18+$0x60] =	vst v2  }
0x2a: {  	s31 =	sshll.u32 s22, $0x2;
	s25 =	simm.s32 @!p0 $0x0;
	[tilespmem:s18+$0xFFFFFC00] =	vst v1;
	v3 =	vld.idx.msk [tilespmem:v0+s24+$0x400 ss:$0x1], $0xffff  }
0x2b: {  	v6 =	vld [tilespmem:s17+$0x3D0];
	s25 =	sshll.u32 s25, $0x9;
	[tilespmem:s18+$0xFFFFFC10] =	vst v4;
	s24 =	sand.u32 $0xFFFFFC00, s31  }
0x2c: {  	v5 =	vld [tilespmem:s17+$0x3E0];
	[tilespmem:s18+$0xFFFFFC20] =	vst v7;
	s24 =	sor.u32 s25, s24  }
0x2d: {  	[tilespmem:s18+$0xFFFFFC30] =	vst v8;
	v4 =	vld [tilespmem:s17+$0x400];
	s24 =	sshrl.u32 s24, $0x2  }
0x2e: {  	[tilespmem:s18+$0xFFFFFC40] =	vst v9;
	v1 =	vld [tilespmem:s17+$0x410];
	s24 =	sadd.s32 s24, s20  }
0x2f: {  	[tilespmem:s24+$0x0] =	vst v3;
	v3 =	vld [tilespmem:s17+$0x3F0]  }
0x30: {  	s28 =	simm.s32 $0x80;
	s27 =	simm.s32 $0x100;
	[tilespmem:s18+$0xFFFFFC50] =	vst v10;
	v2 =	vld [tilespmem:s17+$0x420]  }
0x31: {  	s26 =	smov.u32 s18;
	s29 =	sand.u32 $0x300, s28;
	v7 =	vld [tilespmem:s17+$0xFFFFFFC0];
	[tilespmem:s18+$0xFFFFFC60] =	vst v11;
	s25 =	sadd.s32 $0x80, s17  }
.LBB1_4:
0x32: {  	p1 =	sne.s32 s27, $0x380;
	v8 =	vld [tilespmem:s25+$0xFFFFFFD0];
	s28 =	sand.u32 $0x80, s28;
	s29 =	sadd.s32 s29, s19;
	[tilespmem:s26+$0x0] =	vst v6  }
0x33: {  	s29 =	sadd.s32 s28, s29;
	v6 =	vld [tilespmem:s25+$0x430];
	[tilespmem:s26+$0x10] =	vst v5;
	s28 =	smov.u32 s27  }
0x34: {  	v5 =	vld.idx.msk [tilespmem:v0+s29+$0x400 ss:$0x1], $0xffff;
	[tilespmem:s26+$0x20] =	vst v3  }
0x35: {  	v3 =	vld [tilespmem:s25+$0xFFFFFFE0];
	[tilespmem:s26+$0x30] =	vst v4  }
0x36: {  	v4 =	vld [tilespmem:s25+$0xFFFFFFF0];
	[tilespmem:s26+$0xFFFFFBF0] =	vst v7  }
0x37: {  	v7 =	vld [tilespmem:s25+$0x0];
	[tilespmem:s26+$0x40] =	vst v1  }
0x38: {  	v1 =	vld [tilespmem:s25+$0x10];
	[tilespmem:s26+$0x50] =	vst v2;
	s26 =	sadd.s32 $0x800, s26  }
0x39: {  	s24 =	sadd.s32 $0x800, s24;
	v2 =	vld [tilespmem:s25+$0x20];
	[tilespmem:s26+$0x60] =	vst v6  }
0x3a: {  	v9 =	vld [tilespmem:s25+$0x30];
	[tilespmem:s24+$0x0] =	vst v5  }
0x3b: {  	[tilespmem:s26+$0xFFFFFC00] =	vst v8;
	v6 =	vld [tilespmem:s25+$0x3D0]  }
0x3c: {  	[tilespmem:s26+$0xFFFFFC10] =	vst v3;
	v5 =	vld [tilespmem:s25+$0x3E0]  }
.Ltmp3:
0x3d: {  	[tilespmem:s26+$0xFFFFFC20] =	vst v4;
	v3 =	vld [tilespmem:s25+$0x3F0];
	(pc) =	sbr.rel @p1 .LBB1_4-.Ltmp3, $4  }
0x3e: {  	[tilespmem:s26+$0xFFFFFC30] =	vst v7;
	v4 =	vld [tilespmem:s25+$0x400]  }
0x3f: {  	[tilespmem:s26+$0xFFFFFC40] =	vst v1;
	v1 =	vld [tilespmem:s25+$0x410]  }
0x40: {  	[tilespmem:s26+$0xFFFFFC50] =	vst v2;
	v2 =	vld [tilespmem:s25+$0x420]  }
0x41: {  	s27 =	sadd.s32 $0x80, s27;
	s29 =	sand.u32 $0x300, s28;
	v7 =	vld [tilespmem:s25+$0xFFFFFFC0];
	[tilespmem:s26+$0xFFFFFC60] =	vst v9;
	s25 =	sadd.s32 $0x80, s25  }
0x42: {  	[tilespmem:s26+$0x0] =	vst v6  }
0x43: {  	[tilespmem:s26+$0x10] =	vst v5  }
0x44: {  	v49 =	vld [tilespmem:s25+$0x430];
	[tilespmem:s26+$0x20] =	vst v3  }
0x45: {  	v50 =	vld [tilespmem:s25+$0xFFFFFFD0];
	[tilespmem:s26+$0x30] =	vst v4  }
0x46: {  	v51 =	vld [tilespmem:s25+$0xFFFFFFE0];
	[tilespmem:s26+$0x40] =	vst v1  }
0x47: {  	v52 =	vld [tilespmem:s25+$0xFFFFFFF0];
	[tilespmem:s26+$0x50] =	vst v2  }
0x48: {  	s31 =	sadd.s32 $0x800, s26;
	v53 =	vld [tilespmem:s25+$0x0];
	[tilespmem:s26+$0xFFFFFBF0] =	vst v7  }
0x49: {  	v54 =	vld [tilespmem:s25+$0x10];
	[tilespmem:s31+$0x60] =	vst v49  }
0x4a: {  	v55 =	vld [tilespmem:s25+$0x20];
	[tilespmem:s31+$0xFFFFFC00] =	vst v50  }
0x4b: {  	v56 =	vld [tilespmem:s25+$0x30];
	[tilespmem:s31+$0xFFFFFC10] =	vst v51  }
0x4c: {  	v57 =	vld [tilespmem:s25+$0x3D0];
	[tilespmem:s31+$0xFFFFFC20] =	vst v52  }
0x4d: {  	v58 =	vld [tilespmem:s25+$0x3E0];
	[tilespmem:s31+$0xFFFFFC30] =	vst v53  }
0x4e: {  	v59 =	vld [tilespmem:s25+$0x3F0];
	[tilespmem:s31+$0xFFFFFC40] =	vst v54  }
0x4f: {  	v60 =	vld [tilespmem:s25+$0x400];
	[tilespmem:s31+$0xFFFFFC50] =	vst v55  }
0x50: {  	v61 =	vld [tilespmem:s25+$0xFFFFFFC0];
	[tilespmem:s31+$0xFFFFFC60] =	vst v56  }
0x51: {  	s27 =	sand.u32 $0x80, s28;
	s30 =	sadd.s32 s29, s19;
	v62 =	vld [tilespmem:s25+$0x410];
	[tilespmem:s31+$0x0] =	vst v57  }
0x52: {  	v63 =	vld [tilespmem:s25+$0x420];
	s23 =	sadd.s32 $0x1, s23;
	s27 =	sadd.s32 s27, s30;
	[tilespmem:s31+$0x10] =	vst v58  }
0x53: {  	p1 =	sne.s32 s23, $0x8;
	v0 =	vld.idx.msk [tilespmem:v0+s27+$0x400 ss:$0x1], $0xffff;
	[tilespmem:s31+$0x20] =	vst v59  }
.Ltmp4:
0x54: {  	[tilespmem:s31+$0x30] =	vst v60;
	(pc) =	sbr.rel @p1 .LBB1_3-.Ltmp4, $4  }
0x55: {  	[tilespmem:s31+$0xFFFFFBF0] =	vst v61  }
0x56: {  	[tilespmem:s31+$0x40] =	vst v62  }
0x57: {  	s24 =	sadd.s32 $0x800, s24;
	s17 =	sadd.s32 $0x800, s17;
	[tilespmem:s31+$0x50] =	vst v63  }
0x58: {  	s22 =	sadd.s32 $0x80, s22;
	p0 =	por !p0, !p0;
	s18 =	sadd.s32 $0x80, s18;
	[tilespmem:s24+$0x0] =	vst v0  }
0x59: {  	s17 =	sshll.u32 s14, $0x8;
	s31 =	sshll.u32 s14, $0x7  }
.Ltmp5:
0x5a: {  	s17 =	sand.u32 $0xF800, s17;
	s14 =	sand.u32 $0x380, s31;
	(pc) =	sbr.rel .LBB1_7-.Ltmp5, $4  }
0x5b: {  	s15 =	sshll.u32 s15, $0x10;
	s14 =	sor.u32 s14, s17  }
0x5c: {  	s15 =	sadd.s32 s4, s15;
	s14 =	sshrl.u32 s14, $0x3  }
0x5d: {  	s14 =	sadd.s32 s14, s15  }
0x5e: {  	[hbm4b:s14+s8] =	stream.strided.scatter [tilespmem:s16], [sflag:$0x2], $0x4000, s9, s8, $0x38;
	[tilespmem:$0x10000] =	vst v63  }
.LBB1_8:
0x5f: {  	_ =	sfence.sel $0x180000  }
0x60: {  	s2 =	simm.s32 $0x1;
	[bflag:$0x0] =	sbarrier.arrive $0xFFFF  }
0x61: {  	s31 =	simm.s32 $0x2;
	[sflag:s2] =	ssyncpa.u1 $0x1  }
0x62: {  	[sflag:s31] =	ssyncpa.u1 $0x1  }
0x63: {  	p0 =	sne.s32 s1, $0x0;
	_ =	strace $0x90000050  }
0x64: {  	s0 =	sadd.s32 @!p0 $0x100000, s0;
	[bflag:$0x2] =	sbarrier.arrive $0xFFFF  }
0x65: {  	[sflag:s0] =	ssyncadd.tile.s32 @!p0 $0x1;
	_ =	shalt  }
.Lfunc_end1:
_tile_overlayer_lowered:
.L_overlay_start_2:
0x66: {  	(tag) =	ssettag $0x2  }
0x67: {  	s0 =	rddreg [dreg:$0x0];
	s2 =	stileid.u32  }
0x68: {  	s1 =	rddreg [dreg:$0x1];
	p0 =	sne.s32 s2, $0x0  }
0x69: {  	s3 =	rddreg [dreg:$0x2];
	[bflag:$0x3] =	sbarrier.arrive $0xFFFF;
	s2 =	simm.s32 @!p0 $0x1C01  }
0x6a: {  	[timem:s3], [sflag:s2] =	dma.local @!p0 [hbm:s0], s1  }
0x6b: {  	s0 =	simm.s32 @!p0 $0x1  }
0x6c: {  	_ =	swait.ge @!p0 [sflag:s0], s1  }
0x6d: {  	s1 =	ssub.s32 @!p0 $0x0, s1;
	[sflag:s0] =	ssyncset.done @!p0 $0x0  }
0x6e: {  	[sflag:s0] =	ssyncadd.s32 @!p0 s1  }
0x6f: {  	[bflag:$0x3] =	sbarrier.arrive $0xFFFF  }
0x70: {  	_ =	shalt  }

// kernel: sparse-core-data-format-call.2.cloned.1.call-start
scs
called_computation.2_lowered:
.L_overlay_start_0:
0x0: {  	s1 =	sld [smem:$0x3FD9]  }
0x1: {  	s2 =	sld [smem:$0x3FFE];
	_ =	sdelay $0x1  }
0x2: {  	s3 =	srdreg.scid  }
0x3: {  	s0 =	sand.u32 $0x1, s3  }
0x4: {  	s17 =	sshll.u32 s0, $0xA;
	s1 =	sadd.s32 s2, s1  }
0x5: {  	s1 =	sadd.s32 s1, s17  }
0x6: {  	[smem:$0x3FB4] =	sst s1  }
0x7: {  	_ = 	snop  }
0x8: {  	(tm) =	ssettm $0x1  }
0x9: {  	s18 =	sld [smem:$0x3FFB];
	_ =	sdelay $0x3  }
0xa: {  	_ =	strace s18  }
0xb: {  	s1 =	sld [smem:$0x3FFC];
	_ =	sdelay $0x3  }
0xc: {  	_ =	strace s1  }
0xd: {  	s1 =	sld [smem:$0x3FFD];
	_ =	sdelay $0x3  }
0xe: {  	_ =	strace s1  }
0xf: {  	_ =	strace $0x8FFFFFFF  }
0x10: {  	s19 =	sld [smem:$0x3FDB];
	_ =	sdelay $0x1  }
0x11: {  	s20 =	simm.s32 $_scs_section_size  }
0x12: {  	s4 =	simm.s32 $_size__tile_overlayer_lowered;
	s5 =	simm.s32 $_tile_overlayer_lowered  }
0x13: {  	s23 =	simm.s32 $0x1BFF;
	s22 =	sshll.u32 s5, $0x1;
	s1 =	sadd.s32 s20, s19  }
0x14: {  	s6 =	simm.s32 $0x0;
	s21 =	sshll.u32 s4, $0x1;
	s4 =	sadd.s32 s22, s1  }
0x15: {  	[timem:s6], [sflag:s23] =	dma.local [hbm:s4], s21  }
0x16: {  	_ =	swait.ge [sflag:s23], s21  }
0x17: {  	s2 =	ssub.s32 $0x0, s21;
	[sflag:s23] =	ssyncset.done $0x0  }
0x18: {  	[sflag:s23] =	ssyncadd.s32 s2;
	_ =	sdelay $0x1  }
0x19: {  	s24 =	simm.s32 $0x1B8B  }
0x1a: {  	_ =	swait.ge [sflag:s24], $0x1  }
0x1b: {  	[sflag:s24] =	ssyncset.done $0x0  }
0x1c: {  	s26 =	simm.s32 $0x1B8E;
	s25 =	sld [smem:$0x3FFE];
	[sflag:s24] =	ssyncadd.s32 $0xFFFFFFFF  }
0x1d: {  	s27 =	simm.s32 $execute0_lowered;
	[smem:$0x3FD2] =	sst s26  }
0x1e: {  	s4 =	sshll.u32 s27, $0x1;
	_ =	strace $0x80000049;
	[dreg:$0x1] =	wrdreg $0xFFFFFFFF  }
0x1f: {  	s28 =	simm.s32 $_size_execute0_lowered;
	s1 =	sadd.s32 s1, s4;
	[dreg:$0x0] =	wrdreg $0x0  }
0x20: {  	s4 =	sshll.u32 s28, $0x1;
	[dreg:$0x2] =	wrdreg s1  }
0x21: {  	[dreg:$0x3] =	wrdreg s4  }
0x22: {  	[dreg:$0x4] =	wrdreg $0xC0  }
0x23: {  	_ =	task [dreg:s6], $0x5FFFF  }
0x24: {  	[dreg:$0x1] =	wrdreg $0xFFFFFFFF  }
0x25: {  	[dreg:$0x0] =	wrdreg $0x60  }
0x26: {  	[dreg:$0x2] =	wrdreg s25  }
0x27: {  	[dreg:$0x3] =	wrdreg $0xA  }
0x28: {  	_ =	task.clear_ibuf [dreg:s6], $0x4FFFF;
	_ =	strace $0x90000049  }
0x29: {  	s29 =	simm.s32 $0xA;
	_ =	strace $0x8000004B  }
0x2a: {  	_ =	swait.ge [sflag:s29], $0x1  }
0x2b: {  	[sflag:s29] =	ssyncadd.s32 $0xFFFFFFFF  }
0x2c: {  	_ =	strace $0x9000004B  }
0x2d: {  	_ =	sfence  }
0x2e: {  	s30 =	sld [smem:$0x0];
	_ =	sdelay $0x2  }
0x2f: {  	s31 =	sshll.u32 s3, $0xD;
	s3 =	sshrl.u32 s3, $0x2  }
0x30: {  	s2 =	sand.u32 $0x4000, s31;
	s1 =	sadd.s32 s3, s30  }
0x31: {  	s0 =	sor.u32 s2, s0;
	s1 =	sshll.u32 s1, $0x11  }
0x32: {  	s0 =	sor.u32 s1, s0  }
0x33: {  	s0 =	sadd.s32 $0x8F2B, s0  }
0x34: {  	[sflag:s0] =	ssyncadd.remote.s32 $0x1  }
0x35: {  	_ =	sfence.sel $0xFFFF  }
0x36: {  	[dreg:$0x0] =	wrdreg $0xFFFFFFFF;
	(pc) =	sbr.abs _section_cstart, $3  }
0x37: {  	[dreg:$0x1] =	wrdreg $0xFFFFFFFF  }
0x38: {  	_ =	task.clear_ibuf [dreg:s6], $0x2FFFF;
	_ =	strace $0x9FFFFFFF  }
0x39: {  	(tm) =	ssettm $0x7FFFFFFF  }
tec
execute0_lowered:
.L_overlay_start_1:
0x0: {  	(tag) =	ssettag $0x1  }
0x1: {  	s0 =	srdreg.scid;
	s1 =	rddreg [dreg:$0x0]  }
0x2: {  	s5 =	simm.s32 $0x1;
	s8 =	simm.s32 $0x2;
	s14 =	simm.s32 $0x0  }
0x3: {  	s9 =	simm.s32 $0x10000;
	s10 =	simm.s32 $0x0;
	s15 =	simm.s32 $0x0  }
0x4: {  	s12 =	stileid.u32;
	s13 =	simm.s32 $0x0;
	s2 =	sshll.u32 s0, $0x3  }
0x5: {  	s21 =	simm.s32 $0x0;
	s0 =	rddreg [dreg:$0x1];
	s2 =	sand.u32 $0x8, s2  }
.Ltmp0:
0x6: {  	_ =	strace $0x8000004A;
	s6 =	ssub.s32 $0x100, s2;
	(pc) =	sbr.rel .LBB1_1-.Ltmp0, $4  }
0x7: {  	s3 =	sadd.s32 $0x2E00, s1;
	s4 =	sadd.s32 $0x102E00, s1;
	s7 =	sshrl.u32 s6, $0x3  }
0x8: {  	[sflag:s5] =	ssyncpa.u1 $0x0;
	s6 =	sshrl.u32 s6, $0x4;
	s7 =	sand.u32 $0x1, s7  }
0x9: {  	s1 =	stileid.u32;
	[sflag:s8] =	ssyncpa.u1 $0x0;
	s6 =	sadd.s32 s6, s7  }
0xa: {  	s8 =	simm.s32 $0x800;
	s11 =	smov.u32 s2;
	s7 =	sadd.s32 $0x1, s6  }
.LBB1_7:
0xb: {  	s16 =	sadd.s32 $0x10, s11  }
0xc: {  	s14 =	sadd.s32 $0x10, s12;
	s18 =	smov.u32 s12;
	p1 =	sgt.s32 s16, $0xFF  }
0xd: {  	s18 =	smov.u32 @p1 s14  }
0xe: {  	s16 =	smov.u32 @p1 s2;
	p1 =	sgt.s32 s18, $0xF  }
0xf: {  	s18 =	smov.u32 @p1 s1;
	p1 =	sne.s32 s13, s7  }
.Ltmp1:
0x10: {  	p0 =	slt.u32 s13, $0x2;
	(pc) =	sbr.rel @!p1 .LBB1_8-.Ltmp1, $4  }
0x11: {  	s17 =	simm.s32 @!p0 $0x2  }
0x12: {  	s15 =	smov.u32 s12;
	s10 =	sadd.s32 $0x4000, s10;
	_ =	swait.ge @!p0 [sflag:s17], $0x4000  }
0x13: {  	s14 =	smov.u32 s11;
	[sflag:s17] =	ssyncset.done @!p0 $0x0;
	s11 =	smov.u32 s16  }
0x14: {  	s13 =	sadd.s32 $0x1, s13;
	[sflag:s17] =	ssyncadd.s32 @!p0 $0xFFFFC000;
	s12 =	smov.u32 s18  }
.LBB1_1:
0x15: {  	p0 =	sge.u32 s13, s6  }
0x16: {  	s31 =	sadd.s32 $0xFFFFFFFF, s13;
	s16 =	sxor.u32 @!p0 $0xFFFFFFFF, s13;
	s17 =	sshll.u32 @!p0 s12, $0x10  }
0x17: {  	s18 =	sshll.u32 @!p0 s11, $0x8;
	s16 =	sshll.u32 @!p0 s16, $0xE;
	s17 =	sadd.s32 @!p0 s3, s17  }
0x18: {  	s16 =	sand.u32 @!p0 $0x4000, s16;
	s17 =	sadd.s32 @!p0 s18, s17;
	s18 =	simm.s32 @!p0 $0x0  }
0x19: {  	[tilespmem:s16], [sflag:$0x1] =	stream.linear.gather @!p0 [hbm4b:s17+s18], $0x4000, $0x38;
	[tilespmem:$0x10000] =	vst v63  }
0x1a: {  	p0 =	sge.u32 s31, s6  }
.Ltmp2:
0x1b: {  	_ = 	snop;
	(pc) =	sbr.rel @p0 .LBB1_7-.Ltmp2, $1  }
0x1c: {  	_ =	sdelay $0x3  }
0x1d: {  	s16 =	sshll.u32 s10, $0x2;
	_ =	swait.ge [sflag:s5], $0x4000;
	s31 =	sshll.u32 s13, $0xE  }
0x1e: {  	p0 =	por $0x0, $0x0;
	s22 =	simm.s32 $0x0;
	s23 =	simm.s32 $0x0  }
0x1f: {  	s16 =	sand.u32 $0x10000, s16;
	[sflag:s5] =	ssyncset.done $0x0;
	s19 =	sand.u32 $0x4000, s31  }
0x20: {  	s20 =	sshrl.u32 s16, $0x2;
	[sflag:s5] =	ssyncadd.s32 $0xFFFFC000;
	s16 =	sor.u32 $0x8000, s19  }
0x21: {  	s17 =	sor.u32 $0x40, s20;
	s18 =	sor.u32 $0x8410, s20;
	s20 =	sadd.s32 $0x8400, s20  }
.LBB1_3:
0x22: {  	v1 =	vld [tilespmem:s17+$0xFFFFFFD0]  }
0x23: {  	v2 =	vld [tilespmem:s17+$0x430]  }
0x24: {  	s24 =	sshll.u32 s23, $0xB;
	v4 =	vld [tilespmem:s17+$0xFFFFFFE0]  }
0x25: {  	v7 =	vld [tilespmem:s17+$0xFFFFFFF0];
	v0 =	vmov s24  }
0x26: {  	v8 =	vld [tilespmem:s17+$0x0]  }
0x27: {  	s30 =	sand.u32 $0x300, s21;
	v9 =	vld [tilespmem:s17+$0x10]  }
0x28: {  	s25 =	sand.u32 $0x80, s21;
	v10 =	vld [tilespmem:s17+$0x20];
	s24 =	sadd.s32 s30, s19  }
0x29: {  	v11 =	vld [tilespmem:s17+$0x30];
	s24 =	sadd.s32 s25, s24;
	s25 =	simm.s32 $0x1;
	[tilespmem:s18+$0x60] =	vst v2  }
0x2a: {  	s31 =	sshll.u32 s22, $0x2;
	s25 =	simm.s32 @!p0 $0x0;
	[tilespmem:s18+$0xFFFFFC00] =	vst v1;
	v3 =	vld.idx.msk [tilespmem:v0+s24+$0x400 ss:$0x1], $0xffff  }
0x2b: {  	v6 =	vld [tilespmem:s17+$0x3D0];
	s25 =	sshll.u32 s25, $0x9;
	[tilespmem:s18+$0xFFFFFC10] =	vst v4;
	s24 =	sand.u32 $0xFFFFFC00, s31  }
0x2c: {  	v5 =	vld [tilespmem:s17+$0x3E0];
	[tilespmem:s18+$0xFFFFFC20] =	vst v7;
	s24 =	sor.u32 s25, s24  }
0x2d: {  	[tilespmem:s18+$0xFFFFFC30] =	vst v8;
	v4 =	vld [tilespmem:s17+$0x400];
	s24 =	sshrl.u32 s24, $0x2  }
0x2e: {  	[tilespmem:s18+$0xFFFFFC40] =	vst v9;
	v1 =	vld [tilespmem:s17+$0x410];
	s24 =	sadd.s32 s24, s20  }
0x2f: {  	[tilespmem:s24+$0x0] =	vst v3;
	v3 =	vld [tilespmem:s17+$0x3F0]  }
0x30: {  	s28 =	simm.s32 $0x80;
	s27 =	simm.s32 $0x100;
	[tilespmem:s18+$0xFFFFFC50] =	vst v10;
	v2 =	vld [tilespmem:s17+$0x420]  }
0x31: {  	s26 =	smov.u32 s18;
	s29 =	sand.u32 $0x300, s28;
	v7 =	vld [tilespmem:s17+$0xFFFFFFC0];
	[tilespmem:s18+$0xFFFFFC60] =	vst v11;
	s25 =	sadd.s32 $0x80, s17  }
.LBB1_4:
0x32: {  	p1 =	sne.s32 s27, $0x380;
	v8 =	vld [tilespmem:s25+$0xFFFFFFD0];
	s28 =	sand.u32 $0x80, s28;
	s29 =	sadd.s32 s29, s19;
	[tilespmem:s26+$0x0] =	vst v6  }
0x33: {  	s29 =	sadd.s32 s28, s29;
	v6 =	vld [tilespmem:s25+$0x430];
	[tilespmem:s26+$0x10] =	vst v5;
	s28 =	smov.u32 s27  }
0x34: {  	v5 =	vld.idx.msk [tilespmem:v0+s29+$0x400 ss:$0x1], $0xffff;
	[tilespmem:s26+$0x20] =	vst v3  }
0x35: {  	v3 =	vld [tilespmem:s25+$0xFFFFFFE0];
	[tilespmem:s26+$0x30] =	vst v4  }
0x36: {  	v4 =	vld [tilespmem:s25+$0xFFFFFFF0];
	[tilespmem:s26+$0xFFFFFBF0] =	vst v7  }
0x37: {  	v7 =	vld [tilespmem:s25+$0x0];
	[tilespmem:s26+$0x40] =	vst v1  }
0x38: {  	v1 =	vld [tilespmem:s25+$0x10];
	[tilespmem:s26+$0x50] =	vst v2;
	s26 =	sadd.s32 $0x800, s26  }
0x39: {  	s24 =	sadd.s32 $0x800, s24;
	v2 =	vld [tilespmem:s25+$0x20];
	[tilespmem:s26+$0x60] =	vst v6  }
0x3a: {  	v9 =	vld [tilespmem:s25+$0x30];
	[tilespmem:s24+$0x0] =	vst v5  }
0x3b: {  	[tilespmem:s26+$0xFFFFFC00] =	vst v8;
	v6 =	vld [tilespmem:s25+$0x3D0]  }
0x3c: {  	[tilespmem:s26+$0xFFFFFC10] =	vst v3;
	v5 =	vld [tilespmem:s25+$0x3E0]  }
.Ltmp3:
0x3d: {  	[tilespmem:s26+$0xFFFFFC20] =	vst v4;
	v3 =	vld [tilespmem:s25+$0x3F0];
	(pc) =	sbr.rel @p1 .LBB1_4-.Ltmp3, $4  }
0x3e: {  	[tilespmem:s26+$0xFFFFFC30] =	vst v7;
	v4 =	vld [tilespmem:s25+$0x400]  }
0x3f: {  	[tilespmem:s26+$0xFFFFFC40] =	vst v1;
	v1 =	vld [tilespmem:s25+$0x410]  }
0x40: {  	[tilespmem:s26+$0xFFFFFC50] =	vst v2;
	v2 =	vld [tilespmem:s25+$0x420]  }
0x41: {  	s27 =	sadd.s32 $0x80, s27;
	s29 =	sand.u32 $0x300, s28;
	v7 =	vld [tilespmem:s25+$0xFFFFFFC0];
	[tilespmem:s26+$0xFFFFFC60] =	vst v9;
	s25 =	sadd.s32 $0x80, s25  }
0x42: {  	[tilespmem:s26+$0x0] =	vst v6  }
0x43: {  	[tilespmem:s26+$0x10] =	vst v5  }
0x44: {  	v49 =	vld [tilespmem:s25+$0x430];
	[tilespmem:s26+$0x20] =	vst v3  }
0x45: {  	v50 =	vld [tilespmem:s25+$0xFFFFFFD0];
	[tilespmem:s26+$0x30] =	vst v4  }
0x46: {  	v51 =	vld [tilespmem:s25+$0xFFFFFFE0];
	[tilespmem:s26+$0x40] =	vst v1  }
0x47: {  	v52 =	vld [tilespmem:s25+$0xFFFFFFF0];
	[tilespmem:s26+$0x50] =	vst v2  }
0x48: {  	s31 =	sadd.s32 $0x800, s26;
	v53 =	vld [tilespmem:s25+$0x0];
	[tilespmem:s26+$0xFFFFFBF0] =	vst v7  }
0x49: {  	v54 =	vld [tilespmem:s25+$0x10];
	[tilespmem:s31+$0x60] =	vst v49  }
0x4a: {  	v55 =	vld [tilespmem:s25+$0x20];
	[tilespmem:s31+$0xFFFFFC00] =	vst v50  }
0x4b: {  	v56 =	vld [tilespmem:s25+$0x30];
	[tilespmem:s31+$0xFFFFFC10] =	vst v51  }
0x4c: {  	v57 =	vld [tilespmem:s25+$0x3D0];
	[tilespmem:s31+$0xFFFFFC20] =	vst v52  }
0x4d: {  	v58 =	vld [tilespmem:s25+$0x3E0];
	[tilespmem:s31+$0xFFFFFC30] =	vst v53  }
0x4e: {  	v59 =	vld [tilespmem:s25+$0x3F0];
	[tilespmem:s31+$0xFFFFFC40] =	vst v54  }
0x4f: {  	v60 =	vld [tilespmem:s25+$0x400];
	[tilespmem:s31+$0xFFFFFC50] =	vst v55  }
0x50: {  	v61 =	vld [tilespmem:s25+$0xFFFFFFC0];
	[tilespmem:s31+$0xFFFFFC60] =	vst v56  }
0x51: {  	s27 =	sand.u32 $0x80, s28;
	s30 =	sadd.s32 s29, s19;
	v62 =	vld [tilespmem:s25+$0x410];
	[tilespmem:s31+$0x0] =	vst v57  }
0x52: {  	v63 =	vld [tilespmem:s25+$0x420];
	s23 =	sadd.s32 $0x1, s23;
	s27 =	sadd.s32 s27, s30;
	[tilespmem:s31+$0x10] =	vst v58  }
0x53: {  	p1 =	sne.s32 s23, $0x8;
	v0 =	vld.idx.msk [tilespmem:v0+s27+$0x400 ss:$0x1], $0xffff;
	[tilespmem:s31+$0x20] =	vst v59  }
.Ltmp4:
0x54: {  	[tilespmem:s31+$0x30] =	vst v60;
	(pc) =	sbr.rel @p1 .LBB1_3-.Ltmp4, $4  }
0x55: {  	[tilespmem:s31+$0xFFFFFBF0] =	vst v61  }
0x56: {  	[tilespmem:s31+$0x40] =	vst v62  }
0x57: {  	s24 =	sadd.s32 $0x800, s24;
	s17 =	sadd.s32 $0x800, s17;
	[tilespmem:s31+$0x50] =	vst v63  }
0x58: {  	s22 =	sadd.s32 $0x80, s22;
	p0 =	por !p0, !p0;
	s18 =	sadd.s32 $0x80, s18;
	[tilespmem:s24+$0x0] =	vst v0  }
0x59: {  	s17 =	sshll.u32 s14, $0x8;
	s31 =	sshll.u32 s14, $0x7  }
.Ltmp5:
0x5a: {  	s17 =	sand.u32 $0xF800, s17;
	s14 =	sand.u32 $0x380, s31;
	(pc) =	sbr.rel .LBB1_7-.Ltmp5, $4  }
0x5b: {  	s15 =	sshll.u32 s15, $0x10;
	s14 =	sor.u32 s14, s17  }
0x5c: {  	s15 =	sadd.s32 s4, s15;
	s14 =	sshrl.u32 s14, $0x3  }
0x5d: {  	s14 =	sadd.s32 s14, s15  }
0x5e: {  	[hbm4b:s14+s8] =	stream.strided.scatter [tilespmem:s16], [sflag:$0x2], $0x4000, s9, s8, $0x38;
	[tilespmem:$0x10000] =	vst v63  }
.LBB1_8:
0x5f: {  	_ =	sfence.sel $0x180000  }
0x60: {  	s2 =	simm.s32 $0x1;
	[bflag:$0x0] =	sbarrier.arrive $0xFFFF  }
0x61: {  	s31 =	simm.s32 $0x2;
	[sflag:s2] =	ssyncpa.u1 $0x1  }
0x62: {  	[sflag:s31] =	ssyncpa.u1 $0x1  }
0x63: {  	p0 =	sne.s32 s1, $0x0;
	_ =	strace $0x9000004A  }
0x64: {  	s0 =	sadd.s32 @!p0 $0x100000, s0;
	[bflag:$0x2] =	sbarrier.arrive $0xFFFF  }
0x65: {  	[sflag:s0] =	ssyncadd.tile.s32 @!p0 $0x1;
	_ =	shalt  }
.Lfunc_end1:
_tile_overlayer_lowered:
.L_overlay_start_2:
0x66: {  	(tag) =	ssettag $0x2  }
0x67: {  	s0 =	rddreg [dreg:$0x0];
	s2 =	stileid.u32  }
0x68: {  	s1 =	rddreg [dreg:$0x1];
	p0 =	sne.s32 s2, $0x0  }
0x69: {  	s3 =	rddreg [dreg:$0x2];
	[bflag:$0x3] =	sbarrier.arrive $0xFFFF;
	s2 =	simm.s32 @!p0 $0x1C01  }
0x6a: {  	[timem:s3], [sflag:s2] =	dma.local @!p0 [hbm:s0], s1  }
0x6b: {  	s0 =	simm.s32 @!p0 $0x1  }
0x6c: {  	_ =	swait.ge @!p0 [sflag:s0], s1  }
0x6d: {  	s1 =	ssub.s32 @!p0 $0x0, s1;
	[sflag:s0] =	ssyncset.done @!p0 $0x0  }
0x6e: {  	[sflag:s0] =	ssyncadd.s32 @!p0 s1  }
0x6f: {  	[bflag:$0x3] =	sbarrier.arrive $0xFFFF  }
0x70: {  	_ =	shalt  }

// kernel: sparse-core-data-format-call.3.cloned.1.call-start
scs
called_computation.3_lowered:
.L_overlay_start_0:
0x0: {  	s2 =	sld [smem:$0x3FD9]  }
0x1: {  	s3 =	sld [smem:$0x3FFE];
	_ =	sdelay $0x1  }
0x2: {  	s1 =	srdreg.scid  }
0x3: {  	s0 =	sand.u32 $0x1, s1  }
0x4: {  	s16 =	sshll.u32 s0, $0xA;
	s2 =	sadd.s32 s3, s2  }
0x5: {  	s2 =	sadd.s32 s2, s16  }
0x6: {  	[smem:$0x3FB4] =	sst s2  }
0x7: {  	_ = 	snop  }
0x8: {  	s2 =	sld [smem:$0x3FD0];
	_ =	sdelay $0x2  }
0x9: {  	s17 =	simm.s32 $0xC;
	s4 =	simm.s32 $0x10  }
0xa: {  	[smem:s4], [sflag:s17] =	dma.local [hbm:s2], $0x1  }
0xb: {  	_ =	swait.eq [sflag:s17], $0x1  }
0xc: {  	[sflag:s17] =	ssyncset.done $0x0  }
0xd: {  	[sflag:s17] =	ssyncadd.s32 $0xFFFFFFFF  }
0xe: {  	s18 =	sld [smem:$0x12];
	(tm) =	ssettm $0x1  }
0xf: {  	s19 =	sld [smem:$0x3FFB];
	_ =	sdelay $0x3  }
0x10: {  	_ =	strace s19  }
0x11: {  	s2 =	sld [smem:$0x3FFC];
	_ =	sdelay $0x3  }
0x12: {  	_ =	strace s2  }
0x13: {  	s2 =	sld [smem:$0x3FFD];
	_ =	sdelay $0x3  }
0x14: {  	_ =	strace s2  }
0x15: {  	_ =	strace $0x8FFFFFFF  }
0x16: {  	s20 =	sld [smem:$0x3FDB];
	_ =	sdelay $0x1  }
0x17: {  	s21 =	simm.s32 $_scs_section_size  }
0x18: {  	s5 =	simm.s32 $_size__tile_overlayer_lowered;
	s6 =	simm.s32 $_tile_overlayer_lowered  }
0x19: {  	s7 =	simm.s32 $0x1BFF;
	s22 =	sshll.u32 s6, $0x1;
	s4 =	sadd.s32 s21, s20  }
0x1a: {  	s23 =	simm.s32 $0x0;
	s5 =	sshll.u32 s5, $0x1;
	s6 =	sadd.s32 s22, s4  }
0x1b: {  	[timem:s23], [sflag:s7] =	dma.local [hbm:s6], s5  }
0x1c: {  	_ =	swait.ge [sflag:s7], s5  }
0x1d: {  	s5 =	ssub.s32 $0x0, s5;
	[sflag:s7] =	ssyncset.done $0x0  }
0x1e: {  	[sflag:s7] =	ssyncadd.s32 s5;
	_ =	sdelay $0x1  }
0x1f: {  	s24 =	simm.s32 $0x1B8B  }
0x20: {  	_ =	swait.ge [sflag:s24], $0x1  }
0x21: {  	[sflag:s24] =	ssyncset.done $0x0  }
0x22: {  	[sflag:s24] =	ssyncadd.s32 $0xFFFFFFFF  }
0x23: {  	s5 =	sld [smem:$0x0]  }
0x24: {  	s6 =	sand.u32 $0xFFFFFFFE, s1  }
0x25: {  	p0 =	sne.s32 s1, s6  }
0x26: {  	s6 =	sshll.u32 @p0 s6, $0xE  }
0x27: {  	s6 =	sadd.s32 @p0 $0x11B8D, s6;
	s7 =	sshll.u32 @p0 s5, $0x11  }
0x28: {  	s6 =	sor.u32 @p0 s7, s6  }
0x29: {  	[sflag:s6] =	ssyncadd.remote.s32 @p0 $0x1;
	_ =	sdelay $0x1  }
0x2a: {  	s6 =	simm.s32 @p0 $0x1B8D  }
0x2b: {  	_ =	swait.eq @p0 [sflag:s6], $0x1  }
0x2c: {  	[sflag:s6] =	ssyncadd.s32 @p0 $0xFFFFFFFF  }
0x2d: {  	s7 =	sshll.u32 @!p0 s1, $0xE  }
0x2e: {  	s7 =	sor.u32 @!p0 $0x4000, s7;
	s6 =	simm.s32 @!p0 $0x1B8D  }
0x2f: {  	s5 =	sshll.u32 @!p0 s5, $0x11;
	s7 =	sadd.s32 @!p0 $0x11B8D, s7;
	_ =	swait.eq @!p0 [sflag:s6], $0x1  }
0x30: {  	s5 =	sor.u32 @!p0 s5, s7;
	[sflag:s6] =	ssyncadd.s32 @!p0 $0xFFFFFFFF  }
0x31: {  	s26 =	simm.s32 $0x1B8E;
	s25 =	sld [smem:$0x3FFE];
	[sflag:s5] =	ssyncadd.remote.s32 @!p0 $0x1  }
0x32: {  	s27 =	simm.s32 $execute0_lowered;
	[smem:$0x3FD2] =	sst s26  }
0x33: {  	s6 =	sshll.u32 s27, $0x1;
	_ =	strace $0x8000004C;
	[dreg:$0x1] =	wrdreg $0xFFFFFFFF  }
0x34: {  	s28 =	simm.s32 $_size_execute0_lowered;
	s4 =	sadd.s32 s4, s6;
	[dreg:$0x0] =	wrdreg $0x0  }
0x35: {  	s6 =	sshll.u32 s28, $0x1;
	[dreg:$0x2] =	wrdreg s4  }
0x36: {  	[dreg:$0x3] =	wrdreg s6  }
0x37: {  	[dreg:$0x4] =	wrdreg $0xC0  }
0x38: {  	_ =	task [dreg:s23], $0x5FFFF  }
0x39: {  	[dreg:$0x1] =	wrdreg $0xFFFFFFFF  }
0x3a: {  	[dreg:$0x0] =	wrdreg $0x60  }
0x3b: {  	[dreg:$0x2] =	wrdreg s18  }
0x3c: {  	[dreg:$0x3] =	wrdreg s25  }
0x3d: {  	[dreg:$0x4] =	wrdreg $0xB  }
0x3e: {  	_ =	task.clear_ibuf [dreg:s23], $0x5FFFF;
	_ =	strace $0x9000004C  }
0x3f: {  	s29 =	simm.s32 $0xB;
	_ =	strace $0x8000004E  }
0x40: {  	_ =	swait.ge [sflag:s29], $0x1  }
0x41: {  	[sflag:s29] =	ssyncadd.s32 $0xFFFFFFFF  }
0x42: {  	_ =	strace $0x9000004E  }
0x43: {  	_ =	sfence  }
0x44: {  	s30 =	sld [smem:$0x0];
	_ =	sdelay $0x2  }
0x45: {  	s31 =	sshll.u32 s1, $0xD;
	s1 =	sshrl.u32 s1, $0x2  }
0x46: {  	s4 =	sand.u32 $0x4000, s31;
	s1 =	sadd.s32 s1, s30  }
0x47: {  	s0 =	sor.u32 s4, s0;
	s1 =	sshll.u32 s1, $0x11  }
0x48: {  	s0 =	sor.u32 s1, s0  }
0x49: {  	s0 =	sadd.s32 $0x8F2B, s0  }
0x4a: {  	[sflag:s0] =	ssyncadd.remote.s32 $0x1  }
0x4b: {  	_ =	sfence.sel $0xFFFF  }
0x4c: {  	[dreg:$0x0] =	wrdreg $0xFFFFFFFF;
	(pc) =	sbr.abs _section_cstart, $3  }
0x4d: {  	[dreg:$0x1] =	wrdreg $0xFFFFFFFF  }
0x4e: {  	_ =	task.clear_ibuf [dreg:s23], $0x2FFFF;
	_ =	strace $0x9FFFFFFF  }
0x4f: {  	(tm) =	ssettm $0x7FFFFFFF  }
tec
execute0_lowered:
.L_overlay_start_1:
0x0: {  	(tag) =	ssettag $0x1  }
0x1: {  	s1 =	rddreg [dreg:$0x0];
	s0 =	srdreg.scid  }
0x2: {  	s2 =	rddreg [dreg:$0x1];
	s5 =	simm.s32 $0x1;
	s8 =	simm.s32 $0x2  }
0x3: {  	s14 =	simm.s32 $0x0;
	s9 =	simm.s32 $0x10000;
	s10 =	simm.s32 $0x0  }
0x4: {  	s15 =	simm.s32 $0x0;
	s12 =	stileid.u32;
	s3 =	sshll.u32 s0, $0x3  }
0x5: {  	s13 =	simm.s32 $0x0;
	s21 =	simm.s32 $0x0;
	s3 =	sand.u32 $0x8, s3  }
.Ltmp0:
0x6: {  	s0 =	rddreg [dreg:$0x2];
	s6 =	ssub.s32 $0x100, s3;
	(pc) =	sbr.rel .LBB1_1-.Ltmp0, $4  }
0x7: {  	_ =	strace $0x8000004D;
	s4 =	sadd.s32 $0x202E00, s2;
	s7 =	sshrl.u32 s6, $0x3  }
0x8: {  	[sflag:s5] =	ssyncpa.u1 $0x0;
	s6 =	sshrl.u32 s6, $0x4;
	s7 =	sand.u32 $0x1, s7  }
0x9: {  	s2 =	stileid.u32;
	[sflag:s8] =	ssyncpa.u1 $0x0;
	s6 =	sadd.s32 s6, s7  }
0xa: {  	s8 =	simm.s32 $0x800;
	s11 =	smov.u32 s3;
	s7 =	sadd.s32 $0x1, s6  }
.LBB1_7:
0xb: {  	s16 =	sadd.s32 $0x10, s11  }
0xc: {  	s14 =	sadd.s32 $0x10, s12;
	s18 =	smov.u32 s12;
	p1 =	sgt.s32 s16, $0xFF  }
0xd: {  	s18 =	smov.u32 @p1 s14  }
0xe: {  	s16 =	smov.u32 @p1 s3;
	p1 =	sgt.s32 s18, $0xF  }
0xf: {  	s18 =	smov.u32 @p1 s2;
	p1 =	sne.s32 s13, s7  }
.Ltmp1:
0x10: {  	p0 =	slt.u32 s13, $0x2;
	(pc) =	sbr.rel @!p1 .LBB1_8-.Ltmp1, $4  }
0x11: {  	s17 =	simm.s32 @!p0 $0x2  }
0x12: {  	s15 =	smov.u32 s12;
	s10 =	sadd.s32 $0x4000, s10;
	_ =	swait.ge @!p0 [sflag:s17], $0x4000  }
0x13: {  	s14 =	smov.u32 s11;
	[sflag:s17] =	ssyncset.done @!p0 $0x0;
	s11 =	smov.u32 s16  }
0x14: {  	s13 =	sadd.s32 $0x1, s13;
	[sflag:s17] =	ssyncadd.s32 @!p0 $0xFFFFC000;
	s12 =	smov.u32 s18  }
.LBB1_1:
0x15: {  	p0 =	sge.u32 s13, s6  }
0x16: {  	s31 =	sadd.s32 $0xFFFFFFFF, s13;
	s16 =	sxor.u32 @!p0 $0xFFFFFFFF, s13;
	s17 =	sshll.u32 @!p0 s12, $0x10  }
0x17: {  	s18 =	sshll.u32 @!p0 s11, $0x8;
	s16 =	sshll.u32 @!p0 s16, $0xE;
	s17 =	sadd.s32 @!p0 s1, s17  }
0x18: {  	s16 =	sand.u32 @!p0 $0x4000, s16;
	s17 =	sadd.s32 @!p0 s18, s17;
	s18 =	simm.s32 @!p0 $0x0  }
0x19: {  	[tilespmem:s16], [sflag:$0x1] =	stream.linear.gather @!p0 [hbm4b:s17+s18], $0x4000, $0x38;
	[tilespmem:$0x10000] =	vst v63  }
0x1a: {  	p0 =	sge.u32 s31, s6  }
.Ltmp2:
0x1b: {  	_ = 	snop;
	(pc) =	sbr.rel @p0 .LBB1_7-.Ltmp2, $1  }
0x1c: {  	_ =	sdelay $0x3  }
0x1d: {  	s16 =	sshll.u32 s10, $0x2;
	_ =	swait.ge [sflag:s5], $0x4000;
	s31 =	sshll.u32 s13, $0xE  }
0x1e: {  	p0 =	por $0x0, $0x0;
	s22 =	simm.s32 $0x0;
	s23 =	simm.s32 $0x0  }
0x1f: {  	s16 =	sand.u32 $0x10000, s16;
	[sflag:s5] =	ssyncset.done $0x0;
	s19 =	sand.u32 $0x4000, s31  }
0x20: {  	s20 =	sshrl.u32 s16, $0x2;
	[sflag:s5] =	ssyncadd.s32 $0xFFFFC000;
	s16 =	sor.u32 $0x8000, s19  }
0x21: {  	s17 =	sor.u32 $0x40, s20;
	s18 =	sor.u32 $0x8410, s20;
	s20 =	sadd.s32 $0x8400, s20  }
.LBB1_3:
0x22: {  	v1 =	vld [tilespmem:s17+$0xFFFFFFD0]  }
0x23: {  	v2 =	vld [tilespmem:s17+$0x430]  }
0x24: {  	s24 =	sshll.u32 s23, $0xB;
	v4 =	vld [tilespmem:s17+$0xFFFFFFE0]  }
0x25: {  	v7 =	vld [tilespmem:s17+$0xFFFFFFF0];
	v0 =	vmov s24  }
0x26: {  	v8 =	vld [tilespmem:s17+$0x0]  }
0x27: {  	s30 =	sand.u32 $0x300, s21;
	v9 =	vld [tilespmem:s17+$0x10]  }
0x28: {  	s25 =	sand.u32 $0x80, s21;
	v10 =	vld [tilespmem:s17+$0x20];
	s24 =	sadd.s32 s30, s19  }
0x29: {  	v11 =	vld [tilespmem:s17+$0x30];
	s24 =	sadd.s32 s25, s24;
	s25 =	simm.s32 $0x1;
	[tilespmem:s18+$0x60] =	vst v2  }
0x2a: {  	s31 =	sshll.u32 s22, $0x2;
	s25 =	simm.s32 @!p0 $0x0;
	[tilespmem:s18+$0xFFFFFC00] =	vst v1;
	v3 =	vld.idx.msk [tilespmem:v0+s24+$0x400 ss:$0x1], $0xffff  }
0x2b: {  	v6 =	vld [tilespmem:s17+$0x3D0];
	s25 =	sshll.u32 s25, $0x9;
	[tilespmem:s18+$0xFFFFFC10] =	vst v4;
	s24 =	sand.u32 $0xFFFFFC00, s31  }
0x2c: {  	v5 =	vld [tilespmem:s17+$0x3E0];
	[tilespmem:s18+$0xFFFFFC20] =	vst v7;
	s24 =	sor.u32 s25, s24  }
0x2d: {  	[tilespmem:s18+$0xFFFFFC30] =	vst v8;
	v4 =	vld [tilespmem:s17+$0x400];
	s24 =	sshrl.u32 s24, $0x2  }
0x2e: {  	[tilespmem:s18+$0xFFFFFC40] =	vst v9;
	v1 =	vld [tilespmem:s17+$0x410];
	s24 =	sadd.s32 s24, s20  }
0x2f: {  	[tilespmem:s24+$0x0] =	vst v3;
	v3 =	vld [tilespmem:s17+$0x3F0]  }
0x30: {  	s28 =	simm.s32 $0x80;
	s27 =	simm.s32 $0x100;
	[tilespmem:s18+$0xFFFFFC50] =	vst v10;
	v2 =	vld [tilespmem:s17+$0x420]  }
0x31: {  	s26 =	smov.u32 s18;
	s29 =	sand.u32 $0x300, s28;
	v7 =	vld [tilespmem:s17+$0xFFFFFFC0];
	[tilespmem:s18+$0xFFFFFC60] =	vst v11;
	s25 =	sadd.s32 $0x80, s17  }
.LBB1_4:
0x32: {  	p1 =	sne.s32 s27, $0x380;
	v8 =	vld [tilespmem:s25+$0xFFFFFFD0];
	s28 =	sand.u32 $0x80, s28;
	s29 =	sadd.s32 s29, s19;
	[tilespmem:s26+$0x0] =	vst v6  }
0x33: {  	s29 =	sadd.s32 s28, s29;
	v6 =	vld [tilespmem:s25+$0x430];
	[tilespmem:s26+$0x10] =	vst v5;
	s28 =	smov.u32 s27  }
0x34: {  	v5 =	vld.idx.msk [tilespmem:v0+s29+$0x400 ss:$0x1], $0xffff;
	[tilespmem:s26+$0x20] =	vst v3  }
0x35: {  	v3 =	vld [tilespmem:s25+$0xFFFFFFE0];
	[tilespmem:s26+$0x30] =	vst v4  }
0x36: {  	v4 =	vld [tilespmem:s25+$0xFFFFFFF0];
	[tilespmem:s26+$0xFFFFFBF0] =	vst v7  }
0x37: {  	v7 =	vld [tilespmem:s25+$0x0];
	[tilespmem:s26+$0x40] =	vst v1  }
0x38: {  	v1 =	vld [tilespmem:s25+$0x10];
	[tilespmem:s26+$0x50] =	vst v2;
	s26 =	sadd.s32 $0x800, s26  }
0x39: {  	s24 =	sadd.s32 $0x800, s24;
	v2 =	vld [tilespmem:s25+$0x20];
	[tilespmem:s26+$0x60] =	vst v6  }
0x3a: {  	v9 =	vld [tilespmem:s25+$0x30];
	[tilespmem:s24+$0x0] =	vst v5  }
0x3b: {  	[tilespmem:s26+$0xFFFFFC00] =	vst v8;
	v6 =	vld [tilespmem:s25+$0x3D0]  }
0x3c: {  	[tilespmem:s26+$0xFFFFFC10] =	vst v3;
	v5 =	vld [tilespmem:s25+$0x3E0]  }
.Ltmp3:
0x3d: {  	[tilespmem:s26+$0xFFFFFC20] =	vst v4;
	v3 =	vld [tilespmem:s25+$0x3F0];
	(pc) =	sbr.rel @p1 .LBB1_4-.Ltmp3, $4  }
0x3e: {  	[tilespmem:s26+$0xFFFFFC30] =	vst v7;
	v4 =	vld [tilespmem:s25+$0x400]  }
0x3f: {  	[tilespmem:s26+$0xFFFFFC40] =	vst v1;
	v1 =	vld [tilespmem:s25+$0x410]  }
0x40: {  	[tilespmem:s26+$0xFFFFFC50] =	vst v2;
	v2 =	vld [tilespmem:s25+$0x420]  }
0x41: {  	s27 =	sadd.s32 $0x80, s27;
	s29 =	sand.u32 $0x300, s28;
	v7 =	vld [tilespmem:s25+$0xFFFFFFC0];
	[tilespmem:s26+$0xFFFFFC60] =	vst v9;
	s25 =	sadd.s32 $0x80, s25  }
0x42: {  	[tilespmem:s26+$0x0] =	vst v6  }
0x43: {  	[tilespmem:s26+$0x10] =	vst v5  }
0x44: {  	v49 =	vld [tilespmem:s25+$0x430];
	[tilespmem:s26+$0x20] =	vst v3  }
0x45: {  	v50 =	vld [tilespmem:s25+$0xFFFFFFD0];
	[tilespmem:s26+$0x30] =	vst v4  }
0x46: {  	v51 =	vld [tilespmem:s25+$0xFFFFFFE0];
	[tilespmem:s26+$0x40] =	vst v1  }
0x47: {  	v52 =	vld [tilespmem:s25+$0xFFFFFFF0];
	[tilespmem:s26+$0x50] =	vst v2  }
0x48: {  	s31 =	sadd.s32 $0x800, s26;
	v53 =	vld [tilespmem:s25+$0x0];
	[tilespmem:s26+$0xFFFFFBF0] =	vst v7  }
0x49: {  	v54 =	vld [tilespmem:s25+$0x10];
	[tilespmem:s31+$0x60] =	vst v49  }
0x4a: {  	v55 =	vld [tilespmem:s25+$0x20];
	[tilespmem:s31+$0xFFFFFC00] =	vst v50  }
0x4b: {  	v56 =	vld [tilespmem:s25+$0x30];
	[tilespmem:s31+$0xFFFFFC10] =	vst v51  }
0x4c: {  	v57 =	vld [tilespmem:s25+$0x3D0];
	[tilespmem:s31+$0xFFFFFC20] =	vst v52  }
0x4d: {  	v58 =	vld [tilespmem:s25+$0x3E0];
	[tilespmem:s31+$0xFFFFFC30] =	vst v53  }
0x4e: {  	v59 =	vld [tilespmem:s25+$0x3F0];
	[tilespmem:s31+$0xFFFFFC40] =	vst v54  }
0x4f: {  	v60 =	vld [tilespmem:s25+$0x400];
	[tilespmem:s31+$0xFFFFFC50] =	vst v55  }
0x50: {  	v61 =	vld [tilespmem:s25+$0xFFFFFFC0];
	[tilespmem:s31+$0xFFFFFC60] =	vst v56  }
0x51: {  	s27 =	sand.u32 $0x80, s28;
	s30 =	sadd.s32 s29, s19;
	v62 =	vld [tilespmem:s25+$0x410];
	[tilespmem:s31+$0x0] =	vst v57  }
0x52: {  	v63 =	vld [tilespmem:s25+$0x420];
	s23 =	sadd.s32 $0x1, s23;
	s27 =	sadd.s32 s27, s30;
	[tilespmem:s31+$0x10] =	vst v58  }
0x53: {  	p1 =	sne.s32 s23, $0x8;
	v0 =	vld.idx.msk [tilespmem:v0+s27+$0x400 ss:$0x1], $0xffff;
	[tilespmem:s31+$0x20] =	vst v59  }
.Ltmp4:
0x54: {  	[tilespmem:s31+$0x30] =	vst v60;
	(pc) =	sbr.rel @p1 .LBB1_3-.Ltmp4, $4  }
0x55: {  	[tilespmem:s31+$0xFFFFFBF0] =	vst v61  }
0x56: {  	[tilespmem:s31+$0x40] =	vst v62  }
0x57: {  	s24 =	sadd.s32 $0x800, s24;
	s17 =	sadd.s32 $0x800, s17;
	[tilespmem:s31+$0x50] =	vst v63  }
0x58: {  	s22 =	sadd.s32 $0x80, s22;
	p0 =	por !p0, !p0;
	s18 =	sadd.s32 $0x80, s18;
	[tilespmem:s24+$0x0] =	vst v0  }
0x59: {  	s17 =	sshll.u32 s14, $0x8;
	s31 =	sshll.u32 s14, $0x7  }
.Ltmp5:
0x5a: {  	s17 =	sand.u32 $0xF800, s17;
	s14 =	sand.u32 $0x380, s31;
	(pc) =	sbr.rel .LBB1_7-.Ltmp5, $4  }
0x5b: {  	s15 =	sshll.u32 s15, $0x10;
	s14 =	sor.u32 s14, s17  }
0x5c: {  	s15 =	sadd.s32 s4, s15;
	s14 =	sshrl.u32 s14, $0x3  }
0x5d: {  	s14 =	sadd.s32 s14, s15  }
0x5e: {  	[hbm4b:s14+s8] =	stream.strided.scatter [tilespmem:s16], [sflag:$0x2], $0x4000, s9, s8, $0x38;
	[tilespmem:$0x10000] =	vst v63  }
.LBB1_8:
0x5f: {  	_ =	sfence.sel $0x180000  }
0x60: {  	s1 =	simm.s32 $0x1;
	[bflag:$0x0] =	sbarrier.arrive $0xFFFF  }
0x61: {  	s31 =	simm.s32 $0x2;
	[sflag:s1] =	ssyncpa.u1 $0x1  }
0x62: {  	[sflag:s31] =	ssyncpa.u1 $0x1  }
0x63: {  	p0 =	sne.s32 s2, $0x0;
	_ =	strace $0x9000004D  }
0x64: {  	s0 =	sadd.s32 @!p0 $0x100000, s0;
	[bflag:$0x2] =	sbarrier.arrive $0xFFFF  }
0x65: {  	[sflag:s0] =	ssyncadd.tile.s32 @!p0 $0x1;
	_ =	shalt  }
.Lfunc_end1:
_tile_overlayer_lowered:
.L_overlay_start_2:
0x66: {  	(tag) =	ssettag $0x2  }
0x67: {  	s0 =	rddreg [dreg:$0x0];
	s2 =	stileid.u32  }
0x68: {  	s1 =	rddreg [dreg:$0x1];
	p0 =	sne.s32 s2, $0x0  }
0x69: {  	s3 =	rddreg [dreg:$0x2];
	[bflag:$0x3] =	sbarrier.arrive $0xFFFF;
	s2 =	simm.s32 @!p0 $0x1C01  }
0x6a: {  	[timem:s3], [sflag:s2] =	dma.local @!p0 [hbm:s0], s1  }
0x6b: {  	s0 =	simm.s32 @!p0 $0x1  }
0x6c: {  	_ =	swait.ge @!p0 [sflag:s0], s1  }
0x6d: {  	s1 =	ssub.s32 @!p0 $0x0, s1;
	[sflag:s0] =	ssyncset.done @!p0 $0x0  }
0x6e: {  	[sflag:s0] =	ssyncadd.s32 @!p0 s1  }
0x6f: {  	[bflag:$0x3] =	sbarrier.arrive $0xFFFF  }
0x70: {  	_ =	shalt  }

// kernel: sparse-core-data-format-call.4.cloned.1.call-start
scs
called_computation.4_lowered:
.L_overlay_start_0:
0x0: {  	s1 =	sld [smem:$0x3FD9]  }
0x1: {  	s2 =	sld [smem:$0x3FFE];
	_ =	sdelay $0x1  }
0x2: {  	s3 =	srdreg.scid  }
0x3: {  	s0 =	sand.u32 $0x1, s3  }
0x4: {  	s17 =	sshll.u32 s0, $0xA;
	s1 =	sadd.s32 s2, s1  }
0x5: {  	s1 =	sadd.s32 s1, s17  }
0x6: {  	[smem:$0x3FB4] =	sst s1  }
0x7: {  	_ = 	snop  }
0x8: {  	(tm) =	ssettm $0x1  }
0x9: {  	s18 =	sld [smem:$0x3FFB];
	_ =	sdelay $0x3  }
0xa: {  	_ =	strace s18  }
0xb: {  	s1 =	sld [smem:$0x3FFC];
	_ =	sdelay $0x3  }
0xc: {  	_ =	strace s1  }
0xd: {  	s1 =	sld [smem:$0x3FFD];
	_ =	sdelay $0x3  }
0xe: {  	_ =	strace s1  }
0xf: {  	_ =	strace $0x8FFFFFFF  }
0x10: {  	s19 =	sld [smem:$0x3FDB];
	_ =	sdelay $0x1  }
0x11: {  	s20 =	simm.s32 $_scs_section_size  }
0x12: {  	s4 =	simm.s32 $_size__tile_overlayer_lowered;
	s5 =	simm.s32 $_tile_overlayer_lowered  }
0x13: {  	s23 =	simm.s32 $0x1BFF;
	s22 =	sshll.u32 s5, $0x1;
	s1 =	sadd.s32 s20, s19  }
0x14: {  	s6 =	simm.s32 $0x0;
	s21 =	sshll.u32 s4, $0x1;
	s4 =	sadd.s32 s22, s1  }
0x15: {  	[timem:s6], [sflag:s23] =	dma.local [hbm:s4], s21  }
0x16: {  	_ =	swait.ge [sflag:s23], s21  }
0x17: {  	s2 =	ssub.s32 $0x0, s21;
	[sflag:s23] =	ssyncset.done $0x0  }
0x18: {  	[sflag:s23] =	ssyncadd.s32 s2;
	_ =	sdelay $0x1  }
0x19: {  	s24 =	simm.s32 $0x1B8B  }
0x1a: {  	_ =	swait.ge [sflag:s24], $0x1  }
0x1b: {  	[sflag:s24] =	ssyncset.done $0x0  }
0x1c: {  	s26 =	simm.s32 $0x1B8E;
	s25 =	sld [smem:$0x3FFE];
	[sflag:s24] =	ssyncadd.s32 $0xFFFFFFFF  }
0x1d: {  	s27 =	simm.s32 $execute0_lowered;
	[smem:$0x3FD2] =	sst s26  }
0x1e: {  	s4 =	sshll.u32 s27, $0x1;
	_ =	strace $0x80000046;
	[dreg:$0x1] =	wrdreg $0xFFFFFFFF  }
0x1f: {  	s28 =	simm.s32 $_size_execute0_lowered;
	s1 =	sadd.s32 s1, s4;
	[dreg:$0x0] =	wrdreg $0x0  }
0x20: {  	s4 =	sshll.u32 s28, $0x1;
	[dreg:$0x2] =	wrdreg s1  }
0x21: {  	[dreg:$0x3] =	wrdreg s4  }
0x22: {  	[dreg:$0x4] =	wrdreg $0xC0  }
0x23: {  	_ =	task [dreg:s6], $0x5FFFF  }
0x24: {  	[dreg:$0x1] =	wrdreg $0xFFFFFFFF  }
0x25: {  	[dreg:$0x0] =	wrdreg $0x60  }
0x26: {  	[dreg:$0x2] =	wrdreg s25  }
0x27: {  	[dreg:$0x3] =	wrdreg $0x9  }
0x28: {  	_ =	task.clear_ibuf [dreg:s6], $0x4FFFF;
	_ =	strace $0x90000046  }
0x29: {  	s29 =	simm.s32 $0x9;
	_ =	strace $0x80000048  }
0x2a: {  	_ =	swait.ge [sflag:s29], $0x1  }
0x2b: {  	[sflag:s29] =	ssyncadd.s32 $0xFFFFFFFF  }
0x2c: {  	_ =	strace $0x90000048  }
0x2d: {  	_ =	sfence  }
0x2e: {  	s30 =	sld [smem:$0x0];
	_ =	sdelay $0x2  }
0x2f: {  	s31 =	sshll.u32 s3, $0xD;
	s3 =	sshrl.u32 s3, $0x2  }
0x30: {  	s2 =	sand.u32 $0x4000, s31;
	s1 =	sadd.s32 s3, s30  }
0x31: {  	s0 =	sor.u32 s2, s0;
	s1 =	sshll.u32 s1, $0x11  }
0x32: {  	s0 =	sor.u32 s1, s0  }
0x33: {  	s0 =	sadd.s32 $0x8F2B, s0  }
0x34: {  	[sflag:s0] =	ssyncadd.remote.s32 $0x1  }
0x35: {  	_ =	sfence.sel $0xFFFF  }
0x36: {  	[dreg:$0x0] =	wrdreg $0xFFFFFFFF;
	(pc) =	sbr.abs _section_cstart, $3  }
0x37: {  	[dreg:$0x1] =	wrdreg $0xFFFFFFFF  }
0x38: {  	_ =	task.clear_ibuf [dreg:s6], $0x2FFFF;
	_ =	strace $0x9FFFFFFF  }
0x39: {  	(tm) =	ssettm $0x7FFFFFFF  }
tec
execute0_lowered:
.L_overlay_start_1:
0x0: {  	(tag) =	ssettag $0x1  }
0x1: {  	s1 =	srdreg.scid;
	s0 =	stileid.u32  }
0x2: {  	s5 =	rddreg [dreg:$0x0];
	s10 =	simm.s32 $0x2;
	s15 =	simm.s32 $0x0  }
0x3: {  	s11 =	simm.s32 $0x800;
	s12 =	simm.s32 $0x0;
	s16 =	simm.s32 $0x0  }
0x4: {  	s18 =	simm.s32 $0x0;
	s1 =	sshll.u32 s1, $0x7;
	s3 =	sshll.u32 s0, $0x4  }
0x5: {  	s17 =	simm.s32 $0x0;
	s2 =	sand.u32 $0x80, s1;
	s3 =	sand.u32 $0x80, s3  }
0x6: {  	s13 =	simm.s32 $0x0;
	s4 =	ssub.s32 $0x100, s3;
	s6 =	ssub.s32 $0x100, s2  }
0x7: {  	s7 =	sshrl.u32 s4, $0x8;
	s4 =	sshrl.u32 s4, $0x7;
	s8 =	sshrl.u32 s6, $0x7  }
0x8: {  	s6 =	sshrl.u32 s6, $0x8;
	s4 =	sand.u32 $0x1, s4;
	s8 =	sand.u32 $0x1, s8  }
0x9: {  	s14 =	simm.s32 $0x0;
	s7 =	sadd.s32 s7, s4;
	s6 =	sadd.s32 s6, s8  }
0xa: {  	s1 =	rddreg [dreg:$0x1];
	_ =	strace $0x80000047;
	s7 =	smul.u32 s6, s7  }
.Ltmp0:
0xb: {  	s30 =	sadd.s32 s2, s5;
	s4 =	sand.u32 $0x7, s0;
	(pc) =	sbr.rel .LBB1_1-.Ltmp0, $4  }
0xc: {  	s31 =	sshll.u32 s3, $0x5;
	s6 =	simm.s32 $0x1;
	s9 =	sshll.u32 s4, $0xD  }
0xd: {  	s8 =	sadd.s32 s9, s30;
	[sflag:s6] =	ssyncpa.u1 $0x0;
	s7 =	smul.u32 $0x1A, s7  }
0xe: {  	s5 =	sadd.s32 $0x1A2E00, s5;
	s8 =	sadd.s32 s31, s8;
	[sflag:s10] =	ssyncpa.u1 $0x0  }
0xf: {  	s10 =	simm.s32 $0x80;
	s8 =	sadd.s32 $0x2E00, s8;
	s9 =	sor.u32 $0x1, s7  }
.LBB1_4:
0x10: {  	_ =	sdelay $0x3  }
0x11: {  	[tilespmem:v0+s20+$0xFFFFFFA0 ss:$0x1] =	vst.idx.msk $0xffff, v6  }
0x12: {  	v56 =	vld.idx.msk [tilespmem:v1+s21+$0x30 ss:$0x1], $0xffff;
	[tilespmem:v0+s20+$0xFFFFFFB0 ss:$0x1] =	vst.idx.msk $0xffff, v4  }
0x13: {  	v57 =	vld.idx.msk [tilespmem:v1+s21+$0xFFFFFFC0 ss:$0x1], $0xffff;
	[tilespmem:v0+s20+$0xFFFFFFC0 ss:$0x1] =	vst.idx.msk $0xffff, v2  }
0x14: {  	v58 =	vld.idx.msk [tilespmem:v1+s21+$0xFFFFFFD0 ss:$0x1], $0xffff;
	[tilespmem:v0+s20+$0xFFFFFFD0 ss:$0x1] =	vst.idx.msk $0xffff, v3  }
0x15: {  	v59 =	vld.idx.msk [tilespmem:v1+s21+$0xFFFFFFE0 ss:$0x1], $0xffff;
	[tilespmem:v0+s20+$0xFFFFFFE0 ss:$0x1] =	vst.idx.msk $0xffff, v5  }
0x16: {  	v60 =	vld.idx.msk [tilespmem:v1+s21+$0xFFFFFFF0 ss:$0x1], $0xffff;
	[tilespmem:v0+s20+$0xFFFFFFF0 ss:$0x1] =	vst.idx.msk $0xffff, v7  }
0x17: {  	v61 =	vld.idx.msk [tilespmem:v1+s21+$0x0 ss:$0x1], $0xffff;
	[tilespmem:v0+s21+$0x0 ss:$0x1] =	vst.idx.msk $0xffff, v56  }
0x18: {  	v62 =	vld.idx.msk [tilespmem:v1+s21+$0x10 ss:$0x1], $0xffff;
	[tilespmem:v0+s21+$0xFFFFFF90 ss:$0x1] =	vst.idx.msk $0xffff, v57  }
0x19: {  	v63 =	vld.idx.msk [tilespmem:v1+s21+$0x20 ss:$0x1], $0xffff;
	[tilespmem:v0+s21+$0xFFFFFFA0 ss:$0x1] =	vst.idx.msk $0xffff, v58  }
0x1a: {  	s17 =	sshll.u32 s17, $0x10;
	[tilespmem:v0+s21+$0xFFFFFFB0 ss:$0x1] =	vst.idx.msk $0xffff, v59  }
0x1b: {  	s18 =	sshll.u32 s18, $0x4;
	s17 =	sadd.s32 s5, s17;
	[tilespmem:v0+s21+$0xFFFFFFC0 ss:$0x1] =	vst.idx.msk $0xffff, v60  }
0x1c: {  	s17 =	sadd.s32 s18, s17;
	[tilespmem:v0+s21+$0xFFFFFFD0 ss:$0x1] =	vst.idx.msk $0xffff, v61  }
0x1d: {  	s16 =	sshll.u32 s16, $0x8;
	s15 =	sadd.s32 s15, s17;
	[tilespmem:v0+s21+$0xFFFFFFE0 ss:$0x1] =	vst.idx.msk $0xffff, v62  }
0x1e: {  	s15 =	sadd.s32 s16, s15;
	[tilespmem:v0+s21+$0xFFFFFFF0 ss:$0x1] =	vst.idx.msk $0xffff, v63  }
0x1f: {  	[hbm4b:s15+s10] =	stream.strided.scatter [tilespmem:s19], [sflag:$0x2], $0x4000, s11, s10, $0x38;
	[tilespmem:$0x10000] =	vst v63  }
.LBB1_5:
0x20: {  	s19 =	sadd.s32 $0x1, s13  }
0x21: {  	p1 =	sgt.s32 s19, $0x19  }
0x22: {  	s19 =	simm.s32 @p1 $0x0;
	p1 =	sne.s32 s14, s9  }
.Ltmp1:
0x23: {  	p0 =	slt.u32 s14, $0x2;
	(pc) =	sbr.rel @!p1 .LBB1_6-.Ltmp1, $4  }
0x24: {  	s20 =	sadd.s32 $0x1, s14;
	s17 =	smov.u32 s13;
	s15 =	simm.s32 @!p0 $0x2  }
0x25: {  	s12 =	sadd.s32 $0x4000, s12;
	s16 =	smov.u32 s3;
	_ =	swait.ge @!p0 [sflag:s15], $0x4000  }
0x26: {  	s18 =	smov.u32 s4;
	s14 =	smov.u32 s20;
	[sflag:s15] =	ssyncset.done @!p0 $0x0  }
0x27: {  	s13 =	smov.u32 s19;
	[sflag:s15] =	ssyncadd.s32 @!p0 $0xFFFFC000;
	s15 =	smov.u32 s2  }
.LBB1_1:
0x28: {  	p0 =	sge.u32 s14, s7  }
0x29: {  	s31 =	sadd.s32 $0xFFFFFFFF, s14;
	s19 =	sxor.u32 @!p0 $0xFFFFFFFF, s14  }
0x2a: {  	s20 =	sshll.u32 @!p0 s13, $0x10;
	s21 =	simm.s32 @!p0 $0x400;
	s19 =	sshll.u32 @!p0 s19, $0xE  }
0x2b: {  	s22 =	simm.s32 @!p0 $0x800;
	s20 =	sadd.s32 @!p0 s20, s8;
	s19 =	sand.u32 @!p0 $0x4000, s19  }
0x2c: {  	[tilespmem:s19], [sflag:$0x1] =	stream.strided.gather @!p0 [hbm4b:s20+s21], $0x4000, s22, s21, $0x38;
	[tilespmem:$0x10000] =	vst v63  }
0x2d: {  	p0 =	sge.u32 s31, s7  }
.Ltmp2:
0x2e: {  	_ = 	snop;
	(pc) =	sbr.rel @p0 .LBB1_5-.Ltmp2, $1  }
0x2f: {  	_ =	sdelay $0x3  }
0x30: {  	s19 =	sand.u32 $0x4000, s12  }
0x31: {  	s20 =	sor.u32 $0x40, s19  }
0x32: {  	v1 =	vmov s20;
	_ =	sdelay $0x1  }
0x33: {  	_ =	swait.ge [sflag:s6], $0x4000  }
0x34: {  	[sflag:s6] =	ssyncset.done $0x0  }
0x35: {  	[sflag:s6] =	ssyncadd.s32 $0xFFFFC000;
	s20 =	simm.s32 $0x0  }
0x36: {  	s19 =	sor.u32 $0x8070, s19;
	v7 =	vld.idx.msk [tilespmem:v1+s20+$0x30 ss:$0x1], $0xffff  }
0x37: {  	v0 =	vmov s19;
	v8 =	vld.idx.msk [tilespmem:v1+s20+$0xFFFFFFC0 ss:$0x1], $0xffff  }
0x38: {  	v6 =	vld.idx.msk [tilespmem:v1+s20+$0xFFFFFFD0 ss:$0x1], $0xffff  }
0x39: {  	v4 =	vld.idx.msk [tilespmem:v1+s20+$0xFFFFFFE0 ss:$0x1], $0xffff  }
0x3a: {  	v2 =	vld.idx.msk [tilespmem:v1+s20+$0xFFFFFFF0 ss:$0x1], $0xffff  }
0x3b: {  	s31 =	sshll.u32 s14, $0xE;
	v3 =	vld.idx.msk [tilespmem:v1+s20+$0x0 ss:$0x1], $0xffff  }
0x3c: {  	s19 =	sand.u32 $0x4000, s31;
	v5 =	vld.idx.msk [tilespmem:v1+s20+$0x10 ss:$0x1], $0xffff;
	[tilespmem:v0+s20+$0x0 ss:$0x1] =	vst.idx.msk $0xffff, v7  }
0x3d: {  	s21 =	simm.s32 $0x80;
	s22 =	simm.s32 $0x400;
	s19 =	sor.u32 $0x8000, s19;
	[tilespmem:v0+s20+$0xFFFFFF90 ss:$0x1] =	vst.idx.msk $0xffff, v8;
	v7 =	vld.idx.msk [tilespmem:v1+s20+$0x20 ss:$0x1], $0xffff  }
.LBB1_3:
0x3e: {  	p0 =	sne.s32 s22, $0xFE00;
	v8 =	vld.idx.msk [tilespmem:v1+s21+$0x30 ss:$0x1], $0xffff;
	[tilespmem:v0+s20+$0xFFFFFFA0 ss:$0x1] =	vst.idx.msk $0xffff, v6  }
0x3f: {  	v9 =	vld.idx.msk [tilespmem:v1+s21+$0xFFFFFFC0 ss:$0x1], $0xffff;
	[tilespmem:v0+s20+$0xFFFFFFB0 ss:$0x1] =	vst.idx.msk $0xffff, v4  }
0x40: {  	v6 =	vld.idx.msk [tilespmem:v1+s21+$0xFFFFFFD0 ss:$0x1], $0xffff;
	[tilespmem:v0+s20+$0xFFFFFFC0 ss:$0x1] =	vst.idx.msk $0xffff, v2  }
.Ltmp3:
0x41: {  	v4 =	vld.idx.msk [tilespmem:v1+s21+$0xFFFFFFE0 ss:$0x1], $0xffff;
	[tilespmem:v0+s20+$0xFFFFFFD0 ss:$0x1] =	vst.idx.msk $0xffff, v3;
	(pc) =	sbr.rel @p0 .LBB1_3-.Ltmp3, $4  }
0x42: {  	v2 =	vld.idx.msk [tilespmem:v1+s21+$0xFFFFFFF0 ss:$0x1], $0xffff;
	[tilespmem:v0+s20+$0xFFFFFFE0 ss:$0x1] =	vst.idx.msk $0xffff, v5  }
0x43: {  	v3 =	vld.idx.msk [tilespmem:v1+s21+$0x0 ss:$0x1], $0xffff;
	[tilespmem:v0+s20+$0xFFFFFFF0 ss:$0x1] =	vst.idx.msk $0xffff, v7;
	s20 =	smov.u32 s21  }
0x44: {  	v5 =	vld.idx.msk [tilespmem:v1+s20+$0x10 ss:$0x1], $0xffff;
	[tilespmem:v0+s20+$0x0 ss:$0x1] =	vst.idx.msk $0xffff, v8  }
0x45: {  	s21 =	sshra.s32 s22, $0x2;
	s22 =	sadd.s32 $0x200, s22;
	[tilespmem:v0+s20+$0xFFFFFF90 ss:$0x1] =	vst.idx.msk $0xffff, v9;
	v7 =	vld.idx.msk [tilespmem:v1+s20+$0x20 ss:$0x1], $0xffff  }
.Ltmp4:
0x46: {  	_ = 	snop;
	(pc) =	sbr.rel .LBB1_4-.Ltmp4, $1  }
0x47: {  	_ =	sdelay $0x3  }
.LBB1_6:
0x48: {  	_ =	sfence.sel $0x180000  }
0x49: {  	s2 =	simm.s32 $0x1;
	[bflag:$0x0] =	sbarrier.arrive $0xFFFF  }
0x4a: {  	s31 =	simm.s32 $0x2;
	[sflag:s2] =	ssyncpa.u1 $0x1  }
0x4b: {  	[sflag:s31] =	ssyncpa.u1 $0x1  }
0x4c: {  	p0 =	sne.s32 s0, $0x0;
	_ =	strace $0x90000047  }
0x4d: {  	s0 =	sadd.s32 @!p0 $0x100000, s1;
	[bflag:$0x2] =	sbarrier.arrive $0xFFFF  }
0x4e: {  	[sflag:s0] =	ssyncadd.tile.s32 @!p0 $0x1;
	_ =	shalt  }
.Lfunc_end1:
_tile_overlayer_lowered:
.L_overlay_start_2:
0x4f: {  	(tag) =	ssettag $0x2  }
0x50: {  	s0 =	rddreg [dreg:$0x0];
	s2 =	stileid.u32  }
0x51: {  	s1 =	rddreg [dreg:$0x1];
	p0 =	sne.s32 s2, $0x0  }
0x52: {  	s3 =	rddreg [dreg:$0x2];
	[bflag:$0x3] =	sbarrier.arrive $0xFFFF;
	s2 =	simm.s32 @!p0 $0x1C01  }
0x53: {  	[timem:s3], [sflag:s2] =	dma.local @!p0 [hbm:s0], s1  }
0x54: {  	s0 =	simm.s32 @!p0 $0x1  }
0x55: {  	_ =	swait.ge @!p0 [sflag:s0], s1  }
0x56: {  	s1 =	ssub.s32 @!p0 $0x0, s1;
	[sflag:s0] =	ssyncset.done @!p0 $0x0  }
0x57: {  	[sflag:s0] =	ssyncadd.s32 @!p0 s1  }
0x58: {  	[bflag:$0x3] =	sbarrier.arrive $0xFFFF  }
0x59: {  	_ =	shalt  }

// kernel: sparse-core-data-format-call.cloned.1.call-start
scs
called_computation_lowered:
.L_overlay_start_0:
0x0: {  	s1 =	sld [smem:$0x3FD9]  }
0x1: {  	s2 =	sld [smem:$0x3FFE];
	_ =	sdelay $0x1  }
0x2: {  	s3 =	srdreg.scid  }
0x3: {  	s0 =	sand.u32 $0x1, s3  }
0x4: {  	s17 =	sshll.u32 s0, $0xA;
	s1 =	sadd.s32 s2, s1  }
0x5: {  	s1 =	sadd.s32 s1, s17  }
0x6: {  	[smem:$0x3FB4] =	sst s1  }
0x7: {  	_ = 	snop  }
0x8: {  	(tm) =	ssettm $0x1  }
0x9: {  	s18 =	sld [smem:$0x3FFB];
	_ =	sdelay $0x3  }
0xa: {  	_ =	strace s18  }
0xb: {  	s1 =	sld [smem:$0x3FFC];
	_ =	sdelay $0x3  }
0xc: {  	_ =	strace s1  }
0xd: {  	s1 =	sld [smem:$0x3FFD];
	_ =	sdelay $0x3  }
0xe: {  	_ =	strace s1  }
0xf: {  	_ =	strace $0x8FFFFFFF  }
0x10: {  	s19 =	sld [smem:$0x3FDB];
	_ =	sdelay $0x1  }
0x11: {  	s20 =	simm.s32 $_scs_section_size  }
0x12: {  	s4 =	simm.s32 $_size__tile_overlayer_lowered;
	s5 =	simm.s32 $_tile_overlayer_lowered  }
0x13: {  	s23 =	simm.s32 $0x1BFF;
	s22 =	sshll.u32 s5, $0x1;
	s1 =	sadd.s32 s20, s19  }
0x14: {  	s6 =	simm.s32 $0x0;
	s21 =	sshll.u32 s4, $0x1;
	s4 =	sadd.s32 s22, s1  }
0x15: {  	[timem:s6], [sflag:s23] =	dma.local [hbm:s4], s21  }
0x16: {  	_ =	swait.ge [sflag:s23], s21  }
0x17: {  	s2 =	ssub.s32 $0x0, s21;
	[sflag:s23] =	ssyncset.done $0x0  }
0x18: {  	[sflag:s23] =	ssyncadd.s32 s2;
	_ =	sdelay $0x1  }
0x19: {  	s24 =	simm.s32 $0x1B8B  }
0x1a: {  	_ =	swait.ge [sflag:s24], $0x1  }
0x1b: {  	[sflag:s24] =	ssyncset.done $0x0  }
0x1c: {  	s26 =	simm.s32 $0x1B8E;
	s25 =	sld [smem:$0x3FFE];
	[sflag:s24] =	ssyncadd.s32 $0xFFFFFFFF  }
0x1d: {  	s27 =	simm.s32 $execute0_lowered;
	[smem:$0x3FD2] =	sst s26  }
0x1e: {  	s4 =	sshll.u32 s27, $0x1;
	_ =	strace $0x80000052;
	[dreg:$0x1] =	wrdreg $0xFFFFFFFF  }
0x1f: {  	s28 =	simm.s32 $_size_execute0_lowered;
	s1 =	sadd.s32 s1, s4;
	[dreg:$0x0] =	wrdreg $0x0  }
0x20: {  	s4 =	sshll.u32 s28, $0x1;
	[dreg:$0x2] =	wrdreg s1  }
0x21: {  	[dreg:$0x3] =	wrdreg s4  }
0x22: {  	[dreg:$0x4] =	wrdreg $0xC0  }
0x23: {  	_ =	task [dreg:s6], $0x5FFFF  }
0x24: {  	[dreg:$0x1] =	wrdreg $0xFFFFFFFF  }
0x25: {  	[dreg:$0x0] =	wrdreg $0x60  }
0x26: {  	[dreg:$0x2] =	wrdreg s25  }
0x27: {  	[dreg:$0x3] =	wrdreg $0x9  }
0x28: {  	_ =	task.clear_ibuf [dreg:s6], $0x4FFFF;
	_ =	strace $0x90000052  }
0x29: {  	s29 =	simm.s32 $0x9;
	_ =	strace $0x80000054  }
0x2a: {  	_ =	swait.ge [sflag:s29], $0x1  }
0x2b: {  	[sflag:s29] =	ssyncadd.s32 $0xFFFFFFFF  }
0x2c: {  	_ =	strace $0x90000054  }
0x2d: {  	_ =	sfence  }
0x2e: {  	s30 =	sld [smem:$0x0];
	_ =	sdelay $0x2  }
0x2f: {  	s31 =	sshll.u32 s3, $0xD;
	s3 =	sshrl.u32 s3, $0x2  }
0x30: {  	s2 =	sand.u32 $0x4000, s31;
	s1 =	sadd.s32 s3, s30  }
0x31: {  	s0 =	sor.u32 s2, s0;
	s1 =	sshll.u32 s1, $0x11  }
0x32: {  	s0 =	sor.u32 s1, s0  }
0x33: {  	s0 =	sadd.s32 $0x8F2B, s0  }
0x34: {  	[sflag:s0] =	ssyncadd.remote.s32 $0x1  }
0x35: {  	_ =	sfence.sel $0xFFFF  }
0x36: {  	[dreg:$0x0] =	wrdreg $0xFFFFFFFF;
	(pc) =	sbr.abs _section_cstart, $3  }
0x37: {  	[dreg:$0x1] =	wrdreg $0xFFFFFFFF  }
0x38: {  	_ =	task.clear_ibuf [dreg:s6], $0x2FFFF;
	_ =	strace $0x9FFFFFFF  }
0x39: {  	(tm) =	ssettm $0x7FFFFFFF  }
tec
execute0_lowered:
.L_overlay_start_1:
0x0: {  	(tag) =	ssettag $0x1  }
0x1: {  	s0 =	srdreg.scid  }
0x2: {  	s1 =	stileid.u32;
	s30 =	rddreg [dreg:$0x0];
	_ =	strace $0x80000053  }
0x3: {  	s2 =	simm.s32 $0x1;
	s31 =	simm.s32 $0x2;
	s9 =	simm.s32 $0x0  }
0x4: {  	p0 =	por $0x0, $0x0;
	s18 =	simm.s32 $0x0;
	s0 =	sshll.u32 s0, $0x4  }
0x5: {  	s19 =	simm.s32 $0x0;
	s10 =	simm.s32 $0x0;
	s0 =	sand.u32 $0x10, s0  }
0x6: {  	s11 =	simm.s32 $0x0;
	s7 =	sadd.s32 $0x158200, s30;
	s5 =	sor.u32 s1, s0  }
0x7: {  	s12 =	simm.s32 $0x0;
	[dreg:$0x4] =	wrdreg s7;
	s1 =	ssub.s32 $0x52, s5  }
.Ltmp0:
0x8: {  	s0 =	sadd.s32 $0x47B600, s30;
	s1 =	sshrl.u32 s1, $0x5;
	(pc) =	sbr.rel .LBB1_1-.Ltmp0, $4  }
0x9: {  	s13 =	simm.s32 $0x0;
	[dreg:$0x5] =	wrdreg s0;
	s6 =	smul.u32 $0x24, s1  }
0xa: {  	s15 =	simm.s32 $0x0;
	s16 =	simm.s32 $0x0;
	[dreg:$0x2] =	wrdreg s5  }
0xb: {  	[sflag:s2] =	ssyncpa.u1 $0x0;
	s8 =	sor.u32 $0x1, s6;
	[dreg:$0x3] =	wrdreg s6  }
0xc: {  	[sflag:s31] =	ssyncpa.u1 $0x0;
	s14 =	smov.u32 s5;
	[dreg:$0x6] =	wrdreg s8  }
.LBB1_11:
0xd: {  	p1 =	sgt.s32 s11, $0x37;
	s0 =	smov.u32 s11;
	s1 =	rddreg [dreg:$0xa]  }
0xe: {  	s25 =	rddreg [dreg:$0xb];
	s0 =	simm.s32 @!p1 $0x37  }
0xf: {  	s3 =	sand.u32 $0x1FFFFFF, s11;
	s4 =	rddreg [dreg:$0x8];
	s0 =	sadd.s32 s1, s0  }
0x10: {  	s27 =	rddreg [dreg:$0x9];
	s28 =	smul.u32 $0x1500, s12;
	s2 =	sadd.s32 $0xFFFFFFC9, s0  }
0x11: {  	s5 =	smul.u32 $0x380, s10;
	s0 =	ssub.s32 $0x38, s0;
	p1 =	sgt.s32 s2, $0x0  }
0x12: {  	s29 =	rddreg [dreg:$0x5];
	s26 =	smulhi.u32 $0x4924925, s3;
	s0 =	simm.s32 @p1 $0x0  }
0x13: {  	s6 =	rddreg [dreg:$0x3];
	s0 =	smul.u32 s0, s4  }
0x14: {  	s7 =	rddreg [dreg:$0x4];
	s2 =	smul.u32 $0x38, s26  }
0x15: {  	s30 =	simm.s32 $0x40;
	s8 =	rddreg [dreg:$0x6];
	s0 =	smul.u32 s27, s0  }
0x16: {  	s31 =	simm.s32 $0x3F000;
	s9 =	rddreg [dreg:$0x7];
	s1 =	smul.u32 $0x4100, s25  }
0x17: {  	s2 =	ssub.s32 s3, s2;
	s3 =	sadd.s32 s29, s28;
	s0 =	smul.u32 $0x2080, s0  }
0x18: {  	s1 =	sor.u32 $0x8000, s1;
	s2 =	sshll.u32 s2, $0x4;
	s3 =	sadd.s32 s5, s3  }
0x19: {  	s5 =	rddreg [dreg:$0x2];
	s2 =	sadd.s32 s2, s3;
	s0 =	sand.u32 $0x3FFFFF80, s0  }
0x1a: {  	[hbm4b:s2+s30] =	stream.strided.scatter [tilespmem:s1], [sflag:$0x2], s0, s31, s30, $0x18;
	[tilespmem:$0x10200] =	vst v63  }
.LBB1_12:
0x1b: {  	p1 =	slt.u32 s16, $0x2  }
0x1c: {  	p2 =	sgt.s32 @!p1 s19, $0x5  }
0x1d: {  	s0 =	smov.u32 s19;
	s1 =	sshra.s32 @!p1 s19, $0x1F;
	p2 =	por !p2, p1  }
0x1e: {  	s1 =	sand.u32 @!p1 s1, s19;
	s0 =	simm.s32 @p2 $0x5  }
0x1f: {  	s0 =	ssub.s32 @!p1 s0, s1  }
0x20: {  	s3 =	smov.u32 s9;
	p3 =	sgt.s32 @!p1 s18, $0x37;
	s1 =	sadd.s32 @!p1 $0xFFFFFFFB, s0  }
0x21: {  	p3 =	por !p3, p1;
	p2 =	sgt.s32 @!p1 s1, $0x0;
	s1 =	smov.u32 s18  }
0x22: {  	s2 =	sshra.s32 @!p1 s18, $0x1F;
	s1 =	simm.s32 @p3 $0x37;
	p3 =	sgt.s32 @!p1 s9, $0x5  }
0x23: {  	s4 =	sshra.s32 @!p1 s9, $0x1F;
	s2 =	sand.u32 @!p1 s2, s18;
	p3 =	por !p3, p1  }
0x24: {  	s4 =	sand.u32 @!p1 s4, s9;
	s1 =	ssub.s32 @!p1 s1, s2;
	s3 =	simm.s32 @p3 $0x5  }
0x25: {  	s0 =	ssub.s32 @!p1 $0x6, s0;
	s2 =	ssub.s32 @!p1 s3, s4;
	s3 =	sadd.s32 @!p1 $0xFFFFFFC9, s1  }
0x26: {  	s0 =	smul.u32 @!p1 $0x2080, s0;
	p2 =	por !p2, p1;
	p3 =	sgt.s32 @!p1 s3, $0x0  }
0x27: {  	s1 =	ssub.s32 @!p1 $0x38, s1;
	s4 =	sadd.s32 @!p1 $0xFFFFFFFB, s2;
	p3 =	por !p3, p1  }
0x28: {  	s0 =	simm.s32 @!p2 $0x0;
	s1 =	simm.s32 @!p3 $0x0;
	p3 =	sgt.s32 @!p1 s4, $0x0  }
0x29: {  	s2 =	ssub.s32 @!p1 $0x6, s2;
	p2 =	por !p3, p1;
	s0 =	smul.u32 @!p1 s1, s0  }
0x2a: {  	s3 =	smov.u32 s14;
	s1 =	sadd.s32 $0x1, s13;
	s2 =	simm.s32 @!p2 $0x0  }
0x2b: {  	p2 =	sgt.s32 s1, $0x5;
	s0 =	smul.u32 @!p1 s2, s0;
	s2 =	sadd.s32 $0x20, s14  }
0x2c: {  	s3 =	smov.u32 @p2 s2  }
0x2d: {  	s4 =	simm.s32 $0x1;
	p3 =	sgt.s32 s3, $0x32  }
0x2e: {  	s4 =	simm.s32 @!p3 $0x0  }
0x2f: {  	p0 =	por !p0, !p0;
	s19 =	smov.u32 s12;
	s4 =	sadd.s32 s4, s15  }
0x30: {  	s12 =	smov.u32 s15;
	s1 =	simm.s32 @p2 $0x0;
	p2 =	sgt.s32 s4, $0x5  }
0x31: {  	s18 =	smov.u32 s11;
	s4 =	simm.s32 @p2 $0x0;
	p2 =	sne.s32 s16, s8  }
.Ltmp1:
0x32: {  	s11 =	smov.u32 s14;
	s9 =	smov.u32 s10;
	(pc) =	sbr.rel @!p2 .LBB1_13-.Ltmp1, $4  }
0x33: {  	s10 =	smov.u32 s13;
	s2 =	simm.s32 @!p1 $0x2;
	s0 =	sand.u32 @!p1 $0x3FFFFF80, s0  }
0x34: {  	s13 =	smov.u32 s1;
	_ =	swait.ge @!p1 [sflag:s2], s0;
	s3 =	smov.u32 @p3 s5  }
0x35: {  	s0 =	ssub.s32 @!p1 $0x0, s0;
	[sflag:s2] =	ssyncset.done @!p1 $0x0;
	s14 =	smov.u32 s3  }
0x36: {  	[sflag:s2] =	ssyncadd.s32 @!p1 s0;
	s16 =	sadd.s32 $0x1, s16;
	s15 =	smov.u32 s4  }
.LBB1_1:
0x37: {  	p1 =	sge.u32 s16, s6  }
0x38: {  	p2 =	sgt.s32 @!p1 s15, $0x5  }
0x39: {  	s0 =	smov.u32 s15;
	s1 =	sshra.s32 @!p1 s15, $0x1F;
	p2 =	por !p2, p1  }
0x3a: {  	s2 =	smov.u32 s14;
	s1 =	sand.u32 @!p1 s1, s15;
	s0 =	simm.s32 @p2 $0x5  }
0x3b: {  	s3 =	sshra.s32 @!p1 s14, $0x1F;
	p2 =	sgt.s32 @!p1 s14, $0x32;
	s0 =	ssub.s32 @!p1 s0, s1  }
0x3c: {  	s4 =	sshra.s32 @!p1 s13, $0x1F;
	p3 =	por !p2, p1;
	s1 =	sadd.s32 @!p1 $0xFFFFFFFB, s0  }
0x3d: {  	s2 =	simm.s32 @p3 $0x32;
	s0 =	ssub.s32 @!p1 $0x6, s0;
	p3 =	sgt.s32 @!p1 s13, $0x5  }
0x3e: {  	p2 =	sgt.s32 @!p1 s1, $0x0;
	s1 =	sand.u32 @!p1 s3, s14;
	p3 =	por !p3, p1  }
0x3f: {  	s3 =	smov.u32 s13;
	s0 =	smul.u32 @!p1 $0xE000, s0;
	s1 =	ssub.s32 @!p1 s2, s1  }
0x40: {  	s3 =	simm.s32 @p3 $0x5;
	p2 =	por !p2, p1;
	s2 =	sadd.s32 @!p1 $0xFFFFFFCE, s1  }
0x41: {  	s1 =	ssub.s32 @!p1 $0x33, s1;
	p3 =	sgt.s32 @!p1 s2, $0x0;
	s2 =	sand.u32 @!p1 s4, s13  }
0x42: {  	s0 =	simm.s32 @!p2 $0x0;
	s2 =	ssub.s32 @!p1 s3, s2;
	p3 =	por !p3, p1  }
0x43: {  	s4 =	smul.u32 @!p1 $0x700, s13;
	s3 =	sadd.s32 @!p1 $0xFFFFFFFB, s2;
	s1 =	simm.s32 @!p3 $0x0  }
0x44: {  	p3 =	sgt.s32 @!p1 s3, $0x0;
	s0 =	smul.u32 @!p1 s1, s0  }
0x45: {  	s2 =	ssub.s32 @!p1 $0x6, s2;
	s1 =	smul.u32 @!p1 $0x85E00, s15;
	p2 =	por !p3, p1  }
0x46: {  	s31 =	sadd.s32 $0xFFFFFFFF, s16;
	s3 =	smul.u32 @!p1 $0x2A00, s14;
	s2 =	simm.s32 @!p2 $0x0  }
0x47: {  	s1 =	sadd.s32 @!p1 s7, s1;
	s0 =	smul.u32 @!p1 s2, s0;
	s2 =	sxor.u32 @!p1 $0xFFFFFFFF, s16  }
0x48: {  	s1 =	sadd.s32 @!p1 s3, s1;
	s3 =	simm.s32 @!p1 $0x0;
	s2 =	sshll.u32 @!p1 s2, $0xE  }
0x49: {  	s1 =	sadd.s32 @!p1 s4, s1;
	s2 =	sand.u32 @!p1 $0x4000, s2;
	s0 =	sshrl.u32 @!p1 s0, $0x2  }
0x4a: {  	[tilespmem:s2], [sflag:$0x1] =	stream.linear.gather @!p1 [hbm4b:s1+s3], s0, $0x38;
	[tilespmem:$0x10200] =	vst v63  }
0x4b: {  	p1 =	sge.u32 s31, s6  }
.Ltmp2:
0x4c: {  	_ = 	snop;
	(pc) =	sbr.rel @p1 .LBB1_12-.Ltmp2, $1  }
0x4d: {  	_ =	sdelay $0x3  }
0x4e: {  	p1 =	sgt.s32 s12, $0x5;
	s0 =	smov.u32 s12;
	s1 =	sshra.s32 s12, $0x1F  }
0x4f: {  	p2 =	sgt.s32 s10, $0x5;
	s28 =	sshra.s32 s10, $0x1F;
	s2 =	ssub.s32 $0x0, s11  }
0x50: {  	s3 =	sshra.s32 s11, $0x1F;
	s0 =	simm.s32 @!p1 $0x5;
	s1 =	sand.u32 s1, s12  }
0x51: {  	s4 =	smov.u32 s11;
	s2 =	sand.u32 s2, s3;
	s0 =	ssub.s32 s0, s1  }
0x52: {  	s1 =	sadd.s32 $0xFFFFFFFB, s0;
	s5 =	ssub.s32 $0x6, s0;
	s0 =	smov.u32 s10  }
0x53: {  	p1 =	sgt.s32 s1, $0x0;
	s0 =	simm.s32 @!p2 $0x5;
	s1 =	sand.u32 s28, s10  }
0x54: {  	[dreg:$0xa] =	wrdreg s2;
	p2 =	sgt.s32 s11, $0x32;
	s0 =	ssub.s32 s0, s1  }
0x55: {  	s4 =	simm.s32 @!p2 $0x32;
	s5 =	simm.s32 @p1 $0x0;
	s1 =	sadd.s32 $0xFFFFFFFB, s0  }
0x56: {  	s2 =	sadd.s32 s2, s4;
	p2 =	sgt.s32 s1, $0x0;
	s1 =	ssub.s32 $0x6, s0  }
0x57: {  	s29 =	sadd.s32 $0xFFFFFFCE, s2;
	s0 =	ssub.s32 $0x33, s2;
	s1 =	simm.s32 @p2 $0x0  }
0x58: {  	p1 =	sgt.s32 s29, $0x0;
	[dreg:$0x9] =	wrdreg s1;
	s1 =	smul.u32 s5, s1  }
0x59: {  	s0 =	simm.s32 @p1 $0x0  }
0x5a: {  	s0 =	smul.u32 s0, s1;
	s1 =	sadd.s32 $0x1, s12  }
0x5b: {  	s2 =	sadd.s32 $0x1, s11;
	p1 =	slt.s32 s1, $0x6  }
0x5c: {  	s1 =	simm.s32 @!p1 $0x6;
	p1 =	slt.s32 s2, $0x33  }
0x5d: {  	s23 =	ssub.s32 s1, s12;
	s2 =	simm.s32 @!p1 $0x33;
	s1 =	sadd.s32 $0x1, s10  }
0x5e: {  	s24 =	ssub.s32 s2, s11;
	p2 =	slt.s32 s1, $0x6;
	p1 =	slt.s32 s23, $0x1  }
0x5f: {  	s1 =	simm.s32 @!p2 $0x6;
	p2 =	slt.s32 @!p1 s24, $0x1  }
0x60: {  	s25 =	ssub.s32 s1, s10;
	p2 =	por p1, p2  }
0x61: {  	p3 =	slt.s32 @!p2 s25, $0x1  }
0x62: {  	s0 =	smul.u32 $0xE000, s0;
	p2 =	por p2, p3  }
.Ltmp3:
0x63: {  	[dreg:$0x7] =	wrdreg s9;
	(pc) =	sbr.rel @p2 .LBB1_11-.Ltmp3, $4  }
0x64: {  	s30 =	simm.s32 $0x1;
	[dreg:$0x8] =	wrdreg s5;
	s0 =	sshrl.u32 s0, $0x2  }
0x65: {  	_ =	swait.ge [sflag:s30], s0  }
0x66: {  	s31 =	sand.u32 $0x1, s16;
	s0 =	ssub.s32 $0x0, s0;
	[sflag:s30] =	ssyncset.done $0x0  }
0x67: {  	[dreg:$0xb] =	wrdreg s31;
	[sflag:s30] =	ssyncadd.s32 s0  }
0x68: {  	s0 =	simm.s32 $0x1  }
0x69: {  	s0 =	simm.s32 @!p0 $0x0  }
0x6a: {  	s0 =	smul.u32 $0x10400, s0;
	_ =	sdelay $0x1  }
0x6b: {  	s0 =	sshrl.u32 s0, $0x2  }
0x6c: {  	s27 =	sor.u32 $0x8000, s0;
	s0 =	rddreg [dreg:$0xb]  }
0x6d: {  	s29 =	simm.s32 $0x0;
	s28 =	sshll.u32 @!p1 s0, $0xE  }
.LBB1_4:
0x6e: {  	s30 =	simm.s32 $0x0;
	s31 =	simm.s32 $0x0  }
.LBB1_5:
0x6f: {  	s0 =	sand.u32 $0x7, s30  }
0x70: {  	s0 =	smul.u32 $0x104, s0;
	_ =	sdelay $0x1  }
0x71: {  	s8 =	simm.s32 $0x0;
	s0 =	sshrl.u32 s0, $0x2  }
0x72: {  	s9 =	simm.s32 $0x0;
	s1 =	sadd.s32 s0, s27;
	s0 =	sadd.s32 s29, s31  }
.LBB1_6:
0x73: {  	s2 =	sadd.s32 s9, s0  }
0x74: {  	s2 =	sshll.u32 s2, $0xE  }
0x75: {  	v0 =	vmov s2  }
0x76: {  	s22 =	sand.u32 $0x3800, s8  }
0x77: {  	s3 =	sand.u32 $0x300, s8;
	s2 =	sadd.s32 s22, s28  }
0x78: {  	s4 =	sand.u32 $0x80, s8;
	s3 =	sadd.s32 s3, s2  }
0x79: {  	s7 =	sadd.s32 s4, s3  }
0x7a: {  	v6 =	vld.idx.msk [tilespmem:v0+s7+$0x70 ss:$0x1], $0xffff  }
0x7b: {  	v4 =	vld.idx.msk [tilespmem:v0+s7+$0x0 ss:$0x1], $0xffff  }
0x7c: {  	v3 =	vld.idx.msk [tilespmem:v0+s7+$0x10 ss:$0x1], $0xffff  }
0x7d: {  	s26 =	sand.u32 $0x380, s8;
	s6 =	simm.s32 $0x80;
	v1 =	vld.idx.msk [tilespmem:v0+s7+$0x20 ss:$0x1], $0xffff  }
0x7e: {  	s5 =	sadd.s32 $0x0, s1;
	s22 =	simm.s32 $0x8;
	s4 =	simm.s32 $0x100;
	v2 =	vld.idx.msk [tilespmem:v0+s7+$0x30 ss:$0x1], $0xffff  }
0x7f: {  	s2 =	sadd.s32 s26, s2;
	s3 =	simm.s32 $0x4;
	s26 =	sand.u32 $0x3800, s4;
	v5 =	vld.idx.msk [tilespmem:v0+s7+$0x40 ss:$0x1], $0xffff  }
.LBB1_7:
0x80: {  	p1 =	sne.s32 s22, $0xC8;
	s20 =	sand.u32 $0x300, s6;
	s26 =	sadd.s32 s26, s28;
	v7 =	vld.idx.msk [tilespmem:v0+s7+$0x50 ss:$0x1], $0xffff;
	[tilespmem:s5+$0x1C70 ss:$0x41] =	vst.msk $0xffff, v6  }
0x81: {  	s21 =	sand.u32 $0x380, s6;
	s17 =	sand.u32 $0x80, s6;
	s20 =	sadd.s32 s20, s26;
	[tilespmem:s5+$0x0 ss:$0x41] =	vst.msk $0xffff, v4;
	v8 =	vld.idx.msk [tilespmem:v0+s7+$0x60 ss:$0x1], $0xffff  }
0x82: {  	s7 =	sadd.s32 s17, s20;
	[tilespmem:s5+$0x410 ss:$0x41] =	vst.msk $0xffff, v3;
	v9 =	vld.idx.msk [tilespmem:v0+s2+$0x400 ss:$0x1], $0xffff;
	s2 =	sadd.s32 s21, s26;
	s17 =	smov.u32 s3  }
0x83: {  	s3 =	smov.u32 s22;
	v6 =	vld.idx.msk [tilespmem:v0+s7+$0x70 ss:$0x1], $0xffff;
	[tilespmem:s5+$0x820 ss:$0x41] =	vst.msk $0xffff, v1  }
.Ltmp4:
0x84: {  	v4 =	vld.idx.msk [tilespmem:v0+s7+$0x0 ss:$0x1], $0xffff;
	[tilespmem:s5+$0xC30 ss:$0x41] =	vst.msk $0xffff, v2;
	(pc) =	sbr.rel @p1 .LBB1_7-.Ltmp4, $4  }
0x85: {  	v3 =	vld.idx.msk [tilespmem:v0+s7+$0x10 ss:$0x1], $0xffff;
	[tilespmem:s5+$0x1040 ss:$0x41] =	vst.msk $0xffff, v5  }
0x86: {  	v1 =	vld.idx.msk [tilespmem:v0+s7+$0x20 ss:$0x1], $0xffff;
	[tilespmem:s5+$0x1450 ss:$0x41] =	vst.msk $0xffff, v7  }
0x87: {  	s6 =	sadd.s32 $0x80, s6;
	s4 =	sadd.s32 $0x100, s4;
	s17 =	sshra.s32 s17, $0x2;
	v2 =	vld.idx.msk [tilespmem:v0+s7+$0x30 ss:$0x1], $0xffff;
	[tilespmem:s5+$0x1860 ss:$0x41] =	vst.msk $0xffff, v8  }
0x88: {  	s26 =	sand.u32 $0x3800, s4;
	s22 =	sadd.s32 $0x4, s22;
	v5 =	vld.idx.msk [tilespmem:v0+s7+$0x40 ss:$0x1], $0xffff;
	[tilespmem:s5+$0x2080 ss:$0x41] =	vst.msk $0xffff, v9;
	s5 =	sadd.s32 s17, s1  }
0x89: {  	_ =	sdelay $0x2  }
0x8a: {  	[tilespmem:s5+$0x1C70 ss:$0x41] =	vst.msk $0xffff, v6  }
0x8b: {  	s4 =	sand.u32 $0x300, s6;
	v52 =	vld.idx.msk [tilespmem:v0+s7+$0x50 ss:$0x1], $0xffff;
	[tilespmem:s5+$0x0 ss:$0x41] =	vst.msk $0xffff, v4  }
0x8c: {  	s17 =	sadd.s32 s26, s28;
	s20 =	sand.u32 $0x80, s6;
	v53 =	vld.idx.msk [tilespmem:v0+s7+$0x60 ss:$0x1], $0xffff;
	s26 =	sand.u32 $0x380, s6;
	[tilespmem:s5+$0x410 ss:$0x41] =	vst.msk $0xffff, v3  }
0x8d: {  	v54 =	vld.idx.msk [tilespmem:v0+s2+$0x400 ss:$0x1], $0xffff;
	s22 =	sshra.s32 s3, $0x2;
	s4 =	sadd.s32 s4, s17;
	s3 =	sadd.s32 s26, s17;
	[tilespmem:s5+$0x820 ss:$0x41] =	vst.msk $0xffff, v1  }
0x8e: {  	s4 =	sadd.s32 s20, s4;
	v63 =	vld.idx.msk [tilespmem:v0+s3+$0x400 ss:$0x1], $0xffff;
	[tilespmem:s5+$0xC30 ss:$0x41] =	vst.msk $0xffff, v2  }
0x8f: {  	v55 =	vld.idx.msk [tilespmem:v0+s4+$0x70 ss:$0x1], $0xffff;
	[tilespmem:s5+$0x1040 ss:$0x41] =	vst.msk $0xffff, v5  }
0x90: {  	v56 =	vld.idx.msk [tilespmem:v0+s4+$0x0 ss:$0x1], $0xffff;
	[tilespmem:s5+$0x1450 ss:$0x41] =	vst.msk $0xffff, v52  }
0x91: {  	v57 =	vld.idx.msk [tilespmem:v0+s4+$0x10 ss:$0x1], $0xffff;
	[tilespmem:s5+$0x1860 ss:$0x41] =	vst.msk $0xffff, v53  }
0x92: {  	s2 =	sadd.s32 s22, s1;
	v58 =	vld.idx.msk [tilespmem:v0+s4+$0x20 ss:$0x1], $0xffff;
	[tilespmem:s5+$0x2080 ss:$0x41] =	vst.msk $0xffff, v54  }
0x93: {  	v59 =	vld.idx.msk [tilespmem:v0+s4+$0x30 ss:$0x1], $0xffff;
	[tilespmem:s2+$0x2080 ss:$0x41] =	vst.msk $0xffff, v63  }
0x94: {  	v60 =	vld.idx.msk [tilespmem:v0+s4+$0x40 ss:$0x1], $0xffff;
	[tilespmem:s2+$0x1C70 ss:$0x41] =	vst.msk $0xffff, v55  }
0x95: {  	s9 =	sadd.s32 $0x1, s9;
	v61 =	vld.idx.msk [tilespmem:v0+s4+$0x50 ss:$0x1], $0xffff;
	[tilespmem:s2+$0x0 ss:$0x41] =	vst.msk $0xffff, v56  }
0x96: {  	p1 =	sne.s32 s9, s25;
	v62 =	vld.idx.msk [tilespmem:v0+s4+$0x60 ss:$0x1], $0xffff;
	[tilespmem:s2+$0x410 ss:$0x41] =	vst.msk $0xffff, v57  }
.Ltmp5:
0x97: {  	[tilespmem:s2+$0x820 ss:$0x41] =	vst.msk $0xffff, v58;
	(pc) =	sbr.rel @p1 .LBB1_6-.Ltmp5, $4  }
0x98: {  	[tilespmem:s2+$0xC30 ss:$0x41] =	vst.msk $0xffff, v59  }
0x99: {  	[tilespmem:s2+$0x1040 ss:$0x41] =	vst.msk $0xffff, v60  }
0x9a: {  	[tilespmem:s2+$0x1450 ss:$0x41] =	vst.msk $0xffff, v61  }
0x9b: {  	s1 =	sadd.s32 $0x41, s1;
	[tilespmem:s2+$0x1860 ss:$0x41] =	vst.msk $0xffff, v62  }
0x9c: {  	s31 =	sadd.s32 $0x1, s31  }
0x9d: {  	p1 =	sne.s32 s31, s24  }
.Ltmp6:
0x9e: {  	_ = 	snop;
	(pc) =	sbr.rel @p1 .LBB1_5-.Ltmp6, $2  }
0x9f: {  	_ =	sdelay $0x2  }
0xa0: {  	s30 =	sadd.s32 $0x1, s30  }
0xa1: {  	s29 =	sadd.s32 $0x1, s29  }
0xa2: {  	p1 =	sne.s32 s29, s23  }
.Ltmp7:
0xa3: {  	_ = 	snop;
	(pc) =	sbr.rel @p1 .LBB1_4-.Ltmp7, $4  }
.Ltmp8:
0xa4: {  	_ = 	snop;
	(pc) =	sbr.rel @!p1 .LBB1_11-.Ltmp8, $4  }
0xa5: {  	_ = 	snop  }
0xa6: {  	_ = 	snop  }
0xa7: {  	s27 =	sadd.s32 $0x41, s27  }
0xa8: {  	_ = 	snop  }
.LBB1_13:
0xa9: {  	_ =	sfence.sel $0x180000  }
0xaa: {  	s0 =	simm.s32 $0x1;
	[bflag:$0x0] =	sbarrier.arrive $0xFFFF  }
0xab: {  	s30 =	simm.s32 $0x2;
	[sflag:s0] =	ssyncpa.u1 $0x1  }
0xac: {  	[sflag:s30] =	ssyncpa.u1 $0x1  }
0xad: {  	_ =	strace $0x90000053  }
0xae: {  	s31 =	stileid.u32;
	[bflag:$0x2] =	sbarrier.arrive $0xFFFF  }
0xaf: {  	p0 =	sne.s32 s31, $0x0;
	s0 =	rddreg [dreg:$0x1]  }
0xb0: {  	s0 =	sadd.s32 @!p0 $0x100000, s0  }
0xb1: {  	[sflag:s0] =	ssyncadd.tile.s32 @!p0 $0x1;
	_ =	shalt  }
.Lfunc_end1:
_tile_overlayer_lowered:
.L_overlay_start_2:
0xb2: {  	(tag) =	ssettag $0x2  }
0xb3: {  	s0 =	rddreg [dreg:$0x0];
	s2 =	stileid.u32  }
0xb4: {  	s1 =	rddreg [dreg:$0x1];
	p0 =	sne.s32 s2, $0x0  }
0xb5: {  	s3 =	rddreg [dreg:$0x2];
	[bflag:$0x3] =	sbarrier.arrive $0xFFFF;
	s2 =	simm.s32 @!p0 $0x1C01  }
0xb6: {  	[timem:s3], [sflag:s2] =	dma.local @!p0 [hbm:s0], s1  }
0xb7: {  	s0 =	simm.s32 @!p0 $0x1  }
0xb8: {  	_ =	swait.ge @!p0 [sflag:s0], s1  }
0xb9: {  	s1 =	ssub.s32 @!p0 $0x0, s1;
	[sflag:s0] =	ssyncset.done @!p0 $0x0  }
0xba: {  	[sflag:s0] =	ssyncadd.s32 @!p0 s1  }
0xbb: {  	[bflag:$0x3] =	sbarrier.arrive $0xFFFF  }
0xbc: {  	_ =	shalt  }

</sc_bundles>
